<compile_context>
chip_gen: v7x
topology: tpu7x:2x2x1
jax: 0.10.2.dev20260603
libtpu: 0.0.44.dev20260713+nightly
codegen_flags: <defaults>
</compile_context>

<pallas_src>
import functools

import jax
import jax.numpy as jnp
from jax import lax
from jax.experimental import pallas as pl
from jax.experimental.pallas import tpu as pltpu
from jax.experimental.pallas import tpu_sc as plsc

N = 10000
E = 320000
D_IN = 128
D_HID = 16
D_OUT = 64

NC = 2
NS = 16
NW = NC * NS
CHUNK = 128
NROWS = E // CHUNK
ROWS_PER = 80
NROWS_PAD = ROWS_PER * NW
NPAD = 10240
TSLICE = NPAD // NS
RB = NPAD // 8
PR = NPAD // 8
PBR = RB // 8

_mesh = plsc.VectorSubcoreMesh(core_axis_name="c", subcore_axis_name="s")


def _worker_id():
    return lax.axis_index("s") * NC + lax.axis_index("c")


@functools.partial(
    pl.kernel,
    mesh=_mesh,
    out_type=jax.ShapeDtypeStruct((NC, NPAD, D_HID), jnp.float32),
    compiler_params=pltpu.CompilerParams(use_tc_tiling_on_sc=False),
    scratch_types=[
        pltpu.VMEM((ROWS_PER, CHUNK), jnp.int32),
        pltpu.VMEM((ROWS_PER, CHUNK), jnp.int32),
        [pltpu.VMEM((CHUNK, D_HID), jnp.float32) for _ in range(4)],
        [pltpu.SemaphoreType.DMA for _ in range(4)],
        [pltpu.SemaphoreType.DMA for _ in range(4)],
        pltpu.VMEM_SHARED((NPAD, D_HID), jnp.float32),
    ],
)
def _sc_agg(table_h, edges_h, zeros_h, out_h,
            ridx_v, cidx_v, rows, gsem, ssem, acc):
    c = lax.axis_index("c")
    s = lax.axis_index("s")
    w = _worker_id()
    pltpu.sync_copy(zeros_h.at[pl.ds(s * TSLICE, TSLICE)],
                    acc.at[pl.ds(s * TSLICE, TSLICE)])
    base = w * ROWS_PER
    trips = jnp.minimum(NROWS - base, ROWS_PER)
    cpr = pltpu.async_copy(edges_h.at[0, pl.ds(base, ROWS_PER)], ridx_v,
                           gsem[0])
    cpc = pltpu.async_copy(edges_h.at[1, pl.ds(base, ROWS_PER)], cidx_v,
                           gsem[1])
    cpr.wait()
    cpc.wait()
    plsc.subcore_barrier()

    def g_start(t, b):
        pltpu.async_copy(table_h.at[ridx_v.at[t]], rows[b], gsem[b])

    def g_wait(t, b):
        pltpu.make_async_copy(table_h.at[ridx_v.at[t]], rows[b],
                              gsem[b]).wait()

    def s_start(t, b):
        pltpu.async_copy(rows[b], acc.at[cidx_v.at[t]], ssem[b], add=True)

    def s_wait(t, b):
        pltpu.make_async_copy(rows[b], acc.at[cidx_v.at[t]], ssem[b]).wait()

    g_start(0, 0)
    g_start(1, 1)

    def quad(tt, carry):
        for k in range(4):
            t = 4 * tt + k
            b = k
            b2 = (k + 2) % 4

            @pl.when(t < trips)
            def _(t=t, b=b, b2=b2):
                g_wait(t, b)
                s_start(t, b)
                t2 = t + 2

                @pl.when(t2 < trips)
                def _():
                    @pl.when(t2 >= 4)
                    def _():
                        s_wait(t2 - 4, b2)
                    g_start(t2, b2)

        return carry

    lax.fori_loop(0, ROWS_PER // 4, quad, 0)
    for b in range(4):
        s_wait(0, b)
    plsc.subcore_barrier()
    pltpu.sync_copy(acc.at[pl.ds(s * TSLICE, TSLICE)],
                    out_h.at[c, pl.ds(s * TSLICE, TSLICE)])


@functools.partial(
    pl.kernel,
    mesh=_mesh,
    out_type=jax.ShapeDtypeStruct((NC, NPAD, D_HID), jnp.float32),
    compiler_params=pltpu.CompilerParams(use_tc_tiling_on_sc=False),
    scratch_types=[
        pltpu.VMEM((ROWS_PER, CHUNK), jnp.int32),
        pltpu.VMEM((CHUNK, D_HID), jnp.float32),
        [pltpu.SemaphoreType.DMA for _ in range(4)],
        pltpu.SemaphoreType.DMA,
        pltpu.VMEM_SHARED((NPAD, D_HID), jnp.float32),
    ],
)
def _sc_deg(edges_h, ones_h, zeros_h, out_h, cidx_v, ones_v, ssem, isem, acc):
    c = lax.axis_index("c")
    s = lax.axis_index("s")
    w = _worker_id()
    pltpu.sync_copy(zeros_h.at[pl.ds(s * TSLICE, TSLICE)],
                    acc.at[pl.ds(s * TSLICE, TSLICE)])
    pltpu.sync_copy(ones_h, ones_v)
    base = w * ROWS_PER
    trips = jnp.minimum(NROWS - base, ROWS_PER)
    pltpu.async_copy(edges_h.at[1, pl.ds(base, ROWS_PER)], cidx_v,
                     isem).wait()
    plsc.subcore_barrier()

    def s_start(t, b):
        pltpu.async_copy(ones_v, acc.at[cidx_v.at[t]], ssem[b], add=True)

    def s_wait(t, b):
        pltpu.make_async_copy(ones_v, acc.at[cidx_v.at[t]], ssem[b]).wait()

    def quad(tt, carry):
        for k in range(4):
            t = 4 * tt + k
            b = k

            @pl.when(t < trips)
            def _(t=t, b=b):
                @pl.when(t >= 4)
                def _():
                    s_wait(t - 4, b)
                s_start(t, b)

        return carry

    lax.fori_loop(0, ROWS_PER // 4, quad, 0)
    for b in range(4):
        s_wait(0, b)
    plsc.subcore_barrier()
    pltpu.sync_copy(acc.at[pl.ds(s * TSLICE, TSLICE)],
                    out_h.at[c, pl.ds(s * TSLICE, TSLICE)])


def _tc1a_body(x_ref, w1_ref, b1_ref, h_ref):
    hs = []
    for j in range(8):
        hj = jnp.dot(x_ref[:, j, :], w1_ref[...],
                     preferred_element_type=jnp.float32,
                     precision=lax.Precision.HIGHEST)
        hs.append(hj + b1_ref[0, :][None, :])
    h_ref[...] = jnp.concatenate(hs, axis=1)


def _tc1b_body(h_ref, deg_ref, h1p_ref, dis_ref):
    dp = deg_ref[0] + deg_ref[1] + 1.0
    dis_p = lax.rsqrt(dp)
    h1p_ref[...] = h_ref[...] * dis_p
    dis_ref[...] = dis_p


def _tc2_body(agg_ref, h1p_ref, dis_ref, out_ref):
    a = agg_ref[0] + agg_ref[1] + h1p_ref[...]
    r = jnp.maximum(a * dis_ref[...], 0.0)
    out_ref[...] = r * dis_ref[...]


def _tc3_body(agg_ref, r1p_ref, dis_ref, w2_ref, b2_ref, out_ref):
    ap = (agg_ref[0] + agg_ref[1] + r1p_ref[...]) * dis_ref[...]
    zs = []
    for j in range(8):
        aj = ap[:, 16 * j:16 * j + 16]
        z = jnp.dot(aj, w2_ref[...],
                    preferred_element_type=jnp.float32,
                    precision=lax.Precision.HIGHEST)
        z = z + b2_ref[0, :][None, :]
        m = jnp.max(z, axis=1, keepdims=True)
        lse = jnp.log(jnp.sum(jnp.exp(z - m), axis=1, keepdims=True)) + m
        zs.append(z - lse)
    out_ref[...] = jnp.concatenate(zs, axis=1)


def kernel(x, edge_index, W1, b1, W2, b2):
    f32 = jnp.float32
    edges3 = jnp.concatenate(
        [edge_index.reshape(2, NROWS, CHUNK),
         jnp.zeros((2, NROWS_PAD - NROWS, CHUNK), jnp.int32)], axis=1)
    x_pad = jnp.zeros((NPAD, D_IN), f32).at[:N].set(x)
    zeros_nd = jnp.zeros((NPAD, D_HID), f32)
    ones_ch = jnp.ones((CHUNK, D_HID), f32)

    h_p = pl.pallas_call(
        _tc1a_body,
        grid=(8,),
        in_specs=[
            pl.BlockSpec((PBR, 8, D_IN), lambda i: (i, 0, 0)),
            pl.BlockSpec((D_IN, D_HID), lambda i: (0, 0)),
            pl.BlockSpec((1, D_HID), lambda i: (0, 0)),
        ],
        out_specs=pl.BlockSpec((PBR, 128), lambda i: (i, 0)),
        out_shape=jax.ShapeDtypeStruct((PR, 128), f32),
    )(x_pad.reshape(PR, 8, D_IN), W1, b1.reshape(1, D_HID))

    deg_parts = _sc_deg(edges3, ones_ch, zeros_nd)

    h1p, dis = pl.pallas_call(
        _tc1b_body,
        grid=(8,),
        in_specs=[
            pl.BlockSpec((PBR, 128), lambda i: (i, 0)),
            pl.BlockSpec((NC, PBR, 128), lambda i: (0, i, 0)),
        ],
        out_specs=[
            pl.BlockSpec((PBR, 128), lambda i: (i, 0)),
            pl.BlockSpec((PBR, 128), lambda i: (i, 0)),
        ],
        out_shape=[
            jax.ShapeDtypeStruct((PR, 128), f32),
            jax.ShapeDtypeStruct((PR, 128), f32),
        ],
    )(h_p, deg_parts.reshape(NC, PR, 128))

    agg1 = _sc_agg(h1p.reshape(NPAD, D_HID), edges3, zeros_nd)

    r1p = pl.pallas_call(
        _tc2_body,
        grid=(8,),
        in_specs=[
            pl.BlockSpec((NC, PBR, 128), lambda i: (0, i, 0)),
            pl.BlockSpec((PBR, 128), lambda i: (i, 0)),
            pl.BlockSpec((PBR, 128), lambda i: (i, 0)),
        ],
        out_specs=pl.BlockSpec((PBR, 128), lambda i: (i, 0)),
        out_shape=jax.ShapeDtypeStruct((PR, 128), f32),
    )(agg1.reshape(NC, PR, 128), h1p, dis)

    agg2 = _sc_agg(r1p.reshape(NPAD, D_HID), edges3, zeros_nd)

    out = pl.pallas_call(
        _tc3_body,
        grid=(8,),
        in_specs=[
            pl.BlockSpec((NC, PBR, 128), lambda i: (0, i, 0)),
            pl.BlockSpec((PBR, 128), lambda i: (i, 0)),
            pl.BlockSpec((PBR, 128), lambda i: (i, 0)),
            pl.BlockSpec((D_HID, D_OUT), lambda i: (0, 0)),
            pl.BlockSpec((1, D_OUT), lambda i: (0, 0)),
        ],
        out_specs=pl.BlockSpec((PBR, 8 * D_OUT), lambda i: (i, 0)),
        out_shape=jax.ShapeDtypeStruct((PR, 8 * D_OUT), f32),
    )(agg2.reshape(NC, PR, 128), r1p, dis, W2, b2.reshape(1, D_OUT))

    return out[:N // 8].reshape(N, D_OUT)

# --- scband reference (transcript-rebuilt; emitter-appended) ---
"""Pipeline reference for scband-encoding-net-84902913507381 (READ-ONLY COPY).

The authoritative reference and input builder live on the scoring server;
editing this copy changes nothing except your own understanding.
"""

import jax, jax.numpy as jnp
import numpy as np

N = 10000
E = 320000
D_IN = 128
D_HID = 16
D_OUT = 64


def setup_inputs(seed: int = 0) -> dict:
    key = jax.random.key(seed)
    k1, k2, k3, k4 = jax.random.split(key, 4)
    x = jax.random.normal(k1, (N, D_IN), dtype=jnp.float32)
    edge_index = jax.random.randint(k2, (2, E), 0, N, dtype=jnp.int32)
    W1 = jax.random.normal(k3, (D_IN, D_HID), dtype=jnp.float32) * 0.1
    b1 = jnp.zeros((D_HID,), dtype=jnp.float32)
    W2 = jax.random.normal(k4, (D_HID, D_OUT), dtype=jnp.float32) * 0.1
    b2 = jnp.zeros((D_OUT,), dtype=jnp.float32)
    return {"x": x, "edge_index": edge_index, "W1": W1, "b1": b1, "W2": W2, "b2": b2}


def _gcn_conv(h_in, edge_index, W, b, n):
    # linear transform
    h = h_in @ W + b
    row = edge_index[0]
    col = edge_index[1]
    # add self-loops (standard GCNConv behavior)
    loop = jnp.arange(n, dtype=row.dtype)
    row = jnp.concatenate([row, loop])
    col = jnp.concatenate([col, loop])
    # symmetric normalization: deg^{-1/2}[row] * deg^{-1/2}[col]
    deg = jnp.zeros((n,), dtype=h.dtype).at[col].add(1.0)
    dis = jnp.where(deg > 0, jax.lax.rsqrt(jnp.maximum(deg, 1e-12)), 0.0)
    norm = dis[row] * dis[col]
    # gather source features, scale, scatter-add to destinations
    msg = h[row] * norm[:, None]
    out = jnp.zeros((n, h.shape[1]), dtype=h.dtype).at[col].add(msg)
    return out


def reference(x, edge_index, W1, b1, W2, b2):
    n = x.shape[0]
    h = _gcn_conv(x, edge_index, W1, b1, n)
    h = jax.nn.relu(h)
    # dropout is identity in eval mode
    out = _gcn_conv(h, edge_index, W2, b2, n)
    return jax.nn.log_softmax(out, axis=1)

if __name__ == "__main__":
    import jax
    _d = setup_inputs()
    print(jax.jit(kernel)(*tuple(_d.values())))

</pallas_src>

<mosaic_0001>
#map = affine_map<(d0, d1) -> (0, 0)>
#map1 = affine_map<(d0, d1) -> (0, 0, 0)>
module attributes {stable_mosaic.version = 14 : i64} {
  func.func @_sc_agg(%arg0: i32, %arg1: i32, %arg2: memref<10240x16xf32, #tpu.memory_space<hbm>>, %arg3: memref<2x2560x128xi32, #tpu.memory_space<hbm>>, %arg4: memref<10240x16xf32, #tpu.memory_space<hbm>>, %arg5: memref<2x10240x16xf32, #tpu.memory_space<hbm>>, %arg6: memref<80x128xi32, #tpu.memory_space<vmem>>, %arg7: memref<80x128xi32, #tpu.memory_space<vmem>>, %arg8: memref<128x16xf32, #tpu.memory_space<vmem>>, %arg9: memref<128x16xf32, #tpu.memory_space<vmem>>, %arg10: memref<128x16xf32, #tpu.memory_space<vmem>>, %arg11: memref<128x16xf32, #tpu.memory_space<vmem>>, %arg12: memref<!tpu.dma_semaphore, #tpu.memory_space<semaphore_mem>>, %arg13: memref<!tpu.dma_semaphore, #tpu.memory_space<semaphore_mem>>, %arg14: memref<!tpu.dma_semaphore, #tpu.memory_space<semaphore_mem>>, %arg15: memref<!tpu.dma_semaphore, #tpu.memory_space<semaphore_mem>>, %arg16: memref<!tpu.dma_semaphore, #tpu.memory_space<semaphore_mem>>, %arg17: memref<!tpu.dma_semaphore, #tpu.memory_space<semaphore_mem>>, %arg18: memref<!tpu.dma_semaphore, #tpu.memory_space<semaphore_mem>>, %arg19: memref<!tpu.dma_semaphore, #tpu.memory_space<semaphore_mem>>, %arg20: memref<10240x16xf32, #tpu.memory_space<vmem_shared>>) attributes {dimension_semantics = [#tpu.dimension_semantics<core_parallel>, #tpu.dimension_semantics<subcore_parallel>], iteration_bounds = array<i64: 2, 16>, scalar_prefetch = 0 : i64, scratch_operands = 15 : i64, tpu.core_type = #tpu.core_type<sc_vector_subcore>, window_params = [{transform_indices = #map}, {transform_indices = #map1}, {transform_indices = #map}, {transform_indices = #map1}]} {
    %mul3A = arith.constant 2 : i32
    %mul3A_0 = arith.muli %arg1, %mul3A : i32
    %add3A = arith.addi %mul3A_0, %arg0 : i32
    %mul3A_1 = arith.constant 640 : i32
    %mul3A_2 = arith.muli %arg1, %mul3A_1 : i32
    %mul3A_3 = arith.constant 640 : i32
    %mul3A_4 = arith.muli %arg1, %mul3A_3 : i32
    "tpu.region"() ({
      %run_scoped3A = tpu.sem_alloc : memref<!tpu.dma_semaphore, #tpu.memory_space<semaphore_mem>>
      %dma_start3A_87 = arith.constant 0 : i32
      %dma_start3A_88 = tpu.memref_slice %arg20[%mul3A_4, %dma_start3A_87] : memref<10240x16xf32, #tpu.memory_space<vmem_shared>> -> memref<640x16xf32, #tpu.memory_space<vmem_shared>>
      %dma_start3A_89 = arith.constant 0 : i32
      %dma_start3A_90 = tpu.memref_slice %arg4[%mul3A_2, %dma_start3A_89] : memref<10240x16xf32, #tpu.memory_space<hbm>> -> memref<640x16xf32, #tpu.memory_space<hbm>>
      tpu.enqueue_dma source(%dma_start3A_90 : memref<640x16xf32, #tpu.memory_space<hbm>>) target(%dma_start3A_88 : memref<640x16xf32, #tpu.memory_space<vmem_shared>>) target_semaphore(%run_scoped3A : memref<!tpu.dma_semaphore, #tpu.memory_space<semaphore_mem>>)
      %dma_wait3A_91 = arith.constant 0 : i32
      %dma_wait3A_92 = tpu.memref_slice %arg20[%mul3A_4, %dma_wait3A_91] : memref<10240x16xf32, #tpu.memory_space<vmem_shared>> -> memref<640x16xf32, #tpu.memory_space<vmem_shared>>
      %dma_wait3A_93 = arith.constant 0 : i32
      %dma_wait3A_94 = tpu.memref_slice %arg4[%mul3A_2, %dma_wait3A_93] : memref<10240x16xf32, #tpu.memory_space<hbm>> -> memref<640x16xf32, #tpu.memory_space<hbm>>
      tpu.wait_dma2 semaphore(%run_scoped3A : memref<!tpu.dma_semaphore, #tpu.memory_space<semaphore_mem>>) src(%dma_wait3A_94 : memref<640x16xf32, #tpu.memory_space<hbm>>) dst(%dma_wait3A_92 : memref<640x16xf32, #tpu.memory_space<vmem_shared>>)
      tpu.yield
    }) : () -> ()
    %mul3A_5 = arith.constant 80 : i32
    %mul3A_6 = arith.muli %add3A, %mul3A_5 : i32
    %sub3A = arith.constant 2500 : i32
    %sub3A_7 = arith.subi %sub3A, %mul3A_6 : i32
    %min3A = arith.constant 80 : i32
    %min3A_8 = arith.minsi %sub3A_7, %min3A : i32
    %dma_start3A = arith.constant 0 : i32
    %dma_start3A_9 = arith.constant 0 : i32
    %dma_start3A_10 = tpu.memref_slice %arg3[%dma_start3A, %mul3A_6, %dma_start3A_9] : memref<2x2560x128xi32, #tpu.memory_space<hbm>> -> memref<1x80x128xi32, #tpu.memory_space<hbm>>
    %dma_start3A_11 = tpu.memref_squeeze %dma_start3A_10 : memref<1x80x128xi32, #tpu.memory_space<hbm>> -> memref<80x128xi32, #tpu.memory_space<hbm>>
    %dma_start3A_12 = arith.constant 0 : i32
    %dma_start3A_13 = tpu.memref_slice %arg3[%dma_start3A, %mul3A_6, %dma_start3A_12] : memref<2x2560x128xi32, #tpu.memory_space<hbm>> -> memref<1x80x128xi32, #tpu.memory_space<hbm>>
    %dma_start3A_14 = tpu.memref_squeeze %dma_start3A_13 : memref<1x80x128xi32, #tpu.memory_space<hbm>> -> memref<80x128xi32, #tpu.memory_space<hbm>>
    tpu.enqueue_dma source(%dma_start3A_14 : memref<80x128xi32, #tpu.memory_space<hbm>>) target(%arg6 : memref<80x128xi32, #tpu.memory_space<vmem>>) target_semaphore(%arg12 : memref<!tpu.dma_semaphore, #tpu.memory_space<semaphore_mem>>)
    %dma_start3A_15 = arith.constant 1 : i32
    %dma_start3A_16 = arith.constant 0 : i32
    %dma_start3A_17 = tpu.memref_slice %arg3[%dma_start3A_15, %mul3A_6, %dma_start3A_16] : memref<2x2560x128xi32, #tpu.memory_space<hbm>> -> memref<1x80x128xi32, #tpu.memory_space<hbm>>
    %dma_start3A_18 = tpu.memref_squeeze %dma_start3A_17 : memref<1x80x128xi32, #tpu.memory_space<hbm>> -> memref<80x128xi32, #tpu.memory_space<hbm>>
    %dma_start3A_19 = arith.constant 0 : i32
    %dma_start3A_20 = tpu.memref_slice %arg3[%dma_start3A_15, %mul3A_6, %dma_start3A_19] : memref<2x2560x128xi32, #tpu.memory_space<hbm>> -> memref<1x80x128xi32, #tpu.memory_space<hbm>>
    %dma_start3A_21 = tpu.memref_squeeze %dma_start3A_20 : memref<1x80x128xi32, #tpu.memory_space<hbm>> -> memref<80x128xi32, #tpu.memory_space<hbm>>
    tpu.enqueue_dma source(%dma_start3A_21 : memref<80x128xi32, #tpu.memory_space<hbm>>) target(%arg7 : memref<80x128xi32, #tpu.memory_space<vmem>>) target_semaphore(%arg13 : memref<!tpu.dma_semaphore, #tpu.memory_space<semaphore_mem>>)
    %dma_wait3A = arith.constant 0 : i32
    %dma_wait3A_22 = arith.constant 0 : i32
    %dma_wait3A_23 = tpu.memref_slice %arg3[%dma_wait3A, %mul3A_6, %dma_wait3A_22] : memref<2x2560x128xi32, #tpu.memory_space<hbm>> -> memref<1x80x128xi32, #tpu.memory_space<hbm>>
    %dma_wait3A_24 = tpu.memref_squeeze %dma_wait3A_23 : memref<1x80x128xi32, #tpu.memory_space<hbm>> -> memref<80x128xi32, #tpu.memory_space<hbm>>
    %dma_wait3A_25 = arith.constant 0 : i32
    %dma_wait3A_26 = tpu.memref_slice %arg3[%dma_wait3A, %mul3A_6, %dma_wait3A_25] : memref<2x2560x128xi32, #tpu.memory_space<hbm>> -> memref<1x80x128xi32, #tpu.memory_space<hbm>>
    %dma_wait3A_27 = tpu.memref_squeeze %dma_wait3A_26 : memref<1x80x128xi32, #tpu.memory_space<hbm>> -> memref<80x128xi32, #tpu.memory_space<hbm>>
    tpu.wait_dma2 semaphore(%arg12 : memref<!tpu.dma_semaphore, #tpu.memory_space<semaphore_mem>>) src(%dma_wait3A_27 : memref<80x128xi32, #tpu.memory_space<hbm>>) dst(%arg6 : memref<80x128xi32, #tpu.memory_space<vmem>>)
    %dma_wait3A_28 = arith.constant 1 : i32
    %dma_wait3A_29 = arith.constant 0 : i32
    %dma_wait3A_30 = tpu.memref_slice %arg3[%dma_wait3A_28, %mul3A_6, %dma_wait3A_29] : memref<2x2560x128xi32, #tpu.memory_space<hbm>> -> memref<1x80x128xi32, #tpu.memory_space<hbm>>
    %dma_wait3A_31 = tpu.memref_squeeze %dma_wait3A_30 : memref<1x80x128xi32, #tpu.memory_space<hbm>> -> memref<80x128xi32, #tpu.memory_space<hbm>>
    %dma_wait3A_32 = arith.constant 0 : i32
    %dma_wait3A_33 = tpu.memref_slice %arg3[%dma_wait3A_28, %mul3A_6, %dma_wait3A_32] : memref<2x2560x128xi32, #tpu.memory_space<hbm>> -> memref<1x80x128xi32, #tpu.memory_space<hbm>>
    %dma_wait3A_34 = tpu.memref_squeeze %dma_wait3A_33 : memref<1x80x128xi32, #tpu.memory_space<hbm>> -> memref<80x128xi32, #tpu.memory_space<hbm>>
    tpu.wait_dma2 semaphore(%arg13 : memref<!tpu.dma_semaphore, #tpu.memory_space<semaphore_mem>>) src(%dma_wait3A_34 : memref<80x128xi32, #tpu.memory_space<hbm>>) dst(%arg7 : memref<80x128xi32, #tpu.memory_space<vmem>>)
    %barrier3A = arith.constant 0 : index
    tpu.barrier barrier_id(%barrier3A)
    %dma_start3A_35 = arith.constant 0 : i32
    %dma_start3A_36 = arith.constant 0 : i32
    %dma_start3A_37 = tpu.memref_slice %arg6[%dma_start3A_35, %dma_start3A_36] : memref<80x128xi32, #tpu.memory_space<vmem>> -> memref<1x128xi32, #tpu.memory_space<vmem>>
    %dma_start3A_38 = tpu.memref_squeeze %dma_start3A_37 : memref<1x128xi32, #tpu.memory_space<vmem>> -> memref<128xi32, #tpu.memory_space<vmem>>
    %dma_start3A_39 = arith.constant 0 : i32
    %dma_start3A_40 = arith.constant 0 : i32
    %dma_start3A_41 = tpu.memref_slice %arg2[%dma_start3A_39, %dma_start3A_40] : memref<10240x16xf32, #tpu.memory_space<hbm>> -> memref<10240x16xf32, #tpu.memory_space<hbm>>
    tpu.enqueue_indirect_dma source(%dma_start3A_41 : memref<10240x16xf32, #tpu.memory_space<hbm>>) target(%arg8 : memref<128x16xf32, #tpu.memory_space<vmem>>) offsets(%dma_start3A_38 : memref<128xi32, #tpu.memory_space<vmem>>) semaphore(%arg12 : memref<!tpu.dma_semaphore, #tpu.memory_space<semaphore_mem>>)
    %dma_start3A_42 = arith.constant 1 : i32
    %dma_start3A_43 = arith.constant 0 : i32
    %dma_start3A_44 = tpu.memref_slice %arg6[%dma_start3A_42, %dma_start3A_43] : memref<80x128xi32, #tpu.memory_space<vmem>> -> memref<1x128xi32, #tpu.memory_space<vmem>>
    %dma_start3A_45 = tpu.memref_squeeze %dma_start3A_44 : memref<1x128xi32, #tpu.memory_space<vmem>> -> memref<128xi32, #tpu.memory_space<vmem>>
    %dma_start3A_46 = arith.constant 0 : i32
    %dma_start3A_47 = arith.constant 0 : i32
    %dma_start3A_48 = tpu.memref_slice %arg2[%dma_start3A_46, %dma_start3A_47] : memref<10240x16xf32, #tpu.memory_space<hbm>> -> memref<10240x16xf32, #tpu.memory_space<hbm>>
    tpu.enqueue_indirect_dma source(%dma_start3A_48 : memref<10240x16xf32, #tpu.memory_space<hbm>>) target(%arg9 : memref<128x16xf32, #tpu.memory_space<vmem>>) offsets(%dma_start3A_45 : memref<128xi32, #tpu.memory_space<vmem>>) semaphore(%arg13 : memref<!tpu.dma_semaphore, #tpu.memory_space<semaphore_mem>>)
    %scan3A = arith.constant 0 : i32
    %scan3A_49 = arith.constant 0 : i32
    %scan3A_50 = arith.constant 20 : i32
    %scan3A_51 = arith.addi %scan3A_49, %scan3A_50 : i32
    %scan3A_52 = arith.constant 1 : i32
    scf.for %scan3A_87 = %scan3A_49 to %scan3A_51 step %scan3A_52  : i32 {
      %mul3A_88 = arith.constant 4 : i32
      %mul3A_89 = arith.muli %mul3A_88, %scan3A_87 : i32
      %add3A_90 = arith.constant 0 : i32
      %add3A_91 = arith.addi %mul3A_89, %add3A_90 : i32
      %lt3A = arith.cmpi slt, %add3A_91, %min3A_8 : i32
      %convert_element_type3A = arith.extui %lt3A : i1 to i32
      %cond3A = arith.constant 0 : i32
      %cond3A_92 = arith.cmpi ne, %convert_element_type3A, %cond3A : i32
      scf.if %cond3A_92 {
        %dma_wait3A_117 = arith.constant 0 : i32
        %dma_wait3A_118 = tpu.memref_slice %arg6[%add3A_91, %dma_wait3A_117] : memref<80x128xi32, #tpu.memory_space<vmem>> -> memref<1x128xi32, #tpu.memory_space<vmem>>
        %dma_wait3A_119 = tpu.memref_squeeze %dma_wait3A_118 : memref<1x128xi32, #tpu.memory_space<vmem>> -> memref<128xi32, #tpu.memory_space<vmem>>
        %dma_wait3A_120 = arith.constant 0 : i32
        %dma_wait3A_121 = arith.constant 0 : i32
        %dma_wait3A_122 = tpu.memref_slice %arg2[%dma_wait3A_120, %dma_wait3A_121] : memref<10240x16xf32, #tpu.memory_space<hbm>> -> memref<10240x16xf32, #tpu.memory_space<hbm>>
        tpu.wait_indirect_dma semaphore(%arg12 : memref<!tpu.dma_semaphore, #tpu.memory_space<semaphore_mem>>) src(%dma_wait3A_122 : memref<10240x16xf32, #tpu.memory_space<hbm>>) dst(%arg8 : memref<128x16xf32, #tpu.memory_space<vmem>>)
        %dma_start3A_123 = arith.constant 0 : i32
        %dma_start3A_124 = tpu.memref_slice %arg7[%add3A_91, %dma_start3A_123] : memref<80x128xi32, #tpu.memory_space<vmem>> -> memref<1x128xi32, #tpu.memory_space<vmem>>
        %dma_start3A_125 = tpu.memref_squeeze %dma_start3A_124 : memref<1x128xi32, #tpu.memory_space<vmem>> -> memref<128xi32, #tpu.memory_space<vmem>>
        %dma_start3A_126 = arith.constant 0 : i32
        %dma_start3A_127 = arith.constant 0 : i32
        %dma_start3A_128 = tpu.memref_slice %arg20[%dma_start3A_126, %dma_start3A_127] : memref<10240x16xf32, #tpu.memory_space<vmem_shared>> -> memref<10240x16xf32, #tpu.memory_space<vmem_shared>>
        tpu.enqueue_indirect_dma source(%arg8 : memref<128x16xf32, #tpu.memory_space<vmem>>) target(%dma_start3A_128 : memref<10240x16xf32, #tpu.memory_space<vmem_shared>>) offsets(%dma_start3A_125 : memref<128xi32, #tpu.memory_space<vmem>>) semaphore(%arg16 : memref<!tpu.dma_semaphore, #tpu.memory_space<semaphore_mem>>) {add = true}
        %add3A_129 = arith.constant 2 : i32
        %add3A_130 = arith.addi %add3A_91, %add3A_129 : i32
        %lt3A_131 = arith.cmpi slt, %add3A_130, %min3A_8 : i32
        %convert_element_type3A_132 = arith.extui %lt3A_131 : i1 to i32
        %cond3A_133 = arith.constant 0 : i32
        %cond3A_134 = arith.cmpi ne, %convert_element_type3A_132, %cond3A_133 : i32
        scf.if %cond3A_134 {
          %ge3A = arith.constant 4 : i32
          %ge3A_135 = arith.cmpi sge, %add3A_130, %ge3A : i32
          %convert_element_type3A_136 = arith.extui %ge3A_135 : i1 to i32
          %cond3A_137 = arith.constant 0 : i32
          %cond3A_138 = arith.cmpi ne, %convert_element_type3A_136, %cond3A_137 : i32
          scf.if %cond3A_138 {
            %sub3A_145 = arith.constant 4 : i32
            %sub3A_146 = arith.subi %add3A_130, %sub3A_145 : i32
            %dma_wait3A_147 = arith.constant 0 : i32
            %dma_wait3A_148 = tpu.memref_slice %arg7[%sub3A_146, %dma_wait3A_147] : memref<80x128xi32, #tpu.memory_space<vmem>> -> memref<1x128xi32, #tpu.memory_space<vmem>>
            %dma_wait3A_149 = tpu.memref_squeeze %dma_wait3A_148 : memref<1x128xi32, #tpu.memory_space<vmem>> -> memref<128xi32, #tpu.memory_space<vmem>>
            %dma_wait3A_150 = arith.constant 0 : i32
            %dma_wait3A_151 = arith.constant 0 : i32
            %dma_wait3A_152 = tpu.memref_slice %arg20[%dma_wait3A_150, %dma_wait3A_151] : memref<10240x16xf32, #tpu.memory_space<vmem_shared>> -> memref<10240x16xf32, #tpu.memory_space<vmem_shared>>
            tpu.wait_indirect_dma semaphore(%arg18 : memref<!tpu.dma_semaphore, #tpu.memory_space<semaphore_mem>>) src(%arg10 : memref<128x16xf32, #tpu.memory_space<vmem>>) dst(%dma_wait3A_152 : memref<10240x16xf32, #tpu.memory_space<vmem_shared>>)
          } else {
          }
          %dma_start3A_139 = arith.constant 0 : i32
          %dma_start3A_140 = tpu.memref_slice %arg6[%add3A_130, %dma_start3A_139] : memref<80x128xi32, #tpu.memory_space<vmem>> -> memref<1x128xi32, #tpu.memory_space<vmem>>
          %dma_start3A_141 = tpu.memref_squeeze %dma_start3A_140 : memref<1x128xi32, #tpu.memory_space<vmem>> -> memref<128xi32, #tpu.memory_space<vmem>>
          %dma_start3A_142 = arith.constant 0 : i32
          %dma_start3A_143 = arith.constant 0 : i32
          %dma_start3A_144 = tpu.memref_slice %arg2[%dma_start3A_142, %dma_start3A_143] : memref<10240x16xf32, #tpu.memory_space<hbm>> -> memref<10240x16xf32, #tpu.memory_space<hbm>>
          tpu.enqueue_indirect_dma source(%dma_start3A_144 : memref<10240x16xf32, #tpu.memory_space<hbm>>) target(%arg10 : memref<128x16xf32, #tpu.memory_space<vmem>>) offsets(%dma_start3A_141 : memref<128xi32, #tpu.memory_space<vmem>>) semaphore(%arg14 : memref<!tpu.dma_semaphore, #tpu.memory_space<semaphore_mem>>)
        } else {
        }
      } else {
      }
      %mul3A_93 = arith.constant 4 : i32
      %mul3A_94 = arith.muli %mul3A_93, %scan3A_87 : i32
      %add3A_95 = arith.constant 1 : i32
      %add3A_96 = arith.addi %mul3A_94, %add3A_95 : i32
      %lt3A_97 = arith.cmpi slt, %add3A_96, %min3A_8 : i32
      %convert_element_type3A_98 = arith.extui %lt3A_97 : i1 to i32
      %cond3A_99 = arith.constant 0 : i32
      %cond3A_100 = arith.cmpi ne, %convert_element_type3A_98, %cond3A_99 : i32
      scf.if %cond3A_100 {
        %dma_wait3A_117 = arith.constant 0 : i32
        %dma_wait3A_118 = tpu.memref_slice %arg6[%add3A_96, %dma_wait3A_117] : memref<80x128xi32, #tpu.memory_space<vmem>> -> memref<1x128xi32, #tpu.memory_space<vmem>>
        %dma_wait3A_119 = tpu.memref_squeeze %dma_wait3A_118 : memref<1x128xi32, #tpu.memory_space<vmem>> -> memref<128xi32, #tpu.memory_space<vmem>>
        %dma_wait3A_120 = arith.constant 0 : i32
        %dma_wait3A_121 = arith.constant 0 : i32
        %dma_wait3A_122 = tpu.memref_slice %arg2[%dma_wait3A_120, %dma_wait3A_121] : memref<10240x16xf32, #tpu.memory_space<hbm>> -> memref<10240x16xf32, #tpu.memory_space<hbm>>
        tpu.wait_indirect_dma semaphore(%arg13 : memref<!tpu.dma_semaphore, #tpu.memory_space<semaphore_mem>>) src(%dma_wait3A_122 : memref<10240x16xf32, #tpu.memory_space<hbm>>) dst(%arg9 : memref<128x16xf32, #tpu.memory_space<vmem>>)
        %dma_start3A_123 = arith.constant 0 : i32
        %dma_start3A_124 = tpu.memref_slice %arg7[%add3A_96, %dma_start3A_123] : memref<80x128xi32, #tpu.memory_space<vmem>> -> memref<1x128xi32, #tpu.memory_space<vmem>>
        %dma_start3A_125 = tpu.memref_squeeze %dma_start3A_124 : memref<1x128xi32, #tpu.memory_space<vmem>> -> memref<128xi32, #tpu.memory_space<vmem>>
        %dma_start3A_126 = arith.constant 0 : i32
        %dma_start3A_127 = arith.constant 0 : i32
        %dma_start3A_128 = tpu.memref_slice %arg20[%dma_start3A_126, %dma_start3A_127] : memref<10240x16xf32, #tpu.memory_space<vmem_shared>> -> memref<10240x16xf32, #tpu.memory_space<vmem_shared>>
        tpu.enqueue_indirect_dma source(%arg9 : memref<128x16xf32, #tpu.memory_space<vmem>>) target(%dma_start3A_128 : memref<10240x16xf32, #tpu.memory_space<vmem_shared>>) offsets(%dma_start3A_125 : memref<128xi32, #tpu.memory_space<vmem>>) semaphore(%arg17 : memref<!tpu.dma_semaphore, #tpu.memory_space<semaphore_mem>>) {add = true}
        %add3A_129 = arith.constant 2 : i32
        %add3A_130 = arith.addi %add3A_96, %add3A_129 : i32
        %lt3A_131 = arith.cmpi slt, %add3A_130, %min3A_8 : i32
        %convert_element_type3A_132 = arith.extui %lt3A_131 : i1 to i32
        %cond3A_133 = arith.constant 0 : i32
        %cond3A_134 = arith.cmpi ne, %convert_element_type3A_132, %cond3A_133 : i32
        scf.if %cond3A_134 {
          %ge3A = arith.constant 4 : i32
          %ge3A_135 = arith.cmpi sge, %add3A_130, %ge3A : i32
          %convert_element_type3A_136 = arith.extui %ge3A_135 : i1 to i32
          %cond3A_137 = arith.constant 0 : i32
          %cond3A_138 = arith.cmpi ne, %convert_element_type3A_136, %cond3A_137 : i32
          scf.if %cond3A_138 {
            %sub3A_145 = arith.constant 4 : i32
            %sub3A_146 = arith.subi %add3A_130, %sub3A_145 : i32
            %dma_wait3A_147 = arith.constant 0 : i32
            %dma_wait3A_148 = tpu.memref_slice %arg7[%sub3A_146, %dma_wait3A_147] : memref<80x128xi32, #tpu.memory_space<vmem>> -> memref<1x128xi32, #tpu.memory_space<vmem>>
            %dma_wait3A_149 = tpu.memref_squeeze %dma_wait3A_148 : memref<1x128xi32, #tpu.memory_space<vmem>> -> memref<128xi32, #tpu.memory_space<vmem>>
            %dma_wait3A_150 = arith.constant 0 : i32
            %dma_wait3A_151 = arith.constant 0 : i32
            %dma_wait3A_152 = tpu.memref_slice %arg20[%dma_wait3A_150, %dma_wait3A_151] : memref<10240x16xf32, #tpu.memory_space<vmem_shared>> -> memref<10240x16xf32, #tpu.memory_space<vmem_shared>>
            tpu.wait_indirect_dma semaphore(%arg19 : memref<!tpu.dma_semaphore, #tpu.memory_space<semaphore_mem>>) src(%arg11 : memref<128x16xf32, #tpu.memory_space<vmem>>) dst(%dma_wait3A_152 : memref<10240x16xf32, #tpu.memory_space<vmem_shared>>)
          } else {
          }
          %dma_start3A_139 = arith.constant 0 : i32
          %dma_start3A_140 = tpu.memref_slice %arg6[%add3A_130, %dma_start3A_139] : memref<80x128xi32, #tpu.memory_space<vmem>> -> memref<1x128xi32, #tpu.memory_space<vmem>>
          %dma_start3A_141 = tpu.memref_squeeze %dma_start3A_140 : memref<1x128xi32, #tpu.memory_space<vmem>> -> memref<128xi32, #tpu.memory_space<vmem>>
          %dma_start3A_142 = arith.constant 0 : i32
          %dma_start3A_143 = arith.constant 0 : i32
          %dma_start3A_144 = tpu.memref_slice %arg2[%dma_start3A_142, %dma_start3A_143] : memref<10240x16xf32, #tpu.memory_space<hbm>> -> memref<10240x16xf32, #tpu.memory_space<hbm>>
          tpu.enqueue_indirect_dma source(%dma_start3A_144 : memref<10240x16xf32, #tpu.memory_space<hbm>>) target(%arg11 : memref<128x16xf32, #tpu.memory_space<vmem>>) offsets(%dma_start3A_141 : memref<128xi32, #tpu.memory_space<vmem>>) semaphore(%arg15 : memref<!tpu.dma_semaphore, #tpu.memory_space<semaphore_mem>>)
        } else {
        }
      } else {
      }
      %mul3A_101 = arith.constant 4 : i32
      %mul3A_102 = arith.muli %mul3A_101, %scan3A_87 : i32
      %add3A_103 = arith.constant 2 : i32
      %add3A_104 = arith.addi %mul3A_102, %add3A_103 : i32
      %lt3A_105 = arith.cmpi slt, %add3A_104, %min3A_8 : i32
      %convert_element_type3A_106 = arith.extui %lt3A_105 : i1 to i32
      %cond3A_107 = arith.constant 0 : i32
      %cond3A_108 = arith.cmpi ne, %convert_element_type3A_106, %cond3A_107 : i32
      scf.if %cond3A_108 {
        %dma_wait3A_117 = arith.constant 0 : i32
        %dma_wait3A_118 = tpu.memref_slice %arg6[%add3A_104, %dma_wait3A_117] : memref<80x128xi32, #tpu.memory_space<vmem>> -> memref<1x128xi32, #tpu.memory_space<vmem>>
        %dma_wait3A_119 = tpu.memref_squeeze %dma_wait3A_118 : memref<1x128xi32, #tpu.memory_space<vmem>> -> memref<128xi32, #tpu.memory_space<vmem>>
        %dma_wait3A_120 = arith.constant 0 : i32
        %dma_wait3A_121 = arith.constant 0 : i32
        %dma_wait3A_122 = tpu.memref_slice %arg2[%dma_wait3A_120, %dma_wait3A_121] : memref<10240x16xf32, #tpu.memory_space<hbm>> -> memref<10240x16xf32, #tpu.memory_space<hbm>>
        tpu.wait_indirect_dma semaphore(%arg14 : memref<!tpu.dma_semaphore, #tpu.memory_space<semaphore_mem>>) src(%dma_wait3A_122 : memref<10240x16xf32, #tpu.memory_space<hbm>>) dst(%arg10 : memref<128x16xf32, #tpu.memory_space<vmem>>)
        %dma_start3A_123 = arith.constant 0 : i32
        %dma_start3A_124 = tpu.memref_slice %arg7[%add3A_104, %dma_start3A_123] : memref<80x128xi32, #tpu.memory_space<vmem>> -> memref<1x128xi32, #tpu.memory_space<vmem>>
        %dma_start3A_125 = tpu.memref_squeeze %dma_start3A_124 : memref<1x128xi32, #tpu.memory_space<vmem>> -> memref<128xi32, #tpu.memory_space<vmem>>
        %dma_start3A_126 = arith.constant 0 : i32
        %dma_start3A_127 = arith.constant 0 : i32
        %dma_start3A_128 = tpu.memref_slice %arg20[%dma_start3A_126, %dma_start3A_127] : memref<10240x16xf32, #tpu.memory_space<vmem_shared>> -> memref<10240x16xf32, #tpu.memory_space<vmem_shared>>
        tpu.enqueue_indirect_dma source(%arg10 : memref<128x16xf32, #tpu.memory_space<vmem>>) target(%dma_start3A_128 : memref<10240x16xf32, #tpu.memory_space<vmem_shared>>) offsets(%dma_start3A_125 : memref<128xi32, #tpu.memory_space<vmem>>) semaphore(%arg18 : memref<!tpu.dma_semaphore, #tpu.memory_space<semaphore_mem>>) {add = true}
        %add3A_129 = arith.constant 2 : i32
        %add3A_130 = arith.addi %add3A_104, %add3A_129 : i32
        %lt3A_131 = arith.cmpi slt, %add3A_130, %min3A_8 : i32
        %convert_element_type3A_132 = arith.extui %lt3A_131 : i1 to i32
        %cond3A_133 = arith.constant 0 : i32
        %cond3A_134 = arith.cmpi ne, %convert_element_type3A_132, %cond3A_133 : i32
        scf.if %cond3A_134 {
          %ge3A = arith.constant 4 : i32
          %ge3A_135 = arith.cmpi sge, %add3A_130, %ge3A : i32
          %convert_element_type3A_136 = arith.extui %ge3A_135 : i1 to i32
          %cond3A_137 = arith.constant 0 : i32
          %cond3A_138 = arith.cmpi ne, %convert_element_type3A_136, %cond3A_137 : i32
          scf.if %cond3A_138 {
            %sub3A_145 = arith.constant 4 : i32
            %sub3A_146 = arith.subi %add3A_130, %sub3A_145 : i32
            %dma_wait3A_147 = arith.constant 0 : i32
            %dma_wait3A_148 = tpu.memref_slice %arg7[%sub3A_146, %dma_wait3A_147] : memref<80x128xi32, #tpu.memory_space<vmem>> -> memref<1x128xi32, #tpu.memory_space<vmem>>
            %dma_wait3A_149 = tpu.memref_squeeze %dma_wait3A_148 : memref<1x128xi32, #tpu.memory_space<vmem>> -> memref<128xi32, #tpu.memory_space<vmem>>
            %dma_wait3A_150 = arith.constant 0 : i32
            %dma_wait3A_151 = arith.constant 0 : i32
            %dma_wait3A_152 = tpu.memref_slice %arg20[%dma_wait3A_150, %dma_wait3A_151] : memref<10240x16xf32, #tpu.memory_space<vmem_shared>> -> memref<10240x16xf32, #tpu.memory_space<vmem_shared>>
            tpu.wait_indirect_dma semaphore(%arg16 : memref<!tpu.dma_semaphore, #tpu.memory_space<semaphore_mem>>) src(%arg8 : memref<128x16xf32, #tpu.memory_space<vmem>>) dst(%dma_wait3A_152 : memref<10240x16xf32, #tpu.memory_space<vmem_shared>>)
          } else {
          }
          %dma_start3A_139 = arith.constant 0 : i32
          %dma_start3A_140 = tpu.memref_slice %arg6[%add3A_130, %dma_start3A_139] : memref<80x128xi32, #tpu.memory_space<vmem>> -> memref<1x128xi32, #tpu.memory_space<vmem>>
          %dma_start3A_141 = tpu.memref_squeeze %dma_start3A_140 : memref<1x128xi32, #tpu.memory_space<vmem>> -> memref<128xi32, #tpu.memory_space<vmem>>
          %dma_start3A_142 = arith.constant 0 : i32
          %dma_start3A_143 = arith.constant 0 : i32
          %dma_start3A_144 = tpu.memref_slice %arg2[%dma_start3A_142, %dma_start3A_143] : memref<10240x16xf32, #tpu.memory_space<hbm>> -> memref<10240x16xf32, #tpu.memory_space<hbm>>
          tpu.enqueue_indirect_dma source(%dma_start3A_144 : memref<10240x16xf32, #tpu.memory_space<hbm>>) target(%arg8 : memref<128x16xf32, #tpu.memory_space<vmem>>) offsets(%dma_start3A_141 : memref<128xi32, #tpu.memory_space<vmem>>) semaphore(%arg12 : memref<!tpu.dma_semaphore, #tpu.memory_space<semaphore_mem>>)
        } else {
        }
      } else {
      }
      %mul3A_109 = arith.constant 4 : i32
      %mul3A_110 = arith.muli %mul3A_109, %scan3A_87 : i32
      %add3A_111 = arith.constant 3 : i32
      %add3A_112 = arith.addi %mul3A_110, %add3A_111 : i32
      %lt3A_113 = arith.cmpi slt, %add3A_112, %min3A_8 : i32
      %convert_element_type3A_114 = arith.extui %lt3A_113 : i1 to i32
      %cond3A_115 = arith.constant 0 : i32
      %cond3A_116 = arith.cmpi ne, %convert_element_type3A_114, %cond3A_115 : i32
      scf.if %cond3A_116 {
        %dma_wait3A_117 = arith.constant 0 : i32
        %dma_wait3A_118 = tpu.memref_slice %arg6[%add3A_112, %dma_wait3A_117] : memref<80x128xi32, #tpu.memory_space<vmem>> -> memref<1x128xi32, #tpu.memory_space<vmem>>
        %dma_wait3A_119 = tpu.memref_squeeze %dma_wait3A_118 : memref<1x128xi32, #tpu.memory_space<vmem>> -> memref<128xi32, #tpu.memory_space<vmem>>
        %dma_wait3A_120 = arith.constant 0 : i32
        %dma_wait3A_121 = arith.constant 0 : i32
        %dma_wait3A_122 = tpu.memref_slice %arg2[%dma_wait3A_120, %dma_wait3A_121] : memref<10240x16xf32, #tpu.memory_space<hbm>> -> memref<10240x16xf32, #tpu.memory_space<hbm>>
        tpu.wait_indirect_dma semaphore(%arg15 : memref<!tpu.dma_semaphore, #tpu.memory_space<semaphore_mem>>) src(%dma_wait3A_122 : memref<10240x16xf32, #tpu.memory_space<hbm>>) dst(%arg11 : memref<128x16xf32, #tpu.memory_space<vmem>>)
        %dma_start3A_123 = arith.constant 0 : i32
        %dma_start3A_124 = tpu.memref_slice %arg7[%add3A_112, %dma_start3A_123] : memref<80x128xi32, #tpu.memory_space<vmem>> -> memref<1x128xi32, #tpu.memory_space<vmem>>
        %dma_start3A_125 = tpu.memref_squeeze %dma_start3A_124 : memref<1x128xi32, #tpu.memory_space<vmem>> -> memref<128xi32, #tpu.memory_space<vmem>>
        %dma_start3A_126 = arith.constant 0 : i32
        %dma_start3A_127 = arith.constant 0 : i32
        %dma_start3A_128 = tpu.memref_slice %arg20[%dma_start3A_126, %dma_start3A_127] : memref<10240x16xf32, #tpu.memory_space<vmem_shared>> -> memref<10240x16xf32, #tpu.memory_space<vmem_shared>>
        tpu.enqueue_indirect_dma source(%arg11 : memref<128x16xf32, #tpu.memory_space<vmem>>) target(%dma_start3A_128 : memref<10240x16xf32, #tpu.memory_space<vmem_shared>>) offsets(%dma_start3A_125 : memref<128xi32, #tpu.memory_space<vmem>>) semaphore(%arg19 : memref<!tpu.dma_semaphore, #tpu.memory_space<semaphore_mem>>) {add = true}
        %add3A_129 = arith.constant 2 : i32
        %add3A_130 = arith.addi %add3A_112, %add3A_129 : i32
        %lt3A_131 = arith.cmpi slt, %add3A_130, %min3A_8 : i32
        %convert_element_type3A_132 = arith.extui %lt3A_131 : i1 to i32
        %cond3A_133 = arith.constant 0 : i32
        %cond3A_134 = arith.cmpi ne, %convert_element_type3A_132, %cond3A_133 : i32
        scf.if %cond3A_134 {
          %ge3A = arith.constant 4 : i32
          %ge3A_135 = arith.cmpi sge, %add3A_130, %ge3A : i32
          %convert_element_type3A_136 = arith.extui %ge3A_135 : i1 to i32
          %cond3A_137 = arith.constant 0 : i32
          %cond3A_138 = arith.cmpi ne, %convert_element_type3A_136, %cond3A_137 : i32
          scf.if %cond3A_138 {
            %sub3A_145 = arith.constant 4 : i32
            %sub3A_146 = arith.subi %add3A_130, %sub3A_145 : i32
            %dma_wait3A_147 = arith.constant 0 : i32
            %dma_wait3A_148 = tpu.memref_slice %arg7[%sub3A_146, %dma_wait3A_147] : memref<80x128xi32, #tpu.memory_space<vmem>> -> memref<1x128xi32, #tpu.memory_space<vmem>>
            %dma_wait3A_149 = tpu.memref_squeeze %dma_wait3A_148 : memref<1x128xi32, #tpu.memory_space<vmem>> -> memref<128xi32, #tpu.memory_space<vmem>>
            %dma_wait3A_150 = arith.constant 0 : i32
            %dma_wait3A_151 = arith.constant 0 : i32
            %dma_wait3A_152 = tpu.memref_slice %arg20[%dma_wait3A_150, %dma_wait3A_151] : memref<10240x16xf32, #tpu.memory_space<vmem_shared>> -> memref<10240x16xf32, #tpu.memory_space<vmem_shared>>
            tpu.wait_indirect_dma semaphore(%arg17 : memref<!tpu.dma_semaphore, #tpu.memory_space<semaphore_mem>>) src(%arg9 : memref<128x16xf32, #tpu.memory_space<vmem>>) dst(%dma_wait3A_152 : memref<10240x16xf32, #tpu.memory_space<vmem_shared>>)
          } else {
          }
          %dma_start3A_139 = arith.constant 0 : i32
          %dma_start3A_140 = tpu.memref_slice %arg6[%add3A_130, %dma_start3A_139] : memref<80x128xi32, #tpu.memory_space<vmem>> -> memref<1x128xi32, #tpu.memory_space<vmem>>
          %dma_start3A_141 = tpu.memref_squeeze %dma_start3A_140 : memref<1x128xi32, #tpu.memory_space<vmem>> -> memref<128xi32, #tpu.memory_space<vmem>>
          %dma_start3A_142 = arith.constant 0 : i32
          %dma_start3A_143 = arith.constant 0 : i32
          %dma_start3A_144 = tpu.memref_slice %arg2[%dma_start3A_142, %dma_start3A_143] : memref<10240x16xf32, #tpu.memory_space<hbm>> -> memref<10240x16xf32, #tpu.memory_space<hbm>>
          tpu.enqueue_indirect_dma source(%dma_start3A_144 : memref<10240x16xf32, #tpu.memory_space<hbm>>) target(%arg9 : memref<128x16xf32, #tpu.memory_space<vmem>>) offsets(%dma_start3A_141 : memref<128xi32, #tpu.memory_space<vmem>>) semaphore(%arg13 : memref<!tpu.dma_semaphore, #tpu.memory_space<semaphore_mem>>)
        } else {
        }
      } else {
      }
    }
    %scan3A_53 = arith.constant 20 : i32
    %dma_wait3A_54 = arith.constant 0 : i32
    %dma_wait3A_55 = arith.constant 0 : i32
    %dma_wait3A_56 = tpu.memref_slice %arg7[%dma_wait3A_54, %dma_wait3A_55] : memref<80x128xi32, #tpu.memory_space<vmem>> -> memref<1x128xi32, #tpu.memory_space<vmem>>
    %dma_wait3A_57 = tpu.memref_squeeze %dma_wait3A_56 : memref<1x128xi32, #tpu.memory_space<vmem>> -> memref<128xi32, #tpu.memory_space<vmem>>
    %dma_wait3A_58 = arith.constant 0 : i32
    %dma_wait3A_59 = arith.constant 0 : i32
    %dma_wait3A_60 = tpu.memref_slice %arg20[%dma_wait3A_58, %dma_wait3A_59] : memref<10240x16xf32, #tpu.memory_space<vmem_shared>> -> memref<10240x16xf32, #tpu.memory_space<vmem_shared>>
    tpu.wait_indirect_dma semaphore(%arg16 : memref<!tpu.dma_semaphore, #tpu.memory_space<semaphore_mem>>) src(%arg8 : memref<128x16xf32, #tpu.memory_space<vmem>>) dst(%dma_wait3A_60 : memref<10240x16xf32, #tpu.memory_space<vmem_shared>>)
    %dma_wait3A_61 = arith.constant 0 : i32
    %dma_wait3A_62 = arith.constant 0 : i32
    %dma_wait3A_63 = tpu.memref_slice %arg7[%dma_wait3A_61, %dma_wait3A_62] : memref<80x128xi32, #tpu.memory_space<vmem>> -> memref<1x128xi32, #tpu.memory_space<vmem>>
    %dma_wait3A_64 = tpu.memref_squeeze %dma_wait3A_63 : memref<1x128xi32, #tpu.memory_space<vmem>> -> memref<128xi32, #tpu.memory_space<vmem>>
    %dma_wait3A_65 = arith.constant 0 : i32
    %dma_wait3A_66 = arith.constant 0 : i32
    %dma_wait3A_67 = tpu.memref_slice %arg20[%dma_wait3A_65, %dma_wait3A_66] : memref<10240x16xf32, #tpu.memory_space<vmem_shared>> -> memref<10240x16xf32, #tpu.memory_space<vmem_shared>>
    tpu.wait_indirect_dma semaphore(%arg17 : memref<!tpu.dma_semaphore, #tpu.memory_space<semaphore_mem>>) src(%arg9 : memref<128x16xf32, #tpu.memory_space<vmem>>) dst(%dma_wait3A_67 : memref<10240x16xf32, #tpu.memory_space<vmem_shared>>)
    %dma_wait3A_68 = arith.constant 0 : i32
    %dma_wait3A_69 = arith.constant 0 : i32
    %dma_wait3A_70 = tpu.memref_slice %arg7[%dma_wait3A_68, %dma_wait3A_69] : memref<80x128xi32, #tpu.memory_space<vmem>> -> memref<1x128xi32, #tpu.memory_space<vmem>>
    %dma_wait3A_71 = tpu.memref_squeeze %dma_wait3A_70 : memref<1x128xi32, #tpu.memory_space<vmem>> -> memref<128xi32, #tpu.memory_space<vmem>>
    %dma_wait3A_72 = arith.constant 0 : i32
    %dma_wait3A_73 = arith.constant 0 : i32
    %dma_wait3A_74 = tpu.memref_slice %arg20[%dma_wait3A_72, %dma_wait3A_73] : memref<10240x16xf32, #tpu.memory_space<vmem_shared>> -> memref<10240x16xf32, #tpu.memory_space<vmem_shared>>
    tpu.wait_indirect_dma semaphore(%arg18 : memref<!tpu.dma_semaphore, #tpu.memory_space<semaphore_mem>>) src(%arg10 : memref<128x16xf32, #tpu.memory_space<vmem>>) dst(%dma_wait3A_74 : memref<10240x16xf32, #tpu.memory_space<vmem_shared>>)
    %dma_wait3A_75 = arith.constant 0 : i32
    %dma_wait3A_76 = arith.constant 0 : i32
    %dma_wait3A_77 = tpu.memref_slice %arg7[%dma_wait3A_75, %dma_wait3A_76] : memref<80x128xi32, #tpu.memory_space<vmem>> -> memref<1x128xi32, #tpu.memory_space<vmem>>
    %dma_wait3A_78 = tpu.memref_squeeze %dma_wait3A_77 : memref<1x128xi32, #tpu.memory_space<vmem>> -> memref<128xi32, #tpu.memory_space<vmem>>
    %dma_wait3A_79 = arith.constant 0 : i32
    %dma_wait3A_80 = arith.constant 0 : i32
    %dma_wait3A_81 = tpu.memref_slice %arg20[%dma_wait3A_79, %dma_wait3A_80] : memref<10240x16xf32, #tpu.memory_space<vmem_shared>> -> memref<10240x16xf32, #tpu.memory_space<vmem_shared>>
    tpu.wait_indirect_dma semaphore(%arg19 : memref<!tpu.dma_semaphore, #tpu.memory_space<semaphore_mem>>) src(%arg11 : memref<128x16xf32, #tpu.memory_space<vmem>>) dst(%dma_wait3A_81 : memref<10240x16xf32, #tpu.memory_space<vmem_shared>>)
    %barrier3A_82 = arith.constant 0 : index
    tpu.barrier barrier_id(%barrier3A_82)
    %mul3A_83 = arith.constant 640 : i32
    %mul3A_84 = arith.muli %arg1, %mul3A_83 : i32
    %mul3A_85 = arith.constant 640 : i32
    %mul3A_86 = arith.muli %arg1, %mul3A_85 : i32
    "tpu.region"() ({
      %run_scoped3A = tpu.sem_alloc : memref<!tpu.dma_semaphore, #tpu.memory_space<semaphore_mem>>
      %dma_start3A_87 = arith.constant 0 : i32
      %dma_start3A_88 = tpu.memref_slice %arg5[%arg0, %mul3A_86, %dma_start3A_87] : memref<2x10240x16xf32, #tpu.memory_space<hbm>> -> memref<1x640x16xf32, #tpu.memory_space<hbm>>
      %dma_start3A_89 = tpu.memref_squeeze %dma_start3A_88 : memref<1x640x16xf32, #tpu.memory_space<hbm>> -> memref<640x16xf32, #tpu.memory_space<hbm>>
      %dma_start3A_90 = arith.constant 0 : i32
      %dma_start3A_91 = tpu.memref_slice %arg20[%mul3A_84, %dma_start3A_90] : memref<10240x16xf32, #tpu.memory_space<vmem_shared>> -> memref<640x16xf32, #tpu.memory_space<vmem_shared>>
      tpu.enqueue_dma source(%dma_start3A_91 : memref<640x16xf32, #tpu.memory_space<vmem_shared>>) target(%dma_start3A_89 : memref<640x16xf32, #tpu.memory_space<hbm>>) target_semaphore(%run_scoped3A : memref<!tpu.dma_semaphore, #tpu.memory_space<semaphore_mem>>)
      %dma_wait3A_92 = arith.constant 0 : i32
      %dma_wait3A_93 = tpu.memref_slice %arg5[%arg0, %mul3A_86, %dma_wait3A_92] : memref<2x10240x16xf32, #tpu.memory_space<hbm>> -> memref<1x640x16xf32, #tpu.memory_space<hbm>>
      %dma_wait3A_94 = tpu.memref_squeeze %dma_wait3A_93 : memref<1x640x16xf32, #tpu.memory_space<hbm>> -> memref<640x16xf32, #tpu.memory_space<hbm>>
      %dma_wait3A_95 = arith.constant 0 : i32
      %dma_wait3A_96 = tpu.memref_slice %arg20[%mul3A_84, %dma_wait3A_95] : memref<10240x16xf32, #tpu.memory_space<vmem_shared>> -> memref<640x16xf32, #tpu.memory_space<vmem_shared>>
      tpu.wait_dma2 semaphore(%run_scoped3A : memref<!tpu.dma_semaphore, #tpu.memory_space<semaphore_mem>>) src(%dma_wait3A_96 : memref<640x16xf32, #tpu.memory_space<vmem_shared>>) dst(%dma_wait3A_94 : memref<640x16xf32, #tpu.memory_space<hbm>>)
      tpu.yield
    }) : () -> ()
    return
  }
}

#map = affine_map<(d0, d1) -> (0, 0, 0)>
#map1 = affine_map<(d0, d1) -> (0, 0)>
module attributes {stable_mosaic.version = 14 : i64} {
  func.func @_sc_deg(%arg0: i32, %arg1: i32, %arg2: memref<2x2560x128xi32, #tpu.memory_space<hbm>>, %arg3: memref<128x16xf32, #tpu.memory_space<hbm>>, %arg4: memref<10240x16xf32, #tpu.memory_space<hbm>>, %arg5: memref<2x10240x16xf32, #tpu.memory_space<hbm>>, %arg6: memref<80x128xi32, #tpu.memory_space<vmem>>, %arg7: memref<128x16xf32, #tpu.memory_space<vmem>>, %arg8: memref<!tpu.dma_semaphore, #tpu.memory_space<semaphore_mem>>, %arg9: memref<!tpu.dma_semaphore, #tpu.memory_space<semaphore_mem>>, %arg10: memref<!tpu.dma_semaphore, #tpu.memory_space<semaphore_mem>>, %arg11: memref<!tpu.dma_semaphore, #tpu.memory_space<semaphore_mem>>, %arg12: memref<!tpu.dma_semaphore, #tpu.memory_space<semaphore_mem>>, %arg13: memref<10240x16xf32, #tpu.memory_space<vmem_shared>>) attributes {dimension_semantics = [#tpu.dimension_semantics<core_parallel>, #tpu.dimension_semantics<subcore_parallel>], iteration_bounds = array<i64: 2, 16>, scalar_prefetch = 0 : i64, scratch_operands = 8 : i64, tpu.core_type = #tpu.core_type<sc_vector_subcore>, window_params = [{transform_indices = #map}, {transform_indices = #map1}, {transform_indices = #map1}, {transform_indices = #map}]} {
    %mul3A = arith.constant 2 : i32
    %mul3A_0 = arith.muli %arg1, %mul3A : i32
    %add3A = arith.addi %mul3A_0, %arg0 : i32
    %mul3A_1 = arith.constant 640 : i32
    %mul3A_2 = arith.muli %arg1, %mul3A_1 : i32
    %mul3A_3 = arith.constant 640 : i32
    %mul3A_4 = arith.muli %arg1, %mul3A_3 : i32
    "tpu.region"() ({
      %run_scoped3A = tpu.sem_alloc : memref<!tpu.dma_semaphore, #tpu.memory_space<semaphore_mem>>
      %dma_start3A_59 = arith.constant 0 : i32
      %dma_start3A_60 = tpu.memref_slice %arg13[%mul3A_4, %dma_start3A_59] : memref<10240x16xf32, #tpu.memory_space<vmem_shared>> -> memref<640x16xf32, #tpu.memory_space<vmem_shared>>
      %dma_start3A_61 = arith.constant 0 : i32
      %dma_start3A_62 = tpu.memref_slice %arg4[%mul3A_2, %dma_start3A_61] : memref<10240x16xf32, #tpu.memory_space<hbm>> -> memref<640x16xf32, #tpu.memory_space<hbm>>
      tpu.enqueue_dma source(%dma_start3A_62 : memref<640x16xf32, #tpu.memory_space<hbm>>) target(%dma_start3A_60 : memref<640x16xf32, #tpu.memory_space<vmem_shared>>) target_semaphore(%run_scoped3A : memref<!tpu.dma_semaphore, #tpu.memory_space<semaphore_mem>>)
      %dma_wait3A_63 = arith.constant 0 : i32
      %dma_wait3A_64 = tpu.memref_slice %arg13[%mul3A_4, %dma_wait3A_63] : memref<10240x16xf32, #tpu.memory_space<vmem_shared>> -> memref<640x16xf32, #tpu.memory_space<vmem_shared>>
      %dma_wait3A_65 = arith.constant 0 : i32
      %dma_wait3A_66 = tpu.memref_slice %arg4[%mul3A_2, %dma_wait3A_65] : memref<10240x16xf32, #tpu.memory_space<hbm>> -> memref<640x16xf32, #tpu.memory_space<hbm>>
      tpu.wait_dma2 semaphore(%run_scoped3A : memref<!tpu.dma_semaphore, #tpu.memory_space<semaphore_mem>>) src(%dma_wait3A_66 : memref<640x16xf32, #tpu.memory_space<hbm>>) dst(%dma_wait3A_64 : memref<640x16xf32, #tpu.memory_space<vmem_shared>>)
      tpu.yield
    }) : () -> ()
    "tpu.region"() ({
      %run_scoped3A = tpu.sem_alloc : memref<!tpu.dma_semaphore, #tpu.memory_space<semaphore_mem>>
      tpu.enqueue_dma source(%arg3 : memref<128x16xf32, #tpu.memory_space<hbm>>) target(%arg7 : memref<128x16xf32, #tpu.memory_space<vmem>>) target_semaphore(%run_scoped3A : memref<!tpu.dma_semaphore, #tpu.memory_space<semaphore_mem>>)
      tpu.wait_dma2 semaphore(%run_scoped3A : memref<!tpu.dma_semaphore, #tpu.memory_space<semaphore_mem>>) src(%arg3 : memref<128x16xf32, #tpu.memory_space<hbm>>) dst(%arg7 : memref<128x16xf32, #tpu.memory_space<vmem>>)
      tpu.yield
    }) : () -> ()
    %mul3A_5 = arith.constant 80 : i32
    %mul3A_6 = arith.muli %add3A, %mul3A_5 : i32
    %sub3A = arith.constant 2500 : i32
    %sub3A_7 = arith.subi %sub3A, %mul3A_6 : i32
    %min3A = arith.constant 80 : i32
    %min3A_8 = arith.minsi %sub3A_7, %min3A : i32
    %dma_start3A = arith.constant 1 : i32
    %dma_start3A_9 = arith.constant 0 : i32
    %dma_start3A_10 = tpu.memref_slice %arg2[%dma_start3A, %mul3A_6, %dma_start3A_9] : memref<2x2560x128xi32, #tpu.memory_space<hbm>> -> memref<1x80x128xi32, #tpu.memory_space<hbm>>
    %dma_start3A_11 = tpu.memref_squeeze %dma_start3A_10 : memref<1x80x128xi32, #tpu.memory_space<hbm>> -> memref<80x128xi32, #tpu.memory_space<hbm>>
    %dma_start3A_12 = arith.constant 0 : i32
    %dma_start3A_13 = tpu.memref_slice %arg2[%dma_start3A, %mul3A_6, %dma_start3A_12] : memref<2x2560x128xi32, #tpu.memory_space<hbm>> -> memref<1x80x128xi32, #tpu.memory_space<hbm>>
    %dma_start3A_14 = tpu.memref_squeeze %dma_start3A_13 : memref<1x80x128xi32, #tpu.memory_space<hbm>> -> memref<80x128xi32, #tpu.memory_space<hbm>>
    tpu.enqueue_dma source(%dma_start3A_14 : memref<80x128xi32, #tpu.memory_space<hbm>>) target(%arg6 : memref<80x128xi32, #tpu.memory_space<vmem>>) target_semaphore(%arg12 : memref<!tpu.dma_semaphore, #tpu.memory_space<semaphore_mem>>)
    %dma_wait3A = arith.constant 1 : i32
    %dma_wait3A_15 = arith.constant 0 : i32
    %dma_wait3A_16 = tpu.memref_slice %arg2[%dma_wait3A, %mul3A_6, %dma_wait3A_15] : memref<2x2560x128xi32, #tpu.memory_space<hbm>> -> memref<1x80x128xi32, #tpu.memory_space<hbm>>
    %dma_wait3A_17 = tpu.memref_squeeze %dma_wait3A_16 : memref<1x80x128xi32, #tpu.memory_space<hbm>> -> memref<80x128xi32, #tpu.memory_space<hbm>>
    %dma_wait3A_18 = arith.constant 0 : i32
    %dma_wait3A_19 = tpu.memref_slice %arg2[%dma_wait3A, %mul3A_6, %dma_wait3A_18] : memref<2x2560x128xi32, #tpu.memory_space<hbm>> -> memref<1x80x128xi32, #tpu.memory_space<hbm>>
    %dma_wait3A_20 = tpu.memref_squeeze %dma_wait3A_19 : memref<1x80x128xi32, #tpu.memory_space<hbm>> -> memref<80x128xi32, #tpu.memory_space<hbm>>
    tpu.wait_dma2 semaphore(%arg12 : memref<!tpu.dma_semaphore, #tpu.memory_space<semaphore_mem>>) src(%dma_wait3A_20 : memref<80x128xi32, #tpu.memory_space<hbm>>) dst(%arg6 : memref<80x128xi32, #tpu.memory_space<vmem>>)
    %barrier3A = arith.constant 0 : index
    tpu.barrier barrier_id(%barrier3A)
    %scan3A = arith.constant 0 : i32
    %scan3A_21 = arith.constant 0 : i32
    %scan3A_22 = arith.constant 20 : i32
    %scan3A_23 = arith.addi %scan3A_21, %scan3A_22 : i32
    %scan3A_24 = arith.constant 1 : i32
    scf.for %scan3A_59 = %scan3A_21 to %scan3A_23 step %scan3A_24  : i32 {
      %mul3A_60 = arith.constant 4 : i32
      %mul3A_61 = arith.muli %mul3A_60, %scan3A_59 : i32
      %add3A_62 = arith.constant 0 : i32
      %add3A_63 = arith.addi %mul3A_61, %add3A_62 : i32
      %lt3A = arith.cmpi slt, %add3A_63, %min3A_8 : i32
      %convert_element_type3A = arith.extui %lt3A : i1 to i32
      %cond3A = arith.constant 0 : i32
      %cond3A_64 = arith.cmpi ne, %convert_element_type3A, %cond3A : i32
      scf.if %cond3A_64 {
        %ge3A = arith.constant 4 : i32
        %ge3A_89 = arith.cmpi sge, %add3A_63, %ge3A : i32
        %convert_element_type3A_90 = arith.extui %ge3A_89 : i1 to i32
        %cond3A_91 = arith.constant 0 : i32
        %cond3A_92 = arith.cmpi ne, %convert_element_type3A_90, %cond3A_91 : i32
        scf.if %cond3A_92 {
          %sub3A_99 = arith.constant 4 : i32
          %sub3A_100 = arith.subi %add3A_63, %sub3A_99 : i32
          %dma_wait3A_101 = arith.constant 0 : i32
          %dma_wait3A_102 = tpu.memref_slice %arg6[%sub3A_100, %dma_wait3A_101] : memref<80x128xi32, #tpu.memory_space<vmem>> -> memref<1x128xi32, #tpu.memory_space<vmem>>
          %dma_wait3A_103 = tpu.memref_squeeze %dma_wait3A_102 : memref<1x128xi32, #tpu.memory_space<vmem>> -> memref<128xi32, #tpu.memory_space<vmem>>
          %dma_wait3A_104 = arith.constant 0 : i32
          %dma_wait3A_105 = arith.constant 0 : i32
          %dma_wait3A_106 = tpu.memref_slice %arg13[%dma_wait3A_104, %dma_wait3A_105] : memref<10240x16xf32, #tpu.memory_space<vmem_shared>> -> memref<10240x16xf32, #tpu.memory_space<vmem_shared>>
          tpu.wait_indirect_dma semaphore(%arg8 : memref<!tpu.dma_semaphore, #tpu.memory_space<semaphore_mem>>) src(%arg7 : memref<128x16xf32, #tpu.memory_space<vmem>>) dst(%dma_wait3A_106 : memref<10240x16xf32, #tpu.memory_space<vmem_shared>>)
        } else {
        }
        %dma_start3A_93 = arith.constant 0 : i32
        %dma_start3A_94 = tpu.memref_slice %arg6[%add3A_63, %dma_start3A_93] : memref<80x128xi32, #tpu.memory_space<vmem>> -> memref<1x128xi32, #tpu.memory_space<vmem>>
        %dma_start3A_95 = tpu.memref_squeeze %dma_start3A_94 : memref<1x128xi32, #tpu.memory_space<vmem>> -> memref<128xi32, #tpu.memory_space<vmem>>
        %dma_start3A_96 = arith.constant 0 : i32
        %dma_start3A_97 = arith.constant 0 : i32
        %dma_start3A_98 = tpu.memref_slice %arg13[%dma_start3A_96, %dma_start3A_97] : memref<10240x16xf32, #tpu.memory_space<vmem_shared>> -> memref<10240x16xf32, #tpu.memory_space<vmem_shared>>
        tpu.enqueue_indirect_dma source(%arg7 : memref<128x16xf32, #tpu.memory_space<vmem>>) target(%dma_start3A_98 : memref<10240x16xf32, #tpu.memory_space<vmem_shared>>) offsets(%dma_start3A_95 : memref<128xi32, #tpu.memory_space<vmem>>) semaphore(%arg8 : memref<!tpu.dma_semaphore, #tpu.memory_space<semaphore_mem>>) {add = true}
      } else {
      }
      %mul3A_65 = arith.constant 4 : i32
      %mul3A_66 = arith.muli %mul3A_65, %scan3A_59 : i32
      %add3A_67 = arith.constant 1 : i32
      %add3A_68 = arith.addi %mul3A_66, %add3A_67 : i32
      %lt3A_69 = arith.cmpi slt, %add3A_68, %min3A_8 : i32
      %convert_element_type3A_70 = arith.extui %lt3A_69 : i1 to i32
      %cond3A_71 = arith.constant 0 : i32
      %cond3A_72 = arith.cmpi ne, %convert_element_type3A_70, %cond3A_71 : i32
      scf.if %cond3A_72 {
        %ge3A = arith.constant 4 : i32
        %ge3A_89 = arith.cmpi sge, %add3A_68, %ge3A : i32
        %convert_element_type3A_90 = arith.extui %ge3A_89 : i1 to i32
        %cond3A_91 = arith.constant 0 : i32
        %cond3A_92 = arith.cmpi ne, %convert_element_type3A_90, %cond3A_91 : i32
        scf.if %cond3A_92 {
          %sub3A_99 = arith.constant 4 : i32
          %sub3A_100 = arith.subi %add3A_68, %sub3A_99 : i32
          %dma_wait3A_101 = arith.constant 0 : i32
          %dma_wait3A_102 = tpu.memref_slice %arg6[%sub3A_100, %dma_wait3A_101] : memref<80x128xi32, #tpu.memory_space<vmem>> -> memref<1x128xi32, #tpu.memory_space<vmem>>
          %dma_wait3A_103 = tpu.memref_squeeze %dma_wait3A_102 : memref<1x128xi32, #tpu.memory_space<vmem>> -> memref<128xi32, #tpu.memory_space<vmem>>
          %dma_wait3A_104 = arith.constant 0 : i32
          %dma_wait3A_105 = arith.constant 0 : i32
          %dma_wait3A_106 = tpu.memref_slice %arg13[%dma_wait3A_104, %dma_wait3A_105] : memref<10240x16xf32, #tpu.memory_space<vmem_shared>> -> memref<10240x16xf32, #tpu.memory_space<vmem_shared>>
          tpu.wait_indirect_dma semaphore(%arg9 : memref<!tpu.dma_semaphore, #tpu.memory_space<semaphore_mem>>) src(%arg7 : memref<128x16xf32, #tpu.memory_space<vmem>>) dst(%dma_wait3A_106 : memref<10240x16xf32, #tpu.memory_space<vmem_shared>>)
        } else {
        }
        %dma_start3A_93 = arith.constant 0 : i32
        %dma_start3A_94 = tpu.memref_slice %arg6[%add3A_68, %dma_start3A_93] : memref<80x128xi32, #tpu.memory_space<vmem>> -> memref<1x128xi32, #tpu.memory_space<vmem>>
        %dma_start3A_95 = tpu.memref_squeeze %dma_start3A_94 : memref<1x128xi32, #tpu.memory_space<vmem>> -> memref<128xi32, #tpu.memory_space<vmem>>
        %dma_start3A_96 = arith.constant 0 : i32
        %dma_start3A_97 = arith.constant 0 : i32
        %dma_start3A_98 = tpu.memref_slice %arg13[%dma_start3A_96, %dma_start3A_97] : memref<10240x16xf32, #tpu.memory_space<vmem_shared>> -> memref<10240x16xf32, #tpu.memory_space<vmem_shared>>
        tpu.enqueue_indirect_dma source(%arg7 : memref<128x16xf32, #tpu.memory_space<vmem>>) target(%dma_start3A_98 : memref<10240x16xf32, #tpu.memory_space<vmem_shared>>) offsets(%dma_start3A_95 : memref<128xi32, #tpu.memory_space<vmem>>) semaphore(%arg9 : memref<!tpu.dma_semaphore, #tpu.memory_space<semaphore_mem>>) {add = true}
      } else {
      }
      %mul3A_73 = arith.constant 4 : i32
      %mul3A_74 = arith.muli %mul3A_73, %scan3A_59 : i32
      %add3A_75 = arith.constant 2 : i32
      %add3A_76 = arith.addi %mul3A_74, %add3A_75 : i32
      %lt3A_77 = arith.cmpi slt, %add3A_76, %min3A_8 : i32
      %convert_element_type3A_78 = arith.extui %lt3A_77 : i1 to i32
      %cond3A_79 = arith.constant 0 : i32
      %cond3A_80 = arith.cmpi ne, %convert_element_type3A_78, %cond3A_79 : i32
      scf.if %cond3A_80 {
        %ge3A = arith.constant 4 : i32
        %ge3A_89 = arith.cmpi sge, %add3A_76, %ge3A : i32
        %convert_element_type3A_90 = arith.extui %ge3A_89 : i1 to i32
        %cond3A_91 = arith.constant 0 : i32
        %cond3A_92 = arith.cmpi ne, %convert_element_type3A_90, %cond3A_91 : i32
        scf.if %cond3A_92 {
          %sub3A_99 = arith.constant 4 : i32
          %sub3A_100 = arith.subi %add3A_76, %sub3A_99 : i32
          %dma_wait3A_101 = arith.constant 0 : i32
          %dma_wait3A_102 = tpu.memref_slice %arg6[%sub3A_100, %dma_wait3A_101] : memref<80x128xi32, #tpu.memory_space<vmem>> -> memref<1x128xi32, #tpu.memory_space<vmem>>
          %dma_wait3A_103 = tpu.memref_squeeze %dma_wait3A_102 : memref<1x128xi32, #tpu.memory_space<vmem>> -> memref<128xi32, #tpu.memory_space<vmem>>
          %dma_wait3A_104 = arith.constant 0 : i32
          %dma_wait3A_105 = arith.constant 0 : i32
          %dma_wait3A_106 = tpu.memref_slice %arg13[%dma_wait3A_104, %dma_wait3A_105] : memref<10240x16xf32, #tpu.memory_space<vmem_shared>> -> memref<10240x16xf32, #tpu.memory_space<vmem_shared>>
          tpu.wait_indirect_dma semaphore(%arg10 : memref<!tpu.dma_semaphore, #tpu.memory_space<semaphore_mem>>) src(%arg7 : memref<128x16xf32, #tpu.memory_space<vmem>>) dst(%dma_wait3A_106 : memref<10240x16xf32, #tpu.memory_space<vmem_shared>>)
        } else {
        }
        %dma_start3A_93 = arith.constant 0 : i32
        %dma_start3A_94 = tpu.memref_slice %arg6[%add3A_76, %dma_start3A_93] : memref<80x128xi32, #tpu.memory_space<vmem>> -> memref<1x128xi32, #tpu.memory_space<vmem>>
        %dma_start3A_95 = tpu.memref_squeeze %dma_start3A_94 : memref<1x128xi32, #tpu.memory_space<vmem>> -> memref<128xi32, #tpu.memory_space<vmem>>
        %dma_start3A_96 = arith.constant 0 : i32
        %dma_start3A_97 = arith.constant 0 : i32
        %dma_start3A_98 = tpu.memref_slice %arg13[%dma_start3A_96, %dma_start3A_97] : memref<10240x16xf32, #tpu.memory_space<vmem_shared>> -> memref<10240x16xf32, #tpu.memory_space<vmem_shared>>
        tpu.enqueue_indirect_dma source(%arg7 : memref<128x16xf32, #tpu.memory_space<vmem>>) target(%dma_start3A_98 : memref<10240x16xf32, #tpu.memory_space<vmem_shared>>) offsets(%dma_start3A_95 : memref<128xi32, #tpu.memory_space<vmem>>) semaphore(%arg10 : memref<!tpu.dma_semaphore, #tpu.memory_space<semaphore_mem>>) {add = true}
      } else {
      }
      %mul3A_81 = arith.constant 4 : i32
      %mul3A_82 = arith.muli %mul3A_81, %scan3A_59 : i32
      %add3A_83 = arith.constant 3 : i32
      %add3A_84 = arith.addi %mul3A_82, %add3A_83 : i32
      %lt3A_85 = arith.cmpi slt, %add3A_84, %min3A_8 : i32
      %convert_element_type3A_86 = arith.extui %lt3A_85 : i1 to i32
      %cond3A_87 = arith.constant 0 : i32
      %cond3A_88 = arith.cmpi ne, %convert_element_type3A_86, %cond3A_87 : i32
      scf.if %cond3A_88 {
        %ge3A = arith.constant 4 : i32
        %ge3A_89 = arith.cmpi sge, %add3A_84, %ge3A : i32
        %convert_element_type3A_90 = arith.extui %ge3A_89 : i1 to i32
        %cond3A_91 = arith.constant 0 : i32
        %cond3A_92 = arith.cmpi ne, %convert_element_type3A_90, %cond3A_91 : i32
        scf.if %cond3A_92 {
          %sub3A_99 = arith.constant 4 : i32
          %sub3A_100 = arith.subi %add3A_84, %sub3A_99 : i32
          %dma_wait3A_101 = arith.constant 0 : i32
          %dma_wait3A_102 = tpu.memref_slice %arg6[%sub3A_100, %dma_wait3A_101] : memref<80x128xi32, #tpu.memory_space<vmem>> -> memref<1x128xi32, #tpu.memory_space<vmem>>
          %dma_wait3A_103 = tpu.memref_squeeze %dma_wait3A_102 : memref<1x128xi32, #tpu.memory_space<vmem>> -> memref<128xi32, #tpu.memory_space<vmem>>
          %dma_wait3A_104 = arith.constant 0 : i32
          %dma_wait3A_105 = arith.constant 0 : i32
          %dma_wait3A_106 = tpu.memref_slice %arg13[%dma_wait3A_104, %dma_wait3A_105] : memref<10240x16xf32, #tpu.memory_space<vmem_shared>> -> memref<10240x16xf32, #tpu.memory_space<vmem_shared>>
          tpu.wait_indirect_dma semaphore(%arg11 : memref<!tpu.dma_semaphore, #tpu.memory_space<semaphore_mem>>) src(%arg7 : memref<128x16xf32, #tpu.memory_space<vmem>>) dst(%dma_wait3A_106 : memref<10240x16xf32, #tpu.memory_space<vmem_shared>>)
        } else {
        }
        %dma_start3A_93 = arith.constant 0 : i32
        %dma_start3A_94 = tpu.memref_slice %arg6[%add3A_84, %dma_start3A_93] : memref<80x128xi32, #tpu.memory_space<vmem>> -> memref<1x128xi32, #tpu.memory_space<vmem>>
        %dma_start3A_95 = tpu.memref_squeeze %dma_start3A_94 : memref<1x128xi32, #tpu.memory_space<vmem>> -> memref<128xi32, #tpu.memory_space<vmem>>
        %dma_start3A_96 = arith.constant 0 : i32
        %dma_start3A_97 = arith.constant 0 : i32
        %dma_start3A_98 = tpu.memref_slice %arg13[%dma_start3A_96, %dma_start3A_97] : memref<10240x16xf32, #tpu.memory_space<vmem_shared>> -> memref<10240x16xf32, #tpu.memory_space<vmem_shared>>
        tpu.enqueue_indirect_dma source(%arg7 : memref<128x16xf32, #tpu.memory_space<vmem>>) target(%dma_start3A_98 : memref<10240x16xf32, #tpu.memory_space<vmem_shared>>) offsets(%dma_start3A_95 : memref<128xi32, #tpu.memory_space<vmem>>) semaphore(%arg11 : memref<!tpu.dma_semaphore, #tpu.memory_space<semaphore_mem>>) {add = true}
      } else {
      }
    }
    %scan3A_25 = arith.constant 20 : i32
    %dma_wait3A_26 = arith.constant 0 : i32
    %dma_wait3A_27 = arith.constant 0 : i32
    %dma_wait3A_28 = tpu.memref_slice %arg6[%dma_wait3A_26, %dma_wait3A_27] : memref<80x128xi32, #tpu.memory_space<vmem>> -> memref<1x128xi32, #tpu.memory_space<vmem>>
    %dma_wait3A_29 = tpu.memref_squeeze %dma_wait3A_28 : memref<1x128xi32, #tpu.memory_space<vmem>> -> memref<128xi32, #tpu.memory_space<vmem>>
    %dma_wait3A_30 = arith.constant 0 : i32
    %dma_wait3A_31 = arith.constant 0 : i32
    %dma_wait3A_32 = tpu.memref_slice %arg13[%dma_wait3A_30, %dma_wait3A_31] : memref<10240x16xf32, #tpu.memory_space<vmem_shared>> -> memref<10240x16xf32, #tpu.memory_space<vmem_shared>>
    tpu.wait_indirect_dma semaphore(%arg8 : memref<!tpu.dma_semaphore, #tpu.memory_space<semaphore_mem>>) src(%arg7 : memref<128x16xf32, #tpu.memory_space<vmem>>) dst(%dma_wait3A_32 : memref<10240x16xf32, #tpu.memory_space<vmem_shared>>)
    %dma_wait3A_33 = arith.constant 0 : i32
    %dma_wait3A_34 = arith.constant 0 : i32
    %dma_wait3A_35 = tpu.memref_slice %arg6[%dma_wait3A_33, %dma_wait3A_34] : memref<80x128xi32, #tpu.memory_space<vmem>> -> memref<1x128xi32, #tpu.memory_space<vmem>>
    %dma_wait3A_36 = tpu.memref_squeeze %dma_wait3A_35 : memref<1x128xi32, #tpu.memory_space<vmem>> -> memref<128xi32, #tpu.memory_space<vmem>>
    %dma_wait3A_37 = arith.constant 0 : i32
    %dma_wait3A_38 = arith.constant 0 : i32
    %dma_wait3A_39 = tpu.memref_slice %arg13[%dma_wait3A_37, %dma_wait3A_38] : memref<10240x16xf32, #tpu.memory_space<vmem_shared>> -> memref<10240x16xf32, #tpu.memory_space<vmem_shared>>
    tpu.wait_indirect_dma semaphore(%arg9 : memref<!tpu.dma_semaphore, #tpu.memory_space<semaphore_mem>>) src(%arg7 : memref<128x16xf32, #tpu.memory_space<vmem>>) dst(%dma_wait3A_39 : memref<10240x16xf32, #tpu.memory_space<vmem_shared>>)
    %dma_wait3A_40 = arith.constant 0 : i32
    %dma_wait3A_41 = arith.constant 0 : i32
    %dma_wait3A_42 = tpu.memref_slice %arg6[%dma_wait3A_40, %dma_wait3A_41] : memref<80x128xi32, #tpu.memory_space<vmem>> -> memref<1x128xi32, #tpu.memory_space<vmem>>
    %dma_wait3A_43 = tpu.memref_squeeze %dma_wait3A_42 : memref<1x128xi32, #tpu.memory_space<vmem>> -> memref<128xi32, #tpu.memory_space<vmem>>
    %dma_wait3A_44 = arith.constant 0 : i32
    %dma_wait3A_45 = arith.constant 0 : i32
    %dma_wait3A_46 = tpu.memref_slice %arg13[%dma_wait3A_44, %dma_wait3A_45] : memref<10240x16xf32, #tpu.memory_space<vmem_shared>> -> memref<10240x16xf32, #tpu.memory_space<vmem_shared>>
    tpu.wait_indirect_dma semaphore(%arg10 : memref<!tpu.dma_semaphore, #tpu.memory_space<semaphore_mem>>) src(%arg7 : memref<128x16xf32, #tpu.memory_space<vmem>>) dst(%dma_wait3A_46 : memref<10240x16xf32, #tpu.memory_space<vmem_shared>>)
    %dma_wait3A_47 = arith.constant 0 : i32
    %dma_wait3A_48 = arith.constant 0 : i32
    %dma_wait3A_49 = tpu.memref_slice %arg6[%dma_wait3A_47, %dma_wait3A_48] : memref<80x128xi32, #tpu.memory_space<vmem>> -> memref<1x128xi32, #tpu.memory_space<vmem>>
    %dma_wait3A_50 = tpu.memref_squeeze %dma_wait3A_49 : memref<1x128xi32, #tpu.memory_space<vmem>> -> memref<128xi32, #tpu.memory_space<vmem>>
    %dma_wait3A_51 = arith.constant 0 : i32
    %dma_wait3A_52 = arith.constant 0 : i32
    %dma_wait3A_53 = tpu.memref_slice %arg13[%dma_wait3A_51, %dma_wait3A_52] : memref<10240x16xf32, #tpu.memory_space<vmem_shared>> -> memref<10240x16xf32, #tpu.memory_space<vmem_shared>>
    tpu.wait_indirect_dma semaphore(%arg11 : memref<!tpu.dma_semaphore, #tpu.memory_space<semaphore_mem>>) src(%arg7 : memref<128x16xf32, #tpu.memory_space<vmem>>) dst(%dma_wait3A_53 : memref<10240x16xf32, #tpu.memory_space<vmem_shared>>)
    %barrier3A_54 = arith.constant 0 : index
    tpu.barrier barrier_id(%barrier3A_54)
    %mul3A_55 = arith.constant 640 : i32
    %mul3A_56 = arith.muli %arg1, %mul3A_55 : i32
    %mul3A_57 = arith.constant 640 : i32
    %mul3A_58 = arith.muli %arg1, %mul3A_57 : i32
    "tpu.region"() ({
      %run_scoped3A = tpu.sem_alloc : memref<!tpu.dma_semaphore, #tpu.memory_space<semaphore_mem>>
      %dma_start3A_59 = arith.constant 0 : i32
      %dma_start3A_60 = tpu.memref_slice %arg5[%arg0, %mul3A_58, %dma_start3A_59] : memref<2x10240x16xf32, #tpu.memory_space<hbm>> -> memref<1x640x16xf32, #tpu.memory_space<hbm>>
      %dma_start3A_61 = tpu.memref_squeeze %dma_start3A_60 : memref<1x640x16xf32, #tpu.memory_space<hbm>> -> memref<640x16xf32, #tpu.memory_space<hbm>>
      %dma_start3A_62 = arith.constant 0 : i32
      %dma_start3A_63 = tpu.memref_slice %arg13[%mul3A_56, %dma_start3A_62] : memref<10240x16xf32, #tpu.memory_space<vmem_shared>> -> memref<640x16xf32, #tpu.memory_space<vmem_shared>>
      tpu.enqueue_dma source(%dma_start3A_63 : memref<640x16xf32, #tpu.memory_space<vmem_shared>>) target(%dma_start3A_61 : memref<640x16xf32, #tpu.memory_space<hbm>>) target_semaphore(%run_scoped3A : memref<!tpu.dma_semaphore, #tpu.memory_space<semaphore_mem>>)
      %dma_wait3A_64 = arith.constant 0 : i32
      %dma_wait3A_65 = tpu.memref_slice %arg5[%arg0, %mul3A_58, %dma_wait3A_64] : memref<2x10240x16xf32, #tpu.memory_space<hbm>> -> memref<1x640x16xf32, #tpu.memory_space<hbm>>
      %dma_wait3A_66 = tpu.memref_squeeze %dma_wait3A_65 : memref<1x640x16xf32, #tpu.memory_space<hbm>> -> memref<640x16xf32, #tpu.memory_space<hbm>>
      %dma_wait3A_67 = arith.constant 0 : i32
      %dma_wait3A_68 = tpu.memref_slice %arg13[%mul3A_56, %dma_wait3A_67] : memref<10240x16xf32, #tpu.memory_space<vmem_shared>> -> memref<640x16xf32, #tpu.memory_space<vmem_shared>>
      tpu.wait_dma2 semaphore(%run_scoped3A : memref<!tpu.dma_semaphore, #tpu.memory_space<semaphore_mem>>) src(%dma_wait3A_68 : memref<640x16xf32, #tpu.memory_space<vmem_shared>>) dst(%dma_wait3A_66 : memref<640x16xf32, #tpu.memory_space<hbm>>)
      tpu.yield
    }) : () -> ()
    return
  }
}

#map = affine_map<(d0, d1) -> (0, 0)>
#map1 = affine_map<(d0, d1) -> (0, 0, 0)>
module attributes {stable_mosaic.version = 14 : i64} {
  func.func @_sc_agg(%arg0: i32, %arg1: i32, %arg2: memref<10240x16xf32, #tpu.memory_space<hbm>>, %arg3: memref<2x2560x128xi32, #tpu.memory_space<hbm>>, %arg4: memref<10240x16xf32, #tpu.memory_space<hbm>>, %arg5: memref<2x10240x16xf32, #tpu.memory_space<hbm>>, %arg6: memref<80x128xi32, #tpu.memory_space<vmem>>, %arg7: memref<80x128xi32, #tpu.memory_space<vmem>>, %arg8: memref<128x16xf32, #tpu.memory_space<vmem>>, %arg9: memref<128x16xf32, #tpu.memory_space<vmem>>, %arg10: memref<128x16xf32, #tpu.memory_space<vmem>>, %arg11: memref<128x16xf32, #tpu.memory_space<vmem>>, %arg12: memref<!tpu.dma_semaphore, #tpu.memory_space<semaphore_mem>>, %arg13: memref<!tpu.dma_semaphore, #tpu.memory_space<semaphore_mem>>, %arg14: memref<!tpu.dma_semaphore, #tpu.memory_space<semaphore_mem>>, %arg15: memref<!tpu.dma_semaphore, #tpu.memory_space<semaphore_mem>>, %arg16: memref<!tpu.dma_semaphore, #tpu.memory_space<semaphore_mem>>, %arg17: memref<!tpu.dma_semaphore, #tpu.memory_space<semaphore_mem>>, %arg18: memref<!tpu.dma_semaphore, #tpu.memory_space<semaphore_mem>>, %arg19: memref<!tpu.dma_semaphore, #tpu.memory_space<semaphore_mem>>, %arg20: memref<10240x16xf32, #tpu.memory_space<vmem_shared>>) attributes {dimension_semantics = [#tpu.dimension_semantics<core_parallel>, #tpu.dimension_semantics<subcore_parallel>], iteration_bounds = array<i64: 2, 16>, scalar_prefetch = 0 : i64, scratch_operands = 15 : i64, tpu.core_type = #tpu.core_type<sc_vector_subcore>, window_params = [{transform_indices = #map}, {transform_indices = #map1}, {transform_indices = #map}, {transform_indices = #map1}]} {
    %mul3A = arith.constant 2 : i32
    %mul3A_0 = arith.muli %arg1, %mul3A : i32
    %add3A = arith.addi %mul3A_0, %arg0 : i32
    %mul3A_1 = arith.constant 640 : i32
    %mul3A_2 = arith.muli %arg1, %mul3A_1 : i32
    %mul3A_3 = arith.constant 640 : i32
    %mul3A_4 = arith.muli %arg1, %mul3A_3 : i32
    "tpu.region"() ({
      %run_scoped3A = tpu.sem_alloc : memref<!tpu.dma_semaphore, #tpu.memory_space<semaphore_mem>>
      %dma_start3A_87 = arith.constant 0 : i32
      %dma_start3A_88 = tpu.memref_slice %arg20[%mul3A_4, %dma_start3A_87] : memref<10240x16xf32, #tpu.memory_space<vmem_shared>> -> memref<640x16xf32, #tpu.memory_space<vmem_shared>>
      %dma_start3A_89 = arith.constant 0 : i32
      %dma_start3A_90 = tpu.memref_slice %arg4[%mul3A_2, %dma_start3A_89] : memref<10240x16xf32, #tpu.memory_space<hbm>> -> memref<640x16xf32, #tpu.memory_space<hbm>>
      tpu.enqueue_dma source(%dma_start3A_90 : memref<640x16xf32, #tpu.memory_space<hbm>>) target(%dma_start3A_88 : memref<640x16xf32, #tpu.memory_space<vmem_shared>>) target_semaphore(%run_scoped3A : memref<!tpu.dma_semaphore, #tpu.memory_space<semaphore_mem>>)
      %dma_wait3A_91 = arith.constant 0 : i32
      %dma_wait3A_92 = tpu.memref_slice %arg20[%mul3A_4, %dma_wait3A_91] : memref<10240x16xf32, #tpu.memory_space<vmem_shared>> -> memref<640x16xf32, #tpu.memory_space<vmem_shared>>
      %dma_wait3A_93 = arith.constant 0 : i32
      %dma_wait3A_94 = tpu.memref_slice %arg4[%mul3A_2, %dma_wait3A_93] : memref<10240x16xf32, #tpu.memory_space<hbm>> -> memref<640x16xf32, #tpu.memory_space<hbm>>
      tpu.wait_dma2 semaphore(%run_scoped3A : memref<!tpu.dma_semaphore, #tpu.memory_space<semaphore_mem>>) src(%dma_wait3A_94 : memref<640x16xf32, #tpu.memory_space<hbm>>) dst(%dma_wait3A_92 : memref<640x16xf32, #tpu.memory_space<vmem_shared>>)
      tpu.yield
    }) : () -> ()
    %mul3A_5 = arith.constant 80 : i32
    %mul3A_6 = arith.muli %add3A, %mul3A_5 : i32
    %sub3A = arith.constant 2500 : i32
    %sub3A_7 = arith.subi %sub3A, %mul3A_6 : i32
    %min3A = arith.constant 80 : i32
    %min3A_8 = arith.minsi %sub3A_7, %min3A : i32
    %dma_start3A = arith.constant 0 : i32
    %dma_start3A_9 = arith.constant 0 : i32
    %dma_start3A_10 = tpu.memref_slice %arg3[%dma_start3A, %mul3A_6, %dma_start3A_9] : memref<2x2560x128xi32, #tpu.memory_space<hbm>> -> memref<1x80x128xi32, #tpu.memory_space<hbm>>
    %dma_start3A_11 = tpu.memref_squeeze %dma_start3A_10 : memref<1x80x128xi32, #tpu.memory_space<hbm>> -> memref<80x128xi32, #tpu.memory_space<hbm>>
    %dma_start3A_12 = arith.constant 0 : i32
    %dma_start3A_13 = tpu.memref_slice %arg3[%dma_start3A, %mul3A_6, %dma_start3A_12] : memref<2x2560x128xi32, #tpu.memory_space<hbm>> -> memref<1x80x128xi32, #tpu.memory_space<hbm>>
    %dma_start3A_14 = tpu.memref_squeeze %dma_start3A_13 : memref<1x80x128xi32, #tpu.memory_space<hbm>> -> memref<80x128xi32, #tpu.memory_space<hbm>>
    tpu.enqueue_dma source(%dma_start3A_14 : memref<80x128xi32, #tpu.memory_space<hbm>>) target(%arg6 : memref<80x128xi32, #tpu.memory_space<vmem>>) target_semaphore(%arg12 : memref<!tpu.dma_semaphore, #tpu.memory_space<semaphore_mem>>)
    %dma_start3A_15 = arith.constant 1 : i32
    %dma_start3A_16 = arith.constant 0 : i32
    %dma_start3A_17 = tpu.memref_slice %arg3[%dma_start3A_15, %mul3A_6, %dma_start3A_16] : memref<2x2560x128xi32, #tpu.memory_space<hbm>> -> memref<1x80x128xi32, #tpu.memory_space<hbm>>
    %dma_start3A_18 = tpu.memref_squeeze %dma_start3A_17 : memref<1x80x128xi32, #tpu.memory_space<hbm>> -> memref<80x128xi32, #tpu.memory_space<hbm>>
    %dma_start3A_19 = arith.constant 0 : i32
    %dma_start3A_20 = tpu.memref_slice %arg3[%dma_start3A_15, %mul3A_6, %dma_start3A_19] : memref<2x2560x128xi32, #tpu.memory_space<hbm>> -> memref<1x80x128xi32, #tpu.memory_space<hbm>>
    %dma_start3A_21 = tpu.memref_squeeze %dma_start3A_20 : memref<1x80x128xi32, #tpu.memory_space<hbm>> -> memref<80x128xi32, #tpu.memory_space<hbm>>
    tpu.enqueue_dma source(%dma_start3A_21 : memref<80x128xi32, #tpu.memory_space<hbm>>) target(%arg7 : memref<80x128xi32, #tpu.memory_space<vmem>>) target_semaphore(%arg13 : memref<!tpu.dma_semaphore, #tpu.memory_space<semaphore_mem>>)
    %dma_wait3A = arith.constant 0 : i32
    %dma_wait3A_22 = arith.constant 0 : i32
    %dma_wait3A_23 = tpu.memref_slice %arg3[%dma_wait3A, %mul3A_6, %dma_wait3A_22] : memref<2x2560x128xi32, #tpu.memory_space<hbm>> -> memref<1x80x128xi32, #tpu.memory_space<hbm>>
    %dma_wait3A_24 = tpu.memref_squeeze %dma_wait3A_23 : memref<1x80x128xi32, #tpu.memory_space<hbm>> -> memref<80x128xi32, #tpu.memory_space<hbm>>
    %dma_wait3A_25 = arith.constant 0 : i32
    %dma_wait3A_26 = tpu.memref_slice %arg3[%dma_wait3A, %mul3A_6, %dma_wait3A_25] : memref<2x2560x128xi32, #tpu.memory_space<hbm>> -> memref<1x80x128xi32, #tpu.memory_space<hbm>>
    %dma_wait3A_27 = tpu.memref_squeeze %dma_wait3A_26 : memref<1x80x128xi32, #tpu.memory_space<hbm>> -> memref<80x128xi32, #tpu.memory_space<hbm>>
    tpu.wait_dma2 semaphore(%arg12 : memref<!tpu.dma_semaphore, #tpu.memory_space<semaphore_mem>>) src(%dma_wait3A_27 : memref<80x128xi32, #tpu.memory_space<hbm>>) dst(%arg6 : memref<80x128xi32, #tpu.memory_space<vmem>>)
    %dma_wait3A_28 = arith.constant 1 : i32
    %dma_wait3A_29 = arith.constant 0 : i32
    %dma_wait3A_30 = tpu.memref_slice %arg3[%dma_wait3A_28, %mul3A_6, %dma_wait3A_29] : memref<2x2560x128xi32, #tpu.memory_space<hbm>> -> memref<1x80x128xi32, #tpu.memory_space<hbm>>
    %dma_wait3A_31 = tpu.memref_squeeze %dma_wait3A_30 : memref<1x80x128xi32, #tpu.memory_space<hbm>> -> memref<80x128xi32, #tpu.memory_space<hbm>>
    %dma_wait3A_32 = arith.constant 0 : i32
    %dma_wait3A_33 = tpu.memref_slice %arg3[%dma_wait3A_28, %mul3A_6, %dma_wait3A_32] : memref<2x2560x128xi32, #tpu.memory_space<hbm>> -> memref<1x80x128xi32, #tpu.memory_space<hbm>>
    %dma_wait3A_34 = tpu.memref_squeeze %dma_wait3A_33 : memref<1x80x128xi32, #tpu.memory_space<hbm>> -> memref<80x128xi32, #tpu.memory_space<hbm>>
    tpu.wait_dma2 semaphore(%arg13 : memref<!tpu.dma_semaphore, #tpu.memory_space<semaphore_mem>>) src(%dma_wait3A_34 : memref<80x128xi32, #tpu.memory_space<hbm>>) dst(%arg7 : memref<80x128xi32, #tpu.memory_space<vmem>>)
    %barrier3A = arith.constant 0 : index
    tpu.barrier barrier_id(%barrier3A)
    %dma_start3A_35 = arith.constant 0 : i32
    %dma_start3A_36 = arith.constant 0 : i32
    %dma_start3A_37 = tpu.memref_slice %arg6[%dma_start3A_35, %dma_start3A_36] : memref<80x128xi32, #tpu.memory_space<vmem>> -> memref<1x128xi32, #tpu.memory_space<vmem>>
    %dma_start3A_38 = tpu.memref_squeeze %dma_start3A_37 : memref<1x128xi32, #tpu.memory_space<vmem>> -> memref<128xi32, #tpu.memory_space<vmem>>
    %dma_start3A_39 = arith.constant 0 : i32
    %dma_start3A_40 = arith.constant 0 : i32
    %dma_start3A_41 = tpu.memref_slice %arg2[%dma_start3A_39, %dma_start3A_40] : memref<10240x16xf32, #tpu.memory_space<hbm>> -> memref<10240x16xf32, #tpu.memory_space<hbm>>
    tpu.enqueue_indirect_dma source(%dma_start3A_41 : memref<10240x16xf32, #tpu.memory_space<hbm>>) target(%arg8 : memref<128x16xf32, #tpu.memory_space<vmem>>) offsets(%dma_start3A_38 : memref<128xi32, #tpu.memory_space<vmem>>) semaphore(%arg12 : memref<!tpu.dma_semaphore, #tpu.memory_space<semaphore_mem>>)
    %dma_start3A_42 = arith.constant 1 : i32
    %dma_start3A_43 = arith.constant 0 : i32
    %dma_start3A_44 = tpu.memref_slice %arg6[%dma_start3A_42, %dma_start3A_43] : memref<80x128xi32, #tpu.memory_space<vmem>> -> memref<1x128xi32, #tpu.memory_space<vmem>>
    %dma_start3A_45 = tpu.memref_squeeze %dma_start3A_44 : memref<1x128xi32, #tpu.memory_space<vmem>> -> memref<128xi32, #tpu.memory_space<vmem>>
    %dma_start3A_46 = arith.constant 0 : i32
    %dma_start3A_47 = arith.constant 0 : i32
    %dma_start3A_48 = tpu.memref_slice %arg2[%dma_start3A_46, %dma_start3A_47] : memref<10240x16xf32, #tpu.memory_space<hbm>> -> memref<10240x16xf32, #tpu.memory_space<hbm>>
    tpu.enqueue_indirect_dma source(%dma_start3A_48 : memref<10240x16xf32, #tpu.memory_space<hbm>>) target(%arg9 : memref<128x16xf32, #tpu.memory_space<vmem>>) offsets(%dma_start3A_45 : memref<128xi32, #tpu.memory_space<vmem>>) semaphore(%arg13 : memref<!tpu.dma_semaphore, #tpu.memory_space<semaphore_mem>>)
    %scan3A = arith.constant 0 : i32
    %scan3A_49 = arith.constant 0 : i32
    %scan3A_50 = arith.constant 20 : i32
    %scan3A_51 = arith.addi %scan3A_49, %scan3A_50 : i32
    %scan3A_52 = arith.constant 1 : i32
    scf.for %scan3A_87 = %scan3A_49 to %scan3A_51 step %scan3A_52  : i32 {
      %mul3A_88 = arith.constant 4 : i32
      %mul3A_89 = arith.muli %mul3A_88, %scan3A_87 : i32
      %add3A_90 = arith.constant 0 : i32
      %add3A_91 = arith.addi %mul3A_89, %add3A_90 : i32
      %lt3A = arith.cmpi slt, %add3A_91, %min3A_8 : i32
      %convert_element_type3A = arith.extui %lt3A : i1 to i32
      %cond3A = arith.constant 0 : i32
      %cond3A_92 = arith.cmpi ne, %convert_element_type3A, %cond3A : i32
      scf.if %cond3A_92 {
        %dma_wait3A_117 = arith.constant 0 : i32
        %dma_wait3A_118 = tpu.memref_slice %arg6[%add3A_91, %dma_wait3A_117] : memref<80x128xi32, #tpu.memory_space<vmem>> -> memref<1x128xi32, #tpu.memory_space<vmem>>
        %dma_wait3A_119 = tpu.memref_squeeze %dma_wait3A_118 : memref<1x128xi32, #tpu.memory_space<vmem>> -> memref<128xi32, #tpu.memory_space<vmem>>
        %dma_wait3A_120 = arith.constant 0 : i32
        %dma_wait3A_121 = arith.constant 0 : i32
        %dma_wait3A_122 = tpu.memref_slice %arg2[%dma_wait3A_120, %dma_wait3A_121] : memref<10240x16xf32, #tpu.memory_space<hbm>> -> memref<10240x16xf32, #tpu.memory_space<hbm>>
        tpu.wait_indirect_dma semaphore(%arg12 : memref<!tpu.dma_semaphore, #tpu.memory_space<semaphore_mem>>) src(%dma_wait3A_122 : memref<10240x16xf32, #tpu.memory_space<hbm>>) dst(%arg8 : memref<128x16xf32, #tpu.memory_space<vmem>>)
        %dma_start3A_123 = arith.constant 0 : i32
        %dma_start3A_124 = tpu.memref_slice %arg7[%add3A_91, %dma_start3A_123] : memref<80x128xi32, #tpu.memory_space<vmem>> -> memref<1x128xi32, #tpu.memory_space<vmem>>
        %dma_start3A_125 = tpu.memref_squeeze %dma_start3A_124 : memref<1x128xi32, #tpu.memory_space<vmem>> -> memref<128xi32, #tpu.memory_space<vmem>>
        %dma_start3A_126 = arith.constant 0 : i32
        %dma_start3A_127 = arith.constant 0 : i32
        %dma_start3A_128 = tpu.memref_slice %arg20[%dma_start3A_126, %dma_start3A_127] : memref<10240x16xf32, #tpu.memory_space<vmem_shared>> -> memref<10240x16xf32, #tpu.memory_space<vmem_shared>>
        tpu.enqueue_indirect_dma source(%arg8 : memref<128x16xf32, #tpu.memory_space<vmem>>) target(%dma_start3A_128 : memref<10240x16xf32, #tpu.memory_space<vmem_shared>>) offsets(%dma_start3A_125 : memref<128xi32, #tpu.memory_space<vmem>>) semaphore(%arg16 : memref<!tpu.dma_semaphore, #tpu.memory_space<semaphore_mem>>) {add = true}
        %add3A_129 = arith.constant 2 : i32
        %add3A_130 = arith.addi %add3A_91, %add3A_129 : i32
        %lt3A_131 = arith.cmpi slt, %add3A_130, %min3A_8 : i32
        %convert_element_type3A_132 = arith.extui %lt3A_131 : i1 to i32
        %cond3A_133 = arith.constant 0 : i32
        %cond3A_134 = arith.cmpi ne, %convert_element_type3A_132, %cond3A_133 : i32
        scf.if %cond3A_134 {
          %ge3A = arith.constant 4 : i32
          %ge3A_135 = arith.cmpi sge, %add3A_130, %ge3A : i32
          %convert_element_type3A_136 = arith.extui %ge3A_135 : i1 to i32
          %cond3A_137 = arith.constant 0 : i32
          %cond3A_138 = arith.cmpi ne, %convert_element_type3A_136, %cond3A_137 : i32
          scf.if %cond3A_138 {
            %sub3A_145 = arith.constant 4 : i32
            %sub3A_146 = arith.subi %add3A_130, %sub3A_145 : i32
            %dma_wait3A_147 = arith.constant 0 : i32
            %dma_wait3A_148 = tpu.memref_slice %arg7[%sub3A_146, %dma_wait3A_147] : memref<80x128xi32, #tpu.memory_space<vmem>> -> memref<1x128xi32, #tpu.memory_space<vmem>>
            %dma_wait3A_149 = tpu.memref_squeeze %dma_wait3A_148 : memref<1x128xi32, #tpu.memory_space<vmem>> -> memref<128xi32, #tpu.memory_space<vmem>>
            %dma_wait3A_150 = arith.constant 0 : i32
            %dma_wait3A_151 = arith.constant 0 : i32
            %dma_wait3A_152 = tpu.memref_slice %arg20[%dma_wait3A_150, %dma_wait3A_151] : memref<10240x16xf32, #tpu.memory_space<vmem_shared>> -> memref<10240x16xf32, #tpu.memory_space<vmem_shared>>
            tpu.wait_indirect_dma semaphore(%arg18 : memref<!tpu.dma_semaphore, #tpu.memory_space<semaphore_mem>>) src(%arg10 : memref<128x16xf32, #tpu.memory_space<vmem>>) dst(%dma_wait3A_152 : memref<10240x16xf32, #tpu.memory_space<vmem_shared>>)
          } else {
          }
          %dma_start3A_139 = arith.constant 0 : i32
          %dma_start3A_140 = tpu.memref_slice %arg6[%add3A_130, %dma_start3A_139] : memref<80x128xi32, #tpu.memory_space<vmem>> -> memref<1x128xi32, #tpu.memory_space<vmem>>
          %dma_start3A_141 = tpu.memref_squeeze %dma_start3A_140 : memref<1x128xi32, #tpu.memory_space<vmem>> -> memref<128xi32, #tpu.memory_space<vmem>>
          %dma_start3A_142 = arith.constant 0 : i32
          %dma_start3A_143 = arith.constant 0 : i32
          %dma_start3A_144 = tpu.memref_slice %arg2[%dma_start3A_142, %dma_start3A_143] : memref<10240x16xf32, #tpu.memory_space<hbm>> -> memref<10240x16xf32, #tpu.memory_space<hbm>>
          tpu.enqueue_indirect_dma source(%dma_start3A_144 : memref<10240x16xf32, #tpu.memory_space<hbm>>) target(%arg10 : memref<128x16xf32, #tpu.memory_space<vmem>>) offsets(%dma_start3A_141 : memref<128xi32, #tpu.memory_space<vmem>>) semaphore(%arg14 : memref<!tpu.dma_semaphore, #tpu.memory_space<semaphore_mem>>)
        } else {
        }
      } else {
      }
      %mul3A_93 = arith.constant 4 : i32
      %mul3A_94 = arith.muli %mul3A_93, %scan3A_87 : i32
      %add3A_95 = arith.constant 1 : i32
      %add3A_96 = arith.addi %mul3A_94, %add3A_95 : i32
      %lt3A_97 = arith.cmpi slt, %add3A_96, %min3A_8 : i32
      %convert_element_type3A_98 = arith.extui %lt3A_97 : i1 to i32
      %cond3A_99 = arith.constant 0 : i32
      %cond3A_100 = arith.cmpi ne, %convert_element_type3A_98, %cond3A_99 : i32
      scf.if %cond3A_100 {
        %dma_wait3A_117 = arith.constant 0 : i32
        %dma_wait3A_118 = tpu.memref_slice %arg6[%add3A_96, %dma_wait3A_117] : memref<80x128xi32, #tpu.memory_space<vmem>> -> memref<1x128xi32, #tpu.memory_space<vmem>>
        %dma_wait3A_119 = tpu.memref_squeeze %dma_wait3A_118 : memref<1x128xi32, #tpu.memory_space<vmem>> -> memref<128xi32, #tpu.memory_space<vmem>>
        %dma_wait3A_120 = arith.constant 0 : i32
        %dma_wait3A_121 = arith.constant 0 : i32
        %dma_wait3A_122 = tpu.memref_slice %arg2[%dma_wait3A_120, %dma_wait3A_121] : memref<10240x16xf32, #tpu.memory_space<hbm>> -> memref<10240x16xf32, #tpu.memory_space<hbm>>
        tpu.wait_indirect_dma semaphore(%arg13 : memref<!tpu.dma_semaphore, #tpu.memory_space<semaphore_mem>>) src(%dma_wait3A_122 : memref<10240x16xf32, #tpu.memory_space<hbm>>) dst(%arg9 : memref<128x16xf32, #tpu.memory_space<vmem>>)
        %dma_start3A_123 = arith.constant 0 : i32
        %dma_start3A_124 = tpu.memref_slice %arg7[%add3A_96, %dma_start3A_123] : memref<80x128xi32, #tpu.memory_space<vmem>> -> memref<1x128xi32, #tpu.memory_space<vmem>>
        %dma_start3A_125 = tpu.memref_squeeze %dma_start3A_124 : memref<1x128xi32, #tpu.memory_space<vmem>> -> memref<128xi32, #tpu.memory_space<vmem>>
        %dma_start3A_126 = arith.constant 0 : i32
        %dma_start3A_127 = arith.constant 0 : i32
        %dma_start3A_128 = tpu.memref_slice %arg20[%dma_start3A_126, %dma_start3A_127] : memref<10240x16xf32, #tpu.memory_space<vmem_shared>> -> memref<10240x16xf32, #tpu.memory_space<vmem_shared>>
        tpu.enqueue_indirect_dma source(%arg9 : memref<128x16xf32, #tpu.memory_space<vmem>>) target(%dma_start3A_128 : memref<10240x16xf32, #tpu.memory_space<vmem_shared>>) offsets(%dma_start3A_125 : memref<128xi32, #tpu.memory_space<vmem>>) semaphore(%arg17 : memref<!tpu.dma_semaphore, #tpu.memory_space<semaphore_mem>>) {add = true}
        %add3A_129 = arith.constant 2 : i32
        %add3A_130 = arith.addi %add3A_96, %add3A_129 : i32
        %lt3A_131 = arith.cmpi slt, %add3A_130, %min3A_8 : i32
        %convert_element_type3A_132 = arith.extui %lt3A_131 : i1 to i32
        %cond3A_133 = arith.constant 0 : i32
        %cond3A_134 = arith.cmpi ne, %convert_element_type3A_132, %cond3A_133 : i32
        scf.if %cond3A_134 {
          %ge3A = arith.constant 4 : i32
          %ge3A_135 = arith.cmpi sge, %add3A_130, %ge3A : i32
          %convert_element_type3A_136 = arith.extui %ge3A_135 : i1 to i32
          %cond3A_137 = arith.constant 0 : i32
          %cond3A_138 = arith.cmpi ne, %convert_element_type3A_136, %cond3A_137 : i32
          scf.if %cond3A_138 {
            %sub3A_145 = arith.constant 4 : i32
            %sub3A_146 = arith.subi %add3A_130, %sub3A_145 : i32
            %dma_wait3A_147 = arith.constant 0 : i32
            %dma_wait3A_148 = tpu.memref_slice %arg7[%sub3A_146, %dma_wait3A_147] : memref<80x128xi32, #tpu.memory_space<vmem>> -> memref<1x128xi32, #tpu.memory_space<vmem>>
            %dma_wait3A_149 = tpu.memref_squeeze %dma_wait3A_148 : memref<1x128xi32, #tpu.memory_space<vmem>> -> memref<128xi32, #tpu.memory_space<vmem>>
            %dma_wait3A_150 = arith.constant 0 : i32
            %dma_wait3A_151 = arith.constant 0 : i32
            %dma_wait3A_152 = tpu.memref_slice %arg20[%dma_wait3A_150, %dma_wait3A_151] : memref<10240x16xf32, #tpu.memory_space<vmem_shared>> -> memref<10240x16xf32, #tpu.memory_space<vmem_shared>>
            tpu.wait_indirect_dma semaphore(%arg19 : memref<!tpu.dma_semaphore, #tpu.memory_space<semaphore_mem>>) src(%arg11 : memref<128x16xf32, #tpu.memory_space<vmem>>) dst(%dma_wait3A_152 : memref<10240x16xf32, #tpu.memory_space<vmem_shared>>)
          } else {
          }
          %dma_start3A_139 = arith.constant 0 : i32
          %dma_start3A_140 = tpu.memref_slice %arg6[%add3A_130, %dma_start3A_139] : memref<80x128xi32, #tpu.memory_space<vmem>> -> memref<1x128xi32, #tpu.memory_space<vmem>>
          %dma_start3A_141 = tpu.memref_squeeze %dma_start3A_140 : memref<1x128xi32, #tpu.memory_space<vmem>> -> memref<128xi32, #tpu.memory_space<vmem>>
          %dma_start3A_142 = arith.constant 0 : i32
          %dma_start3A_143 = arith.constant 0 : i32
          %dma_start3A_144 = tpu.memref_slice %arg2[%dma_start3A_142, %dma_start3A_143] : memref<10240x16xf32, #tpu.memory_space<hbm>> -> memref<10240x16xf32, #tpu.memory_space<hbm>>
          tpu.enqueue_indirect_dma source(%dma_start3A_144 : memref<10240x16xf32, #tpu.memory_space<hbm>>) target(%arg11 : memref<128x16xf32, #tpu.memory_space<vmem>>) offsets(%dma_start3A_141 : memref<128xi32, #tpu.memory_space<vmem>>) semaphore(%arg15 : memref<!tpu.dma_semaphore, #tpu.memory_space<semaphore_mem>>)
        } else {
        }
      } else {
      }
      %mul3A_101 = arith.constant 4 : i32
      %mul3A_102 = arith.muli %mul3A_101, %scan3A_87 : i32
      %add3A_103 = arith.constant 2 : i32
      %add3A_104 = arith.addi %mul3A_102, %add3A_103 : i32
      %lt3A_105 = arith.cmpi slt, %add3A_104, %min3A_8 : i32
      %convert_element_type3A_106 = arith.extui %lt3A_105 : i1 to i32
      %cond3A_107 = arith.constant 0 : i32
      %cond3A_108 = arith.cmpi ne, %convert_element_type3A_106, %cond3A_107 : i32
      scf.if %cond3A_108 {
        %dma_wait3A_117 = arith.constant 0 : i32
        %dma_wait3A_118 = tpu.memref_slice %arg6[%add3A_104, %dma_wait3A_117] : memref<80x128xi32, #tpu.memory_space<vmem>> -> memref<1x128xi32, #tpu.memory_space<vmem>>
        %dma_wait3A_119 = tpu.memref_squeeze %dma_wait3A_118 : memref<1x128xi32, #tpu.memory_space<vmem>> -> memref<128xi32, #tpu.memory_space<vmem>>
        %dma_wait3A_120 = arith.constant 0 : i32
        %dma_wait3A_121 = arith.constant 0 : i32
        %dma_wait3A_122 = tpu.memref_slice %arg2[%dma_wait3A_120, %dma_wait3A_121] : memref<10240x16xf32, #tpu.memory_space<hbm>> -> memref<10240x16xf32, #tpu.memory_space<hbm>>
        tpu.wait_indirect_dma semaphore(%arg14 : memref<!tpu.dma_semaphore, #tpu.memory_space<semaphore_mem>>) src(%dma_wait3A_122 : memref<10240x16xf32, #tpu.memory_space<hbm>>) dst(%arg10 : memref<128x16xf32, #tpu.memory_space<vmem>>)
        %dma_start3A_123 = arith.constant 0 : i32
        %dma_start3A_124 = tpu.memref_slice %arg7[%add3A_104, %dma_start3A_123] : memref<80x128xi32, #tpu.memory_space<vmem>> -> memref<1x128xi32, #tpu.memory_space<vmem>>
        %dma_start3A_125 = tpu.memref_squeeze %dma_start3A_124 : memref<1x128xi32, #tpu.memory_space<vmem>> -> memref<128xi32, #tpu.memory_space<vmem>>
        %dma_start3A_126 = arith.constant 0 : i32
        %dma_start3A_127 = arith.constant 0 : i32
        %dma_start3A_128 = tpu.memref_slice %arg20[%dma_start3A_126, %dma_start3A_127] : memref<10240x16xf32, #tpu.memory_space<vmem_shared>> -> memref<10240x16xf32, #tpu.memory_space<vmem_shared>>
        tpu.enqueue_indirect_dma source(%arg10 : memref<128x16xf32, #tpu.memory_space<vmem>>) target(%dma_start3A_128 : memref<10240x16xf32, #tpu.memory_space<vmem_shared>>) offsets(%dma_start3A_125 : memref<128xi32, #tpu.memory_space<vmem>>) semaphore(%arg18 : memref<!tpu.dma_semaphore, #tpu.memory_space<semaphore_mem>>) {add = true}
        %add3A_129 = arith.constant 2 : i32
        %add3A_130 = arith.addi %add3A_104, %add3A_129 : i32
        %lt3A_131 = arith.cmpi slt, %add3A_130, %min3A_8 : i32
        %convert_element_type3A_132 = arith.extui %lt3A_131 : i1 to i32
        %cond3A_133 = arith.constant 0 : i32
        %cond3A_134 = arith.cmpi ne, %convert_element_type3A_132, %cond3A_133 : i32
        scf.if %cond3A_134 {
          %ge3A = arith.constant 4 : i32
          %ge3A_135 = arith.cmpi sge, %add3A_130, %ge3A : i32
          %convert_element_type3A_136 = arith.extui %ge3A_135 : i1 to i32
          %cond3A_137 = arith.constant 0 : i32
          %cond3A_138 = arith.cmpi ne, %convert_element_type3A_136, %cond3A_137 : i32
          scf.if %cond3A_138 {
            %sub3A_145 = arith.constant 4 : i32
            %sub3A_146 = arith.subi %add3A_130, %sub3A_145 : i32
            %dma_wait3A_147 = arith.constant 0 : i32
            %dma_wait3A_148 = tpu.memref_slice %arg7[%sub3A_146, %dma_wait3A_147] : memref<80x128xi32, #tpu.memory_space<vmem>> -> memref<1x128xi32, #tpu.memory_space<vmem>>
            %dma_wait3A_149 = tpu.memref_squeeze %dma_wait3A_148 : memref<1x128xi32, #tpu.memory_space<vmem>> -> memref<128xi32, #tpu.memory_space<vmem>>
            %dma_wait3A_150 = arith.constant 0 : i32
            %dma_wait3A_151 = arith.constant 0 : i32
            %dma_wait3A_152 = tpu.memref_slice %arg20[%dma_wait3A_150, %dma_wait3A_151] : memref<10240x16xf32, #tpu.memory_space<vmem_shared>> -> memref<10240x16xf32, #tpu.memory_space<vmem_shared>>
            tpu.wait_indirect_dma semaphore(%arg16 : memref<!tpu.dma_semaphore, #tpu.memory_space<semaphore_mem>>) src(%arg8 : memref<128x16xf32, #tpu.memory_space<vmem>>) dst(%dma_wait3A_152 : memref<10240x16xf32, #tpu.memory_space<vmem_shared>>)
          } else {
          }
          %dma_start3A_139 = arith.constant 0 : i32
          %dma_start3A_140 = tpu.memref_slice %arg6[%add3A_130, %dma_start3A_139] : memref<80x128xi32, #tpu.memory_space<vmem>> -> memref<1x128xi32, #tpu.memory_space<vmem>>
          %dma_start3A_141 = tpu.memref_squeeze %dma_start3A_140 : memref<1x128xi32, #tpu.memory_space<vmem>> -> memref<128xi32, #tpu.memory_space<vmem>>
          %dma_start3A_142 = arith.constant 0 : i32
          %dma_start3A_143 = arith.constant 0 : i32
          %dma_start3A_144 = tpu.memref_slice %arg2[%dma_start3A_142, %dma_start3A_143] : memref<10240x16xf32, #tpu.memory_space<hbm>> -> memref<10240x16xf32, #tpu.memory_space<hbm>>
          tpu.enqueue_indirect_dma source(%dma_start3A_144 : memref<10240x16xf32, #tpu.memory_space<hbm>>) target(%arg8 : memref<128x16xf32, #tpu.memory_space<vmem>>) offsets(%dma_start3A_141 : memref<128xi32, #tpu.memory_space<vmem>>) semaphore(%arg12 : memref<!tpu.dma_semaphore, #tpu.memory_space<semaphore_mem>>)
        } else {
        }
      } else {
      }
      %mul3A_109 = arith.constant 4 : i32
      %mul3A_110 = arith.muli %mul3A_109, %scan3A_87 : i32
      %add3A_111 = arith.constant 3 : i32
      %add3A_112 = arith.addi %mul3A_110, %add3A_111 : i32
      %lt3A_113 = arith.cmpi slt, %add3A_112, %min3A_8 : i32
      %convert_element_type3A_114 = arith.extui %lt3A_113 : i1 to i32
      %cond3A_115 = arith.constant 0 : i32
      %cond3A_116 = arith.cmpi ne, %convert_element_type3A_114, %cond3A_115 : i32
      scf.if %cond3A_116 {
        %dma_wait3A_117 = arith.constant 0 : i32
        %dma_wait3A_118 = tpu.memref_slice %arg6[%add3A_112, %dma_wait3A_117] : memref<80x128xi32, #tpu.memory_space<vmem>> -> memref<1x128xi32, #tpu.memory_space<vmem>>
        %dma_wait3A_119 = tpu.memref_squeeze %dma_wait3A_118 : memref<1x128xi32, #tpu.memory_space<vmem>> -> memref<128xi32, #tpu.memory_space<vmem>>
        %dma_wait3A_120 = arith.constant 0 : i32
        %dma_wait3A_121 = arith.constant 0 : i32
        %dma_wait3A_122 = tpu.memref_slice %arg2[%dma_wait3A_120, %dma_wait3A_121] : memref<10240x16xf32, #tpu.memory_space<hbm>> -> memref<10240x16xf32, #tpu.memory_space<hbm>>
        tpu.wait_indirect_dma semaphore(%arg15 : memref<!tpu.dma_semaphore, #tpu.memory_space<semaphore_mem>>) src(%dma_wait3A_122 : memref<10240x16xf32, #tpu.memory_space<hbm>>) dst(%arg11 : memref<128x16xf32, #tpu.memory_space<vmem>>)
        %dma_start3A_123 = arith.constant 0 : i32
        %dma_start3A_124 = tpu.memref_slice %arg7[%add3A_112, %dma_start3A_123] : memref<80x128xi32, #tpu.memory_space<vmem>> -> memref<1x128xi32, #tpu.memory_space<vmem>>
        %dma_start3A_125 = tpu.memref_squeeze %dma_start3A_124 : memref<1x128xi32, #tpu.memory_space<vmem>> -> memref<128xi32, #tpu.memory_space<vmem>>
        %dma_start3A_126 = arith.constant 0 : i32
        %dma_start3A_127 = arith.constant 0 : i32
        %dma_start3A_128 = tpu.memref_slice %arg20[%dma_start3A_126, %dma_start3A_127] : memref<10240x16xf32, #tpu.memory_space<vmem_shared>> -> memref<10240x16xf32, #tpu.memory_space<vmem_shared>>
        tpu.enqueue_indirect_dma source(%arg11 : memref<128x16xf32, #tpu.memory_space<vmem>>) target(%dma_start3A_128 : memref<10240x16xf32, #tpu.memory_space<vmem_shared>>) offsets(%dma_start3A_125 : memref<128xi32, #tpu.memory_space<vmem>>) semaphore(%arg19 : memref<!tpu.dma_semaphore, #tpu.memory_space<semaphore_mem>>) {add = true}
        %add3A_129 = arith.constant 2 : i32
        %add3A_130 = arith.addi %add3A_112, %add3A_129 : i32
        %lt3A_131 = arith.cmpi slt, %add3A_130, %min3A_8 : i32
        %convert_element_type3A_132 = arith.extui %lt3A_131 : i1 to i32
        %cond3A_133 = arith.constant 0 : i32
        %cond3A_134 = arith.cmpi ne, %convert_element_type3A_132, %cond3A_133 : i32
        scf.if %cond3A_134 {
          %ge3A = arith.constant 4 : i32
          %ge3A_135 = arith.cmpi sge, %add3A_130, %ge3A : i32
          %convert_element_type3A_136 = arith.extui %ge3A_135 : i1 to i32
          %cond3A_137 = arith.constant 0 : i32
          %cond3A_138 = arith.cmpi ne, %convert_element_type3A_136, %cond3A_137 : i32
          scf.if %cond3A_138 {
            %sub3A_145 = arith.constant 4 : i32
            %sub3A_146 = arith.subi %add3A_130, %sub3A_145 : i32
            %dma_wait3A_147 = arith.constant 0 : i32
            %dma_wait3A_148 = tpu.memref_slice %arg7[%sub3A_146, %dma_wait3A_147] : memref<80x128xi32, #tpu.memory_space<vmem>> -> memref<1x128xi32, #tpu.memory_space<vmem>>
            %dma_wait3A_149 = tpu.memref_squeeze %dma_wait3A_148 : memref<1x128xi32, #tpu.memory_space<vmem>> -> memref<128xi32, #tpu.memory_space<vmem>>
            %dma_wait3A_150 = arith.constant 0 : i32
            %dma_wait3A_151 = arith.constant 0 : i32
            %dma_wait3A_152 = tpu.memref_slice %arg20[%dma_wait3A_150, %dma_wait3A_151] : memref<10240x16xf32, #tpu.memory_space<vmem_shared>> -> memref<10240x16xf32, #tpu.memory_space<vmem_shared>>
            tpu.wait_indirect_dma semaphore(%arg17 : memref<!tpu.dma_semaphore, #tpu.memory_space<semaphore_mem>>) src(%arg9 : memref<128x16xf32, #tpu.memory_space<vmem>>) dst(%dma_wait3A_152 : memref<10240x16xf32, #tpu.memory_space<vmem_shared>>)
          } else {
          }
          %dma_start3A_139 = arith.constant 0 : i32
          %dma_start3A_140 = tpu.memref_slice %arg6[%add3A_130, %dma_start3A_139] : memref<80x128xi32, #tpu.memory_space<vmem>> -> memref<1x128xi32, #tpu.memory_space<vmem>>
          %dma_start3A_141 = tpu.memref_squeeze %dma_start3A_140 : memref<1x128xi32, #tpu.memory_space<vmem>> -> memref<128xi32, #tpu.memory_space<vmem>>
          %dma_start3A_142 = arith.constant 0 : i32
          %dma_start3A_143 = arith.constant 0 : i32
          %dma_start3A_144 = tpu.memref_slice %arg2[%dma_start3A_142, %dma_start3A_143] : memref<10240x16xf32, #tpu.memory_space<hbm>> -> memref<10240x16xf32, #tpu.memory_space<hbm>>
          tpu.enqueue_indirect_dma source(%dma_start3A_144 : memref<10240x16xf32, #tpu.memory_space<hbm>>) target(%arg9 : memref<128x16xf32, #tpu.memory_space<vmem>>) offsets(%dma_start3A_141 : memref<128xi32, #tpu.memory_space<vmem>>) semaphore(%arg13 : memref<!tpu.dma_semaphore, #tpu.memory_space<semaphore_mem>>)
        } else {
        }
      } else {
      }
    }
    %scan3A_53 = arith.constant 20 : i32
    %dma_wait3A_54 = arith.constant 0 : i32
    %dma_wait3A_55 = arith.constant 0 : i32
    %dma_wait3A_56 = tpu.memref_slice %arg7[%dma_wait3A_54, %dma_wait3A_55] : memref<80x128xi32, #tpu.memory_space<vmem>> -> memref<1x128xi32, #tpu.memory_space<vmem>>
    %dma_wait3A_57 = tpu.memref_squeeze %dma_wait3A_56 : memref<1x128xi32, #tpu.memory_space<vmem>> -> memref<128xi32, #tpu.memory_space<vmem>>
    %dma_wait3A_58 = arith.constant 0 : i32
    %dma_wait3A_59 = arith.constant 0 : i32
    %dma_wait3A_60 = tpu.memref_slice %arg20[%dma_wait3A_58, %dma_wait3A_59] : memref<10240x16xf32, #tpu.memory_space<vmem_shared>> -> memref<10240x16xf32, #tpu.memory_space<vmem_shared>>
    tpu.wait_indirect_dma semaphore(%arg16 : memref<!tpu.dma_semaphore, #tpu.memory_space<semaphore_mem>>) src(%arg8 : memref<128x16xf32, #tpu.memory_space<vmem>>) dst(%dma_wait3A_60 : memref<10240x16xf32, #tpu.memory_space<vmem_shared>>)
    %dma_wait3A_61 = arith.constant 0 : i32
    %dma_wait3A_62 = arith.constant 0 : i32
    %dma_wait3A_63 = tpu.memref_slice %arg7[%dma_wait3A_61, %dma_wait3A_62] : memref<80x128xi32, #tpu.memory_space<vmem>> -> memref<1x128xi32, #tpu.memory_space<vmem>>
    %dma_wait3A_64 = tpu.memref_squeeze %dma_wait3A_63 : memref<1x128xi32, #tpu.memory_space<vmem>> -> memref<128xi32, #tpu.memory_space<vmem>>
    %dma_wait3A_65 = arith.constant 0 : i32
    %dma_wait3A_66 = arith.constant 0 : i32
    %dma_wait3A_67 = tpu.memref_slice %arg20[%dma_wait3A_65, %dma_wait3A_66] : memref<10240x16xf32, #tpu.memory_space<vmem_shared>> -> memref<10240x16xf32, #tpu.memory_space<vmem_shared>>
    tpu.wait_indirect_dma semaphore(%arg17 : memref<!tpu.dma_semaphore, #tpu.memory_space<semaphore_mem>>) src(%arg9 : memref<128x16xf32, #tpu.memory_space<vmem>>) dst(%dma_wait3A_67 : memref<10240x16xf32, #tpu.memory_space<vmem_shared>>)
    %dma_wait3A_68 = arith.constant 0 : i32
    %dma_wait3A_69 = arith.constant 0 : i32
    %dma_wait3A_70 = tpu.memref_slice %arg7[%dma_wait3A_68, %dma_wait3A_69] : memref<80x128xi32, #tpu.memory_space<vmem>> -> memref<1x128xi32, #tpu.memory_space<vmem>>
    %dma_wait3A_71 = tpu.memref_squeeze %dma_wait3A_70 : memref<1x128xi32, #tpu.memory_space<vmem>> -> memref<128xi32, #tpu.memory_space<vmem>>
    %dma_wait3A_72 = arith.constant 0 : i32
    %dma_wait3A_73 = arith.constant 0 : i32
    %dma_wait3A_74 = tpu.memref_slice %arg20[%dma_wait3A_72, %dma_wait3A_73] : memref<10240x16xf32, #tpu.memory_space<vmem_shared>> -> memref<10240x16xf32, #tpu.memory_space<vmem_shared>>
    tpu.wait_indirect_dma semaphore(%arg18 : memref<!tpu.dma_semaphore, #tpu.memory_space<semaphore_mem>>) src(%arg10 : memref<128x16xf32, #tpu.memory_space<vmem>>) dst(%dma_wait3A_74 : memref<10240x16xf32, #tpu.memory_space<vmem_shared>>)
    %dma_wait3A_75 = arith.constant 0 : i32
    %dma_wait3A_76 = arith.constant 0 : i32
    %dma_wait3A_77 = tpu.memref_slice %arg7[%dma_wait3A_75, %dma_wait3A_76] : memref<80x128xi32, #tpu.memory_space<vmem>> -> memref<1x128xi32, #tpu.memory_space<vmem>>
    %dma_wait3A_78 = tpu.memref_squeeze %dma_wait3A_77 : memref<1x128xi32, #tpu.memory_space<vmem>> -> memref<128xi32, #tpu.memory_space<vmem>>
    %dma_wait3A_79 = arith.constant 0 : i32
    %dma_wait3A_80 = arith.constant 0 : i32
    %dma_wait3A_81 = tpu.memref_slice %arg20[%dma_wait3A_79, %dma_wait3A_80] : memref<10240x16xf32, #tpu.memory_space<vmem_shared>> -> memref<10240x16xf32, #tpu.memory_space<vmem_shared>>
    tpu.wait_indirect_dma semaphore(%arg19 : memref<!tpu.dma_semaphore, #tpu.memory_space<semaphore_mem>>) src(%arg11 : memref<128x16xf32, #tpu.memory_space<vmem>>) dst(%dma_wait3A_81 : memref<10240x16xf32, #tpu.memory_space<vmem_shared>>)
    %barrier3A_82 = arith.constant 0 : index
    tpu.barrier barrier_id(%barrier3A_82)
    %mul3A_83 = arith.constant 640 : i32
    %mul3A_84 = arith.muli %arg1, %mul3A_83 : i32
    %mul3A_85 = arith.constant 640 : i32
    %mul3A_86 = arith.muli %arg1, %mul3A_85 : i32
    "tpu.region"() ({
      %run_scoped3A = tpu.sem_alloc : memref<!tpu.dma_semaphore, #tpu.memory_space<semaphore_mem>>
      %dma_start3A_87 = arith.constant 0 : i32
      %dma_start3A_88 = tpu.memref_slice %arg5[%arg0, %mul3A_86, %dma_start3A_87] : memref<2x10240x16xf32, #tpu.memory_space<hbm>> -> memref<1x640x16xf32, #tpu.memory_space<hbm>>
      %dma_start3A_89 = tpu.memref_squeeze %dma_start3A_88 : memref<1x640x16xf32, #tpu.memory_space<hbm>> -> memref<640x16xf32, #tpu.memory_space<hbm>>
      %dma_start3A_90 = arith.constant 0 : i32
      %dma_start3A_91 = tpu.memref_slice %arg20[%mul3A_84, %dma_start3A_90] : memref<10240x16xf32, #tpu.memory_space<vmem_shared>> -> memref<640x16xf32, #tpu.memory_space<vmem_shared>>
      tpu.enqueue_dma source(%dma_start3A_91 : memref<640x16xf32, #tpu.memory_space<vmem_shared>>) target(%dma_start3A_89 : memref<640x16xf32, #tpu.memory_space<hbm>>) target_semaphore(%run_scoped3A : memref<!tpu.dma_semaphore, #tpu.memory_space<semaphore_mem>>)
      %dma_wait3A_92 = arith.constant 0 : i32
      %dma_wait3A_93 = tpu.memref_slice %arg5[%arg0, %mul3A_86, %dma_wait3A_92] : memref<2x10240x16xf32, #tpu.memory_space<hbm>> -> memref<1x640x16xf32, #tpu.memory_space<hbm>>
      %dma_wait3A_94 = tpu.memref_squeeze %dma_wait3A_93 : memref<1x640x16xf32, #tpu.memory_space<hbm>> -> memref<640x16xf32, #tpu.memory_space<hbm>>
      %dma_wait3A_95 = arith.constant 0 : i32
      %dma_wait3A_96 = tpu.memref_slice %arg20[%mul3A_84, %dma_wait3A_95] : memref<10240x16xf32, #tpu.memory_space<vmem_shared>> -> memref<640x16xf32, #tpu.memory_space<vmem_shared>>
      tpu.wait_dma2 semaphore(%run_scoped3A : memref<!tpu.dma_semaphore, #tpu.memory_space<semaphore_mem>>) src(%dma_wait3A_96 : memref<640x16xf32, #tpu.memory_space<vmem_shared>>) dst(%dma_wait3A_94 : memref<640x16xf32, #tpu.memory_space<hbm>>)
      tpu.yield
    }) : () -> ()
    return
  }
}

module attributes {stable_mosaic.version = 14 : i64} {
  func.func @_tc1a_body(%arg0: i32, %arg1: memref<160x8x128xf32, #tpu.memory_space<vmem>>, %arg2: memref<128x16xf32, #tpu.memory_space<vmem>>, %arg3: memref<1x16xf32, #tpu.memory_space<vmem>>, %arg4: memref<160x128xf32, #tpu.memory_space<vmem>>) attributes {dimension_semantics = [#tpu.dimension_semantics<arbitrary>], iteration_bounds = array<i64: 8>, scalar_prefetch = 0 : i64, scratch_operands = 0 : i64, tpu.core_type = #tpu.core_type<tc>, window_params = [{transform_indices = @transform_0, window_bounds = array<i64: 160, 8, 128>}, {pipeline_mode = #tpu.pipeline_mode<synchronous>, transform_indices = @transform_1, window_bounds = array<i64: 128, 16>}, {pipeline_mode = #tpu.pipeline_mode<synchronous>, transform_indices = @transform_2, window_bounds = array<i64: 1, 16>}, {transform_indices = @transform_3, window_bounds = array<i64: 160, 128>}]} {
    %get3A = arith.constant 0 : index
    %get3A_0 = arith.constant 0 : index
    %get3A_1 = arith.constant 0 : index
    %get3A_2 = vector.load %arg1[%get3A, %get3A_0, %get3A_1] : memref<160x8x128xf32, #tpu.memory_space<vmem>>, vector<160x1x128xf32>
    %get3A_3 = vector.shape_cast %get3A_2 : vector<160x1x128xf32> to vector<160x128xf32>
    %get3A_4 = arith.constant 0 : index
    %get3A_5 = arith.constant 0 : index
    %get3A_6 = vector.load %arg2[%get3A_4, %get3A_5] : memref<128x16xf32, #tpu.memory_space<vmem>>, vector<128x16xf32>
    %dot_general3A = arith.constant dense<0.000000e+00> : vector<160x16xf32>
    %dot_general3A_7 = tpu.matmul %get3A_3, %get3A_6, %dot_general3A {dimension_numbers = #tpu.dot_dimension_numbers<[1], [0], [0], [1], [0, 0, 1, 1], [], []>, precision = #tpu.contract_precision<fp32>, transpose_lhs_hint = false} : vector<160x128xf32>, vector<128x16xf32>, vector<160x16xf32> -> vector<160x16xf32>
    %get3A_8 = arith.constant 0 : index
    %get3A_9 = arith.constant 0 : index
    %get3A_10 = vector.load %arg3[%get3A_8, %get3A_9] : memref<1x16xf32, #tpu.memory_space<vmem>>, vector<1x16xf32>
    %get3A_11 = vector.shape_cast %get3A_10 : vector<1x16xf32> to vector<16xf32>
    %broadcast_in_dim3A = vector.shape_cast %get3A_11 : vector<16xf32> to vector<1x16xf32>
    %add3A = vector.broadcast %broadcast_in_dim3A : vector<1x16xf32> to vector<160x16xf32>
    %add3A_12 = arith.addf %dot_general3A_7, %add3A : vector<160x16xf32>
    %get3A_13 = arith.constant 0 : index
    %get3A_14 = arith.constant 1 : index
    %get3A_15 = arith.constant 0 : index
    %get3A_16 = vector.load %arg1[%get3A_13, %get3A_14, %get3A_15] : memref<160x8x128xf32, #tpu.memory_space<vmem>>, vector<160x1x128xf32>
    %get3A_17 = vector.shape_cast %get3A_16 : vector<160x1x128xf32> to vector<160x128xf32>
    %get3A_18 = arith.constant 0 : index
    %get3A_19 = arith.constant 0 : index
    %get3A_20 = vector.load %arg2[%get3A_18, %get3A_19] : memref<128x16xf32, #tpu.memory_space<vmem>>, vector<128x16xf32>
    %dot_general3A_21 = arith.constant dense<0.000000e+00> : vector<160x16xf32>
    %dot_general3A_22 = tpu.matmul %get3A_17, %get3A_20, %dot_general3A_21 {dimension_numbers = #tpu.dot_dimension_numbers<[1], [0], [0], [1], [0, 0, 1, 1], [], []>, precision = #tpu.contract_precision<fp32>, transpose_lhs_hint = false} : vector<160x128xf32>, vector<128x16xf32>, vector<160x16xf32> -> vector<160x16xf32>
    %get3A_23 = arith.constant 0 : index
    %get3A_24 = arith.constant 0 : index
    %get3A_25 = vector.load %arg3[%get3A_23, %get3A_24] : memref<1x16xf32, #tpu.memory_space<vmem>>, vector<1x16xf32>
    %get3A_26 = vector.shape_cast %get3A_25 : vector<1x16xf32> to vector<16xf32>
    %broadcast_in_dim3A_27 = vector.shape_cast %get3A_26 : vector<16xf32> to vector<1x16xf32>
    %add3A_28 = vector.broadcast %broadcast_in_dim3A_27 : vector<1x16xf32> to vector<160x16xf32>
    %add3A_29 = arith.addf %dot_general3A_22, %add3A_28 : vector<160x16xf32>
    %get3A_30 = arith.constant 0 : index
    %get3A_31 = arith.constant 2 : index
    %get3A_32 = arith.constant 0 : index
    %get3A_33 = vector.load %arg1[%get3A_30, %get3A_31, %get3A_32] : memref<160x8x128xf32, #tpu.memory_space<vmem>>, vector<160x1x128xf32>
    %get3A_34 = vector.shape_cast %get3A_33 : vector<160x1x128xf32> to vector<160x128xf32>
    %get3A_35 = arith.constant 0 : index
    %get3A_36 = arith.constant 0 : index
    %get3A_37 = vector.load %arg2[%get3A_35, %get3A_36] : memref<128x16xf32, #tpu.memory_space<vmem>>, vector<128x16xf32>
    %dot_general3A_38 = arith.constant dense<0.000000e+00> : vector<160x16xf32>
    %dot_general3A_39 = tpu.matmul %get3A_34, %get3A_37, %dot_general3A_38 {dimension_numbers = #tpu.dot_dimension_numbers<[1], [0], [0], [1], [0, 0, 1, 1], [], []>, precision = #tpu.contract_precision<fp32>, transpose_lhs_hint = false} : vector<160x128xf32>, vector<128x16xf32>, vector<160x16xf32> -> vector<160x16xf32>
    %get3A_40 = arith.constant 0 : index
    %get3A_41 = arith.constant 0 : index
    %get3A_42 = vector.load %arg3[%get3A_40, %get3A_41] : memref<1x16xf32, #tpu.memory_space<vmem>>, vector<1x16xf32>
    %get3A_43 = vector.shape_cast %get3A_42 : vector<1x16xf32> to vector<16xf32>
    %broadcast_in_dim3A_44 = vector.shape_cast %get3A_43 : vector<16xf32> to vector<1x16xf32>
    %add3A_45 = vector.broadcast %broadcast_in_dim3A_44 : vector<1x16xf32> to vector<160x16xf32>
    %add3A_46 = arith.addf %dot_general3A_39, %add3A_45 : vector<160x16xf32>
    %get3A_47 = arith.constant 0 : index
    %get3A_48 = arith.constant 3 : index
    %get3A_49 = arith.constant 0 : index
    %get3A_50 = vector.load %arg1[%get3A_47, %get3A_48, %get3A_49] : memref<160x8x128xf32, #tpu.memory_space<vmem>>, vector<160x1x128xf32>
    %get3A_51 = vector.shape_cast %get3A_50 : vector<160x1x128xf32> to vector<160x128xf32>
    %get3A_52 = arith.constant 0 : index
    %get3A_53 = arith.constant 0 : index
    %get3A_54 = vector.load %arg2[%get3A_52, %get3A_53] : memref<128x16xf32, #tpu.memory_space<vmem>>, vector<128x16xf32>
    %dot_general3A_55 = arith.constant dense<0.000000e+00> : vector<160x16xf32>
    %dot_general3A_56 = tpu.matmul %get3A_51, %get3A_54, %dot_general3A_55 {dimension_numbers = #tpu.dot_dimension_numbers<[1], [0], [0], [1], [0, 0, 1, 1], [], []>, precision = #tpu.contract_precision<fp32>, transpose_lhs_hint = false} : vector<160x128xf32>, vector<128x16xf32>, vector<160x16xf32> -> vector<160x16xf32>
    %get3A_57 = arith.constant 0 : index
    %get3A_58 = arith.constant 0 : index
    %get3A_59 = vector.load %arg3[%get3A_57, %get3A_58] : memref<1x16xf32, #tpu.memory_space<vmem>>, vector<1x16xf32>
    %get3A_60 = vector.shape_cast %get3A_59 : vector<1x16xf32> to vector<16xf32>
    %broadcast_in_dim3A_61 = vector.shape_cast %get3A_60 : vector<16xf32> to vector<1x16xf32>
    %add3A_62 = vector.broadcast %broadcast_in_dim3A_61 : vector<1x16xf32> to vector<160x16xf32>
    %add3A_63 = arith.addf %dot_general3A_56, %add3A_62 : vector<160x16xf32>
    %get3A_64 = arith.constant 0 : index
    %get3A_65 = arith.constant 4 : index
    %get3A_66 = arith.constant 0 : index
    %get3A_67 = vector.load %arg1[%get3A_64, %get3A_65, %get3A_66] : memref<160x8x128xf32, #tpu.memory_space<vmem>>, vector<160x1x128xf32>
    %get3A_68 = vector.shape_cast %get3A_67 : vector<160x1x128xf32> to vector<160x128xf32>
    %get3A_69 = arith.constant 0 : index
    %get3A_70 = arith.constant 0 : index
    %get3A_71 = vector.load %arg2[%get3A_69, %get3A_70] : memref<128x16xf32, #tpu.memory_space<vmem>>, vector<128x16xf32>
    %dot_general3A_72 = arith.constant dense<0.000000e+00> : vector<160x16xf32>
    %dot_general3A_73 = tpu.matmul %get3A_68, %get3A_71, %dot_general3A_72 {dimension_numbers = #tpu.dot_dimension_numbers<[1], [0], [0], [1], [0, 0, 1, 1], [], []>, precision = #tpu.contract_precision<fp32>, transpose_lhs_hint = false} : vector<160x128xf32>, vector<128x16xf32>, vector<160x16xf32> -> vector<160x16xf32>
    %get3A_74 = arith.constant 0 : index
    %get3A_75 = arith.constant 0 : index
    %get3A_76 = vector.load %arg3[%get3A_74, %get3A_75] : memref<1x16xf32, #tpu.memory_space<vmem>>, vector<1x16xf32>
    %get3A_77 = vector.shape_cast %get3A_76 : vector<1x16xf32> to vector<16xf32>
    %broadcast_in_dim3A_78 = vector.shape_cast %get3A_77 : vector<16xf32> to vector<1x16xf32>
    %add3A_79 = vector.broadcast %broadcast_in_dim3A_78 : vector<1x16xf32> to vector<160x16xf32>
    %add3A_80 = arith.addf %dot_general3A_73, %add3A_79 : vector<160x16xf32>
    %get3A_81 = arith.constant 0 : index
    %get3A_82 = arith.constant 5 : index
    %get3A_83 = arith.constant 0 : index
    %get3A_84 = vector.load %arg1[%get3A_81, %get3A_82, %get3A_83] : memref<160x8x128xf32, #tpu.memory_space<vmem>>, vector<160x1x128xf32>
    %get3A_85 = vector.shape_cast %get3A_84 : vector<160x1x128xf32> to vector<160x128xf32>
    %get3A_86 = arith.constant 0 : index
    %get3A_87 = arith.constant 0 : index
    %get3A_88 = vector.load %arg2[%get3A_86, %get3A_87] : memref<128x16xf32, #tpu.memory_space<vmem>>, vector<128x16xf32>
    %dot_general3A_89 = arith.constant dense<0.000000e+00> : vector<160x16xf32>
    %dot_general3A_90 = tpu.matmul %get3A_85, %get3A_88, %dot_general3A_89 {dimension_numbers = #tpu.dot_dimension_numbers<[1], [0], [0], [1], [0, 0, 1, 1], [], []>, precision = #tpu.contract_precision<fp32>, transpose_lhs_hint = false} : vector<160x128xf32>, vector<128x16xf32>, vector<160x16xf32> -> vector<160x16xf32>
    %get3A_91 = arith.constant 0 : index
    %get3A_92 = arith.constant 0 : index
    %get3A_93 = vector.load %arg3[%get3A_91, %get3A_92] : memref<1x16xf32, #tpu.memory_space<vmem>>, vector<1x16xf32>
    %get3A_94 = vector.shape_cast %get3A_93 : vector<1x16xf32> to vector<16xf32>
    %broadcast_in_dim3A_95 = vector.shape_cast %get3A_94 : vector<16xf32> to vector<1x16xf32>
    %add3A_96 = vector.broadcast %broadcast_in_dim3A_95 : vector<1x16xf32> to vector<160x16xf32>
    %add3A_97 = arith.addf %dot_general3A_90, %add3A_96 : vector<160x16xf32>
    %get3A_98 = arith.constant 0 : index
    %get3A_99 = arith.constant 6 : index
    %get3A_100 = arith.constant 0 : index
    %get3A_101 = vector.load %arg1[%get3A_98, %get3A_99, %get3A_100] : memref<160x8x128xf32, #tpu.memory_space<vmem>>, vector<160x1x128xf32>
    %get3A_102 = vector.shape_cast %get3A_101 : vector<160x1x128xf32> to vector<160x128xf32>
    %get3A_103 = arith.constant 0 : index
    %get3A_104 = arith.constant 0 : index
    %get3A_105 = vector.load %arg2[%get3A_103, %get3A_104] : memref<128x16xf32, #tpu.memory_space<vmem>>, vector<128x16xf32>
    %dot_general3A_106 = arith.constant dense<0.000000e+00> : vector<160x16xf32>
    %dot_general3A_107 = tpu.matmul %get3A_102, %get3A_105, %dot_general3A_106 {dimension_numbers = #tpu.dot_dimension_numbers<[1], [0], [0], [1], [0, 0, 1, 1], [], []>, precision = #tpu.contract_precision<fp32>, transpose_lhs_hint = false} : vector<160x128xf32>, vector<128x16xf32>, vector<160x16xf32> -> vector<160x16xf32>
    %get3A_108 = arith.constant 0 : index
    %get3A_109 = arith.constant 0 : index
    %get3A_110 = vector.load %arg3[%get3A_108, %get3A_109] : memref<1x16xf32, #tpu.memory_space<vmem>>, vector<1x16xf32>
    %get3A_111 = vector.shape_cast %get3A_110 : vector<1x16xf32> to vector<16xf32>
    %broadcast_in_dim3A_112 = vector.shape_cast %get3A_111 : vector<16xf32> to vector<1x16xf32>
    %add3A_113 = vector.broadcast %broadcast_in_dim3A_112 : vector<1x16xf32> to vector<160x16xf32>
    %add3A_114 = arith.addf %dot_general3A_107, %add3A_113 : vector<160x16xf32>
    %get3A_115 = arith.constant 0 : index
    %get3A_116 = arith.constant 7 : index
    %get3A_117 = arith.constant 0 : index
    %get3A_118 = vector.load %arg1[%get3A_115, %get3A_116, %get3A_117] : memref<160x8x128xf32, #tpu.memory_space<vmem>>, vector<160x1x128xf32>
    %get3A_119 = vector.shape_cast %get3A_118 : vector<160x1x128xf32> to vector<160x128xf32>
    %get3A_120 = arith.constant 0 : index
    %get3A_121 = arith.constant 0 : index
    %get3A_122 = vector.load %arg2[%get3A_120, %get3A_121] : memref<128x16xf32, #tpu.memory_space<vmem>>, vector<128x16xf32>
    %dot_general3A_123 = arith.constant dense<0.000000e+00> : vector<160x16xf32>
    %dot_general3A_124 = tpu.matmul %get3A_119, %get3A_122, %dot_general3A_123 {dimension_numbers = #tpu.dot_dimension_numbers<[1], [0], [0], [1], [0, 0, 1, 1], [], []>, precision = #tpu.contract_precision<fp32>, transpose_lhs_hint = false} : vector<160x128xf32>, vector<128x16xf32>, vector<160x16xf32> -> vector<160x16xf32>
    %get3A_125 = arith.constant 0 : index
    %get3A_126 = arith.constant 0 : index
    %get3A_127 = vector.load %arg3[%get3A_125, %get3A_126] : memref<1x16xf32, #tpu.memory_space<vmem>>, vector<1x16xf32>
    %get3A_128 = vector.shape_cast %get3A_127 : vector<1x16xf32> to vector<16xf32>
    %broadcast_in_dim3A_129 = vector.shape_cast %get3A_128 : vector<16xf32> to vector<1x16xf32>
    %add3A_130 = vector.broadcast %broadcast_in_dim3A_129 : vector<1x16xf32> to vector<160x16xf32>
    %add3A_131 = arith.addf %dot_general3A_124, %add3A_130 : vector<160x16xf32>
    %concatenate3A = tpu.concatenate %add3A_12, %add3A_29, %add3A_46, %add3A_63, %add3A_80, %add3A_97, %add3A_114, %add3A_131 in 1 : vector<160x16xf32>, vector<160x16xf32>, vector<160x16xf32>, vector<160x16xf32>, vector<160x16xf32>, vector<160x16xf32>, vector<160x16xf32>, vector<160x16xf32> -> vector<160x128xf32>
    %swap3A = arith.constant 0 : index
    %swap3A_132 = arith.constant 0 : index
    %swap3A_133 = vector.load %arg4[%swap3A, %swap3A_132] : memref<160x128xf32, #tpu.memory_space<vmem>>, vector<160x128xf32>
    tpu.vector_store %arg4[%swap3A, %swap3A_132], %concatenate3A {strides = array<i32>} : memref<160x128xf32, #tpu.memory_space<vmem>>, vector<160x128xf32>,
    return
  }
  func.func @transform_0(%arg0: i32) -> (i32, i32, i32) {
    %c0_i32 = arith.constant 0 : i32
    %c0_i32_0 = arith.constant 0 : i32
    %c0_i32_1 = arith.constant 0 : i32
    return %arg0, %c0_i32, %c0_i32_0 : i32, i32, i32
  }
  func.func @transform_1(%arg0: i32) -> (i32, i32) {
    %c0_i32 = arith.constant 0 : i32
    %c0_i32_0 = arith.constant 0 : i32
    %c0_i32_1 = arith.constant 0 : i32
    return %c0_i32, %c0_i32_0 : i32, i32
  }
  func.func @transform_2(%arg0: i32) -> (i32, i32) {
    %c0_i32 = arith.constant 0 : i32
    %c0_i32_0 = arith.constant 0 : i32
    %c0_i32_1 = arith.constant 0 : i32
    return %c0_i32, %c0_i32_0 : i32, i32
  }
  func.func @transform_3(%arg0: i32) -> (i32, i32) {
    %c0_i32 = arith.constant 0 : i32
    %c0_i32_0 = arith.constant 0 : i32
    return %arg0, %c0_i32 : i32, i32
  }
}

module attributes {stable_mosaic.version = 14 : i64} {
  func.func @_tc2_body(%arg0: i32, %arg1: memref<2x160x128xf32, #tpu.memory_space<vmem>>, %arg2: memref<160x128xf32, #tpu.memory_space<vmem>>, %arg3: memref<160x128xf32, #tpu.memory_space<vmem>>, %arg4: memref<160x128xf32, #tpu.memory_space<vmem>>) attributes {dimension_semantics = [#tpu.dimension_semantics<arbitrary>], iteration_bounds = array<i64: 8>, scalar_prefetch = 0 : i64, scratch_operands = 0 : i64, tpu.core_type = #tpu.core_type<tc>, window_params = [{transform_indices = @transform_0, window_bounds = array<i64: 2, 160, 128>}, {transform_indices = @transform_1, window_bounds = array<i64: 160, 128>}, {transform_indices = @transform_2, window_bounds = array<i64: 160, 128>}, {transform_indices = @transform_3, window_bounds = array<i64: 160, 128>}]} {
    %get3A = arith.constant 0 : index
    %get3A_0 = arith.constant 0 : index
    %get3A_1 = arith.constant 0 : index
    %get3A_2 = vector.load %arg1[%get3A, %get3A_0, %get3A_1] : memref<2x160x128xf32, #tpu.memory_space<vmem>>, vector<1x160x128xf32>
    %get3A_3 = vector.shape_cast %get3A_2 : vector<1x160x128xf32> to vector<160x128xf32>
    %get3A_4 = arith.constant 1 : index
    %get3A_5 = arith.constant 0 : index
    %get3A_6 = arith.constant 0 : index
    %get3A_7 = vector.load %arg1[%get3A_4, %get3A_5, %get3A_6] : memref<2x160x128xf32, #tpu.memory_space<vmem>>, vector<1x160x128xf32>
    %get3A_8 = vector.shape_cast %get3A_7 : vector<1x160x128xf32> to vector<160x128xf32>
    %add3A = arith.addf %get3A_3, %get3A_8 : vector<160x128xf32>
    %get3A_9 = arith.constant 0 : index
    %get3A_10 = arith.constant 0 : index
    %get3A_11 = vector.load %arg2[%get3A_9, %get3A_10] : memref<160x128xf32, #tpu.memory_space<vmem>>, vector<160x128xf32>
    %add3A_12 = arith.addf %add3A, %get3A_11 : vector<160x128xf32>
    %get3A_13 = arith.constant 0 : index
    %get3A_14 = arith.constant 0 : index
    %get3A_15 = vector.load %arg3[%get3A_13, %get3A_14] : memref<160x128xf32, #tpu.memory_space<vmem>>, vector<160x128xf32>
    %mul3A = arith.mulf %add3A_12, %get3A_15 : vector<160x128xf32>
    %max3A = arith.constant 0.000000e+00 : f32
    %max3A_16 = vector.broadcast %max3A : f32 to vector<160x128xf32>
    %max3A_17 = arith.maximumf %mul3A, %max3A_16 : vector<160x128xf32>
    %get3A_18 = arith.constant 0 : index
    %get3A_19 = arith.constant 0 : index
    %get3A_20 = vector.load %arg3[%get3A_18, %get3A_19] : memref<160x128xf32, #tpu.memory_space<vmem>>, vector<160x128xf32>
    %mul3A_21 = arith.mulf %max3A_17, %get3A_20 : vector<160x128xf32>
    %swap3A = arith.constant 0 : index
    %swap3A_22 = arith.constant 0 : index
    %swap3A_23 = vector.load %arg4[%swap3A, %swap3A_22] : memref<160x128xf32, #tpu.memory_space<vmem>>, vector<160x128xf32>
    tpu.vector_store %arg4[%swap3A, %swap3A_22], %mul3A_21 {strides = array<i32>} : memref<160x128xf32, #tpu.memory_space<vmem>>, vector<160x128xf32>,
    return
  }
  func.func @transform_0(%arg0: i32) -> (i32, i32, i32) {
    %c0_i32 = arith.constant 0 : i32
    %c0_i32_0 = arith.constant 0 : i32
    %c0_i32_1 = arith.constant 0 : i32
    return %c0_i32, %arg0, %c0_i32_0 : i32, i32, i32
  }
  func.func @transform_1(%arg0: i32) -> (i32, i32) {
    %c0_i32 = arith.constant 0 : i32
    %c0_i32_0 = arith.constant 0 : i32
    return %arg0, %c0_i32 : i32, i32
  }
  func.func @transform_2(%arg0: i32) -> (i32, i32) {
    %c0_i32 = arith.constant 0 : i32
    %c0_i32_0 = arith.constant 0 : i32
    return %arg0, %c0_i32 : i32, i32
  }
  func.func @transform_3(%arg0: i32) -> (i32, i32) {
    %c0_i32 = arith.constant 0 : i32
    %c0_i32_0 = arith.constant 0 : i32
    return %arg0, %c0_i32 : i32, i32
  }
}

module attributes {stable_mosaic.version = 14 : i64} {
  func.func @_tc1b_body(%arg0: i32, %arg1: memref<160x128xf32, #tpu.memory_space<vmem>>, %arg2: memref<2x160x128xf32, #tpu.memory_space<vmem>>, %arg3: memref<160x128xf32, #tpu.memory_space<vmem>>, %arg4: memref<160x128xf32, #tpu.memory_space<vmem>>) attributes {dimension_semantics = [#tpu.dimension_semantics<arbitrary>], iteration_bounds = array<i64: 8>, scalar_prefetch = 0 : i64, scratch_operands = 0 : i64, tpu.core_type = #tpu.core_type<tc>, window_params = [{transform_indices = @transform_0, window_bounds = array<i64: 160, 128>}, {transform_indices = @transform_1, window_bounds = array<i64: 2, 160, 128>}, {transform_indices = @transform_2, window_bounds = array<i64: 160, 128>}, {transform_indices = @transform_3, window_bounds = array<i64: 160, 128>}]} {
    %get3A = arith.constant 0 : index
    %get3A_0 = arith.constant 0 : index
    %get3A_1 = arith.constant 0 : index
    %get3A_2 = vector.load %arg2[%get3A, %get3A_0, %get3A_1] : memref<2x160x128xf32, #tpu.memory_space<vmem>>, vector<1x160x128xf32>
    %get3A_3 = vector.shape_cast %get3A_2 : vector<1x160x128xf32> to vector<160x128xf32>
    %get3A_4 = arith.constant 1 : index
    %get3A_5 = arith.constant 0 : index
    %get3A_6 = arith.constant 0 : index
    %get3A_7 = vector.load %arg2[%get3A_4, %get3A_5, %get3A_6] : memref<2x160x128xf32, #tpu.memory_space<vmem>>, vector<1x160x128xf32>
    %get3A_8 = vector.shape_cast %get3A_7 : vector<1x160x128xf32> to vector<160x128xf32>
    %add3A = arith.addf %get3A_3, %get3A_8 : vector<160x128xf32>
    %add3A_9 = arith.constant 1.000000e+00 : f32
    %add3A_10 = vector.broadcast %add3A_9 : f32 to vector<160x128xf32>
    %add3A_11 = arith.addf %add3A, %add3A_10 : vector<160x128xf32>
    %rsqrt3A = math.rsqrt %add3A_11 : vector<160x128xf32>
    %get3A_12 = arith.constant 0 : index
    %get3A_13 = arith.constant 0 : index
    %get3A_14 = vector.load %arg1[%get3A_12, %get3A_13] : memref<160x128xf32, #tpu.memory_space<vmem>>, vector<160x128xf32>
    %mul3A = arith.mulf %get3A_14, %rsqrt3A : vector<160x128xf32>
    %swap3A = arith.constant 0 : index
    %swap3A_15 = arith.constant 0 : index
    %swap3A_16 = vector.load %arg3[%swap3A, %swap3A_15] : memref<160x128xf32, #tpu.memory_space<vmem>>, vector<160x128xf32>
    tpu.vector_store %arg3[%swap3A, %swap3A_15], %mul3A {strides = array<i32>} : memref<160x128xf32, #tpu.memory_space<vmem>>, vector<160x128xf32>,
    %swap3A_17 = arith.constant 0 : index
    %swap3A_18 = arith.constant 0 : index
    %swap3A_19 = vector.load %arg4[%swap3A_17, %swap3A_18] : memref<160x128xf32, #tpu.memory_space<vmem>>, vector<160x128xf32>
    tpu.vector_store %arg4[%swap3A_17, %swap3A_18], %rsqrt3A {strides = array<i32>} : memref<160x128xf32, #tpu.memory_space<vmem>>, vector<160x128xf32>,
    return
  }
  func.func @transform_0(%arg0: i32) -> (i32, i32) {
    %c0_i32 = arith.constant 0 : i32
    %c0_i32_0 = arith.constant 0 : i32
    return %arg0, %c0_i32 : i32, i32
  }
  func.func @transform_1(%arg0: i32) -> (i32, i32, i32) {
    %c0_i32 = arith.constant 0 : i32
    %c0_i32_0 = arith.constant 0 : i32
    %c0_i32_1 = arith.constant 0 : i32
    return %c0_i32, %arg0, %c0_i32_0 : i32, i32, i32
  }
  func.func @transform_2(%arg0: i32) -> (i32, i32) {
    %c0_i32 = arith.constant 0 : i32
    %c0_i32_0 = arith.constant 0 : i32
    return %arg0, %c0_i32 : i32, i32
  }
  func.func @transform_3(%arg0: i32) -> (i32, i32) {
    %c0_i32 = arith.constant 0 : i32
    %c0_i32_0 = arith.constant 0 : i32
    return %arg0, %c0_i32 : i32, i32
  }
}

module attributes {stable_mosaic.version = 14 : i64} {
  func.func @_tc3_body(%arg0: i32, %arg1: memref<2x160x128xf32, #tpu.memory_space<vmem>>, %arg2: memref<160x128xf32, #tpu.memory_space<vmem>>, %arg3: memref<160x128xf32, #tpu.memory_space<vmem>>, %arg4: memref<16x64xf32, #tpu.memory_space<vmem>>, %arg5: memref<1x64xf32, #tpu.memory_space<vmem>>, %arg6: memref<160x512xf32, #tpu.memory_space<vmem>>) attributes {dimension_semantics = [#tpu.dimension_semantics<arbitrary>], iteration_bounds = array<i64: 8>, scalar_prefetch = 0 : i64, scratch_operands = 0 : i64, tpu.core_type = #tpu.core_type<tc>, window_params = [{transform_indices = @transform_0, window_bounds = array<i64: 2, 160, 128>}, {transform_indices = @transform_1, window_bounds = array<i64: 160, 128>}, {transform_indices = @transform_2, window_bounds = array<i64: 160, 128>}, {pipeline_mode = #tpu.pipeline_mode<synchronous>, transform_indices = @transform_3, window_bounds = array<i64: 16, 64>}, {pipeline_mode = #tpu.pipeline_mode<synchronous>, transform_indices = @transform_4, window_bounds = array<i64: 1, 64>}, {transform_indices = @transform_5, window_bounds = array<i64: 160, 512>}]} {
    %get3A = arith.constant 0 : index
    %get3A_0 = arith.constant 0 : index
    %get3A_1 = arith.constant 0 : index
    %get3A_2 = vector.load %arg1[%get3A, %get3A_0, %get3A_1] : memref<2x160x128xf32, #tpu.memory_space<vmem>>, vector<1x160x128xf32>
    %get3A_3 = vector.shape_cast %get3A_2 : vector<1x160x128xf32> to vector<160x128xf32>
    %get3A_4 = arith.constant 1 : index
    %get3A_5 = arith.constant 0 : index
    %get3A_6 = arith.constant 0 : index
    %get3A_7 = vector.load %arg1[%get3A_4, %get3A_5, %get3A_6] : memref<2x160x128xf32, #tpu.memory_space<vmem>>, vector<1x160x128xf32>
    %get3A_8 = vector.shape_cast %get3A_7 : vector<1x160x128xf32> to vector<160x128xf32>
    %add3A = arith.addf %get3A_3, %get3A_8 : vector<160x128xf32>
    %get3A_9 = arith.constant 0 : index
    %get3A_10 = arith.constant 0 : index
    %get3A_11 = vector.load %arg2[%get3A_9, %get3A_10] : memref<160x128xf32, #tpu.memory_space<vmem>>, vector<160x128xf32>
    %add3A_12 = arith.addf %add3A, %get3A_11 : vector<160x128xf32>
    %get3A_13 = arith.constant 0 : index
    %get3A_14 = arith.constant 0 : index
    %get3A_15 = vector.load %arg3[%get3A_13, %get3A_14] : memref<160x128xf32, #tpu.memory_space<vmem>>, vector<160x128xf32>
    %mul3A = arith.mulf %add3A_12, %get3A_15 : vector<160x128xf32>
    %slice3A = vector.extract_strided_slice %mul3A {offsets = [0, 0], sizes = [160, 16], strides = [1, 1]} : vector<160x128xf32> to vector<160x16xf32>
    %get3A_16 = arith.constant 0 : index
    %get3A_17 = arith.constant 0 : index
    %get3A_18 = vector.load %arg4[%get3A_16, %get3A_17] : memref<16x64xf32, #tpu.memory_space<vmem>>, vector<16x64xf32>
    %dot_general3A = arith.constant dense<0.000000e+00> : vector<160x64xf32>
    %dot_general3A_19 = tpu.matmul %slice3A, %get3A_18, %dot_general3A {dimension_numbers = #tpu.dot_dimension_numbers<[1], [0], [0], [1], [0, 0, 1, 1], [], []>, precision = #tpu.contract_precision<fp32>, transpose_lhs_hint = false} : vector<160x16xf32>, vector<16x64xf32>, vector<160x64xf32> -> vector<160x64xf32>
    %get3A_20 = arith.constant 0 : index
    %get3A_21 = arith.constant 0 : index
    %get3A_22 = vector.load %arg5[%get3A_20, %get3A_21] : memref<1x64xf32, #tpu.memory_space<vmem>>, vector<1x64xf32>
    %get3A_23 = vector.shape_cast %get3A_22 : vector<1x64xf32> to vector<64xf32>
    %broadcast_in_dim3A = vector.shape_cast %get3A_23 : vector<64xf32> to vector<1x64xf32>
    %add3A_24 = vector.broadcast %broadcast_in_dim3A : vector<1x64xf32> to vector<160x64xf32>
    %add3A_25 = arith.addf %dot_general3A_19, %add3A_24 : vector<160x64xf32>
    %reduce_max3A = arith.constant dense<0xFF800000> : vector<160xf32>
    %reduce_max3A_26 = vector.multi_reduction <maximumf>, %add3A_25, %reduce_max3A [1] : vector<160x64xf32> to vector<160xf32>
    %broadcast_in_dim3A_27 = vector.shape_cast %reduce_max3A_26 : vector<160xf32> to vector<160x1xf32>
    %sub3A = vector.broadcast %broadcast_in_dim3A_27 : vector<160x1xf32> to vector<160x64xf32>
    %sub3A_28 = arith.subf %add3A_25, %sub3A : vector<160x64xf32>
    %exp3A = math.exp %sub3A_28 : vector<160x64xf32>
    %reduce_sum3A = arith.constant dense<0.000000e+00> : vector<160xf32>
    %reduce_sum3A_29 = vector.multi_reduction <add>, %exp3A, %reduce_sum3A [1] : vector<160x64xf32> to vector<160xf32>
    %broadcast_in_dim3A_30 = vector.shape_cast %reduce_sum3A_29 : vector<160xf32> to vector<160x1xf32>
    %log3A = math.log %broadcast_in_dim3A_30 : vector<160x1xf32>
    %add3A_31 = arith.addf %log3A, %broadcast_in_dim3A_27 : vector<160x1xf32>
    %sub3A_32 = vector.broadcast %add3A_31 : vector<160x1xf32> to vector<160x64xf32>
    %sub3A_33 = arith.subf %add3A_25, %sub3A_32 : vector<160x64xf32>
    %slice3A_34 = vector.extract_strided_slice %mul3A {offsets = [0, 16], sizes = [160, 16], strides = [1, 1]} : vector<160x128xf32> to vector<160x16xf32>
    %get3A_35 = arith.constant 0 : index
    %get3A_36 = arith.constant 0 : index
    %get3A_37 = vector.load %arg4[%get3A_35, %get3A_36] : memref<16x64xf32, #tpu.memory_space<vmem>>, vector<16x64xf32>
    %dot_general3A_38 = arith.constant dense<0.000000e+00> : vector<160x64xf32>
    %dot_general3A_39 = tpu.matmul %slice3A_34, %get3A_37, %dot_general3A_38 {dimension_numbers = #tpu.dot_dimension_numbers<[1], [0], [0], [1], [0, 0, 1, 1], [], []>, precision = #tpu.contract_precision<fp32>, transpose_lhs_hint = false} : vector<160x16xf32>, vector<16x64xf32>, vector<160x64xf32> -> vector<160x64xf32>
    %get3A_40 = arith.constant 0 : index
    %get3A_41 = arith.constant 0 : index
    %get3A_42 = vector.load %arg5[%get3A_40, %get3A_41] : memref<1x64xf32, #tpu.memory_space<vmem>>, vector<1x64xf32>
    %get3A_43 = vector.shape_cast %get3A_42 : vector<1x64xf32> to vector<64xf32>
    %broadcast_in_dim3A_44 = vector.shape_cast %get3A_43 : vector<64xf32> to vector<1x64xf32>
    %add3A_45 = vector.broadcast %broadcast_in_dim3A_44 : vector<1x64xf32> to vector<160x64xf32>
    %add3A_46 = arith.addf %dot_general3A_39, %add3A_45 : vector<160x64xf32>
    %reduce_max3A_47 = arith.constant dense<0xFF800000> : vector<160xf32>
    %reduce_max3A_48 = vector.multi_reduction <maximumf>, %add3A_46, %reduce_max3A_47 [1] : vector<160x64xf32> to vector<160xf32>
    %broadcast_in_dim3A_49 = vector.shape_cast %reduce_max3A_48 : vector<160xf32> to vector<160x1xf32>
    %sub3A_50 = vector.broadcast %broadcast_in_dim3A_49 : vector<160x1xf32> to vector<160x64xf32>
    %sub3A_51 = arith.subf %add3A_46, %sub3A_50 : vector<160x64xf32>
    %exp3A_52 = math.exp %sub3A_51 : vector<160x64xf32>
    %reduce_sum3A_53 = arith.constant dense<0.000000e+00> : vector<160xf32>
    %reduce_sum3A_54 = vector.multi_reduction <add>, %exp3A_52, %reduce_sum3A_53 [1] : vector<160x64xf32> to vector<160xf32>
    %broadcast_in_dim3A_55 = vector.shape_cast %reduce_sum3A_54 : vector<160xf32> to vector<160x1xf32>
    %log3A_56 = math.log %broadcast_in_dim3A_55 : vector<160x1xf32>
    %add3A_57 = arith.addf %log3A_56, %broadcast_in_dim3A_49 : vector<160x1xf32>
    %sub3A_58 = vector.broadcast %add3A_57 : vector<160x1xf32> to vector<160x64xf32>
    %sub3A_59 = arith.subf %add3A_46, %sub3A_58 : vector<160x64xf32>
    %slice3A_60 = vector.extract_strided_slice %mul3A {offsets = [0, 32], sizes = [160, 16], strides = [1, 1]} : vector<160x128xf32> to vector<160x16xf32>
    %get3A_61 = arith.constant 0 : index
    %get3A_62 = arith.constant 0 : index
    %get3A_63 = vector.load %arg4[%get3A_61, %get3A_62] : memref<16x64xf32, #tpu.memory_space<vmem>>, vector<16x64xf32>
    %dot_general3A_64 = arith.constant dense<0.000000e+00> : vector<160x64xf32>
    %dot_general3A_65 = tpu.matmul %slice3A_60, %get3A_63, %dot_general3A_64 {dimension_numbers = #tpu.dot_dimension_numbers<[1], [0], [0], [1], [0, 0, 1, 1], [], []>, precision = #tpu.contract_precision<fp32>, transpose_lhs_hint = false} : vector<160x16xf32>, vector<16x64xf32>, vector<160x64xf32> -> vector<160x64xf32>
    %get3A_66 = arith.constant 0 : index
    %get3A_67 = arith.constant 0 : index
    %get3A_68 = vector.load %arg5[%get3A_66, %get3A_67] : memref<1x64xf32, #tpu.memory_space<vmem>>, vector<1x64xf32>
    %get3A_69 = vector.shape_cast %get3A_68 : vector<1x64xf32> to vector<64xf32>
    %broadcast_in_dim3A_70 = vector.shape_cast %get3A_69 : vector<64xf32> to vector<1x64xf32>
    %add3A_71 = vector.broadcast %broadcast_in_dim3A_70 : vector<1x64xf32> to vector<160x64xf32>
    %add3A_72 = arith.addf %dot_general3A_65, %add3A_71 : vector<160x64xf32>
    %reduce_max3A_73 = arith.constant dense<0xFF800000> : vector<160xf32>
    %reduce_max3A_74 = vector.multi_reduction <maximumf>, %add3A_72, %reduce_max3A_73 [1] : vector<160x64xf32> to vector<160xf32>
    %broadcast_in_dim3A_75 = vector.shape_cast %reduce_max3A_74 : vector<160xf32> to vector<160x1xf32>
    %sub3A_76 = vector.broadcast %broadcast_in_dim3A_75 : vector<160x1xf32> to vector<160x64xf32>
    %sub3A_77 = arith.subf %add3A_72, %sub3A_76 : vector<160x64xf32>
    %exp3A_78 = math.exp %sub3A_77 : vector<160x64xf32>
    %reduce_sum3A_79 = arith.constant dense<0.000000e+00> : vector<160xf32>
    %reduce_sum3A_80 = vector.multi_reduction <add>, %exp3A_78, %reduce_sum3A_79 [1] : vector<160x64xf32> to vector<160xf32>
    %broadcast_in_dim3A_81 = vector.shape_cast %reduce_sum3A_80 : vector<160xf32> to vector<160x1xf32>
    %log3A_82 = math.log %broadcast_in_dim3A_81 : vector<160x1xf32>
    %add3A_83 = arith.addf %log3A_82, %broadcast_in_dim3A_75 : vector<160x1xf32>
    %sub3A_84 = vector.broadcast %add3A_83 : vector<160x1xf32> to vector<160x64xf32>
    %sub3A_85 = arith.subf %add3A_72, %sub3A_84 : vector<160x64xf32>
    %slice3A_86 = vector.extract_strided_slice %mul3A {offsets = [0, 48], sizes = [160, 16], strides = [1, 1]} : vector<160x128xf32> to vector<160x16xf32>
    %get3A_87 = arith.constant 0 : index
    %get3A_88 = arith.constant 0 : index
    %get3A_89 = vector.load %arg4[%get3A_87, %get3A_88] : memref<16x64xf32, #tpu.memory_space<vmem>>, vector<16x64xf32>
    %dot_general3A_90 = arith.constant dense<0.000000e+00> : vector<160x64xf32>
    %dot_general3A_91 = tpu.matmul %slice3A_86, %get3A_89, %dot_general3A_90 {dimension_numbers = #tpu.dot_dimension_numbers<[1], [0], [0], [1], [0, 0, 1, 1], [], []>, precision = #tpu.contract_precision<fp32>, transpose_lhs_hint = false} : vector<160x16xf32>, vector<16x64xf32>, vector<160x64xf32> -> vector<160x64xf32>
    %get3A_92 = arith.constant 0 : index
    %get3A_93 = arith.constant 0 : index
    %get3A_94 = vector.load %arg5[%get3A_92, %get3A_93] : memref<1x64xf32, #tpu.memory_space<vmem>>, vector<1x64xf32>
    %get3A_95 = vector.shape_cast %get3A_94 : vector<1x64xf32> to vector<64xf32>
    %broadcast_in_dim3A_96 = vector.shape_cast %get3A_95 : vector<64xf32> to vector<1x64xf32>
    %add3A_97 = vector.broadcast %broadcast_in_dim3A_96 : vector<1x64xf32> to vector<160x64xf32>
    %add3A_98 = arith.addf %dot_general3A_91, %add3A_97 : vector<160x64xf32>
    %reduce_max3A_99 = arith.constant dense<0xFF800000> : vector<160xf32>
    %reduce_max3A_100 = vector.multi_reduction <maximumf>, %add3A_98, %reduce_max3A_99 [1] : vector<160x64xf32> to vector<160xf32>
    %broadcast_in_dim3A_101 = vector.shape_cast %reduce_max3A_100 : vector<160xf32> to vector<160x1xf32>
    %sub3A_102 = vector.broadcast %broadcast_in_dim3A_101 : vector<160x1xf32> to vector<160x64xf32>
    %sub3A_103 = arith.subf %add3A_98, %sub3A_102 : vector<160x64xf32>
    %exp3A_104 = math.exp %sub3A_103 : vector<160x64xf32>
    %reduce_sum3A_105 = arith.constant dense<0.000000e+00> : vector<160xf32>
    %reduce_sum3A_106 = vector.multi_reduction <add>, %exp3A_104, %reduce_sum3A_105 [1] : vector<160x64xf32> to vector<160xf32>
    %broadcast_in_dim3A_107 = vector.shape_cast %reduce_sum3A_106 : vector<160xf32> to vector<160x1xf32>
    %log3A_108 = math.log %broadcast_in_dim3A_107 : vector<160x1xf32>
    %add3A_109 = arith.addf %log3A_108, %broadcast_in_dim3A_101 : vector<160x1xf32>
    %sub3A_110 = vector.broadcast %add3A_109 : vector<160x1xf32> to vector<160x64xf32>
    %sub3A_111 = arith.subf %add3A_98, %sub3A_110 : vector<160x64xf32>
    %slice3A_112 = vector.extract_strided_slice %mul3A {offsets = [0, 64], sizes = [160, 16], strides = [1, 1]} : vector<160x128xf32> to vector<160x16xf32>
    %get3A_113 = arith.constant 0 : index
    %get3A_114 = arith.constant 0 : index
    %get3A_115 = vector.load %arg4[%get3A_113, %get3A_114] : memref<16x64xf32, #tpu.memory_space<vmem>>, vector<16x64xf32>
    %dot_general3A_116 = arith.constant dense<0.000000e+00> : vector<160x64xf32>
    %dot_general3A_117 = tpu.matmul %slice3A_112, %get3A_115, %dot_general3A_116 {dimension_numbers = #tpu.dot_dimension_numbers<[1], [0], [0], [1], [0, 0, 1, 1], [], []>, precision = #tpu.contract_precision<fp32>, transpose_lhs_hint = false} : vector<160x16xf32>, vector<16x64xf32>, vector<160x64xf32> -> vector<160x64xf32>
    %get3A_118 = arith.constant 0 : index
    %get3A_119 = arith.constant 0 : index
    %get3A_120 = vector.load %arg5[%get3A_118, %get3A_119] : memref<1x64xf32, #tpu.memory_space<vmem>>, vector<1x64xf32>
    %get3A_121 = vector.shape_cast %get3A_120 : vector<1x64xf32> to vector<64xf32>
    %broadcast_in_dim3A_122 = vector.shape_cast %get3A_121 : vector<64xf32> to vector<1x64xf32>
    %add3A_123 = vector.broadcast %broadcast_in_dim3A_122 : vector<1x64xf32> to vector<160x64xf32>
    %add3A_124 = arith.addf %dot_general3A_117, %add3A_123 : vector<160x64xf32>
    %reduce_max3A_125 = arith.constant dense<0xFF800000> : vector<160xf32>
    %reduce_max3A_126 = vector.multi_reduction <maximumf>, %add3A_124, %reduce_max3A_125 [1] : vector<160x64xf32> to vector<160xf32>
    %broadcast_in_dim3A_127 = vector.shape_cast %reduce_max3A_126 : vector<160xf32> to vector<160x1xf32>
    %sub3A_128 = vector.broadcast %broadcast_in_dim3A_127 : vector<160x1xf32> to vector<160x64xf32>
    %sub3A_129 = arith.subf %add3A_124, %sub3A_128 : vector<160x64xf32>
    %exp3A_130 = math.exp %sub3A_129 : vector<160x64xf32>
    %reduce_sum3A_131 = arith.constant dense<0.000000e+00> : vector<160xf32>
    %reduce_sum3A_132 = vector.multi_reduction <add>, %exp3A_130, %reduce_sum3A_131 [1] : vector<160x64xf32> to vector<160xf32>
    %broadcast_in_dim3A_133 = vector.shape_cast %reduce_sum3A_132 : vector<160xf32> to vector<160x1xf32>
    %log3A_134 = math.log %broadcast_in_dim3A_133 : vector<160x1xf32>
    %add3A_135 = arith.addf %log3A_134, %broadcast_in_dim3A_127 : vector<160x1xf32>
    %sub3A_136 = vector.broadcast %add3A_135 : vector<160x1xf32> to vector<160x64xf32>
    %sub3A_137 = arith.subf %add3A_124, %sub3A_136 : vector<160x64xf32>
    %slice3A_138 = vector.extract_strided_slice %mul3A {offsets = [0, 80], sizes = [160, 16], strides = [1, 1]} : vector<160x128xf32> to vector<160x16xf32>
    %get3A_139 = arith.constant 0 : index
    %get3A_140 = arith.constant 0 : index
    %get3A_141 = vector.load %arg4[%get3A_139, %get3A_140] : memref<16x64xf32, #tpu.memory_space<vmem>>, vector<16x64xf32>
    %dot_general3A_142 = arith.constant dense<0.000000e+00> : vector<160x64xf32>
    %dot_general3A_143 = tpu.matmul %slice3A_138, %get3A_141, %dot_general3A_142 {dimension_numbers = #tpu.dot_dimension_numbers<[1], [0], [0], [1], [0, 0, 1, 1], [], []>, precision = #tpu.contract_precision<fp32>, transpose_lhs_hint = false} : vector<160x16xf32>, vector<16x64xf32>, vector<160x64xf32> -> vector<160x64xf32>
    %get3A_144 = arith.constant 0 : index
    %get3A_145 = arith.constant 0 : index
    %get3A_146 = vector.load %arg5[%get3A_144, %get3A_145] : memref<1x64xf32, #tpu.memory_space<vmem>>, vector<1x64xf32>
    %get3A_147 = vector.shape_cast %get3A_146 : vector<1x64xf32> to vector<64xf32>
    %broadcast_in_dim3A_148 = vector.shape_cast %get3A_147 : vector<64xf32> to vector<1x64xf32>
    %add3A_149 = vector.broadcast %broadcast_in_dim3A_148 : vector<1x64xf32> to vector<160x64xf32>
    %add3A_150 = arith.addf %dot_general3A_143, %add3A_149 : vector<160x64xf32>
    %reduce_max3A_151 = arith.constant dense<0xFF800000> : vector<160xf32>
    %reduce_max3A_152 = vector.multi_reduction <maximumf>, %add3A_150, %reduce_max3A_151 [1] : vector<160x64xf32> to vector<160xf32>
    %broadcast_in_dim3A_153 = vector.shape_cast %reduce_max3A_152 : vector<160xf32> to vector<160x1xf32>
    %sub3A_154 = vector.broadcast %broadcast_in_dim3A_153 : vector<160x1xf32> to vector<160x64xf32>
    %sub3A_155 = arith.subf %add3A_150, %sub3A_154 : vector<160x64xf32>
    %exp3A_156 = math.exp %sub3A_155 : vector<160x64xf32>
    %reduce_sum3A_157 = arith.constant dense<0.000000e+00> : vector<160xf32>
    %reduce_sum3A_158 = vector.multi_reduction <add>, %exp3A_156, %reduce_sum3A_157 [1] : vector<160x64xf32> to vector<160xf32>
    %broadcast_in_dim3A_159 = vector.shape_cast %reduce_sum3A_158 : vector<160xf32> to vector<160x1xf32>
    %log3A_160 = math.log %broadcast_in_dim3A_159 : vector<160x1xf32>
    %add3A_161 = arith.addf %log3A_160, %broadcast_in_dim3A_153 : vector<160x1xf32>
    %sub3A_162 = vector.broadcast %add3A_161 : vector<160x1xf32> to vector<160x64xf32>
    %sub3A_163 = arith.subf %add3A_150, %sub3A_162 : vector<160x64xf32>
    %slice3A_164 = vector.extract_strided_slice %mul3A {offsets = [0, 96], sizes = [160, 16], strides = [1, 1]} : vector<160x128xf32> to vector<160x16xf32>
    %get3A_165 = arith.constant 0 : index
    %get3A_166 = arith.constant 0 : index
    %get3A_167 = vector.load %arg4[%get3A_165, %get3A_166] : memref<16x64xf32, #tpu.memory_space<vmem>>, vector<16x64xf32>
    %dot_general3A_168 = arith.constant dense<0.000000e+00> : vector<160x64xf32>
    %dot_general3A_169 = tpu.matmul %slice3A_164, %get3A_167, %dot_general3A_168 {dimension_numbers = #tpu.dot_dimension_numbers<[1], [0], [0], [1], [0, 0, 1, 1], [], []>, precision = #tpu.contract_precision<fp32>, transpose_lhs_hint = false} : vector<160x16xf32>, vector<16x64xf32>, vector<160x64xf32> -> vector<160x64xf32>
    %get3A_170 = arith.constant 0 : index
    %get3A_171 = arith.constant 0 : index
    %get3A_172 = vector.load %arg5[%get3A_170, %get3A_171] : memref<1x64xf32, #tpu.memory_space<vmem>>, vector<1x64xf32>
    %get3A_173 = vector.shape_cast %get3A_172 : vector<1x64xf32> to vector<64xf32>
    %broadcast_in_dim3A_174 = vector.shape_cast %get3A_173 : vector<64xf32> to vector<1x64xf32>
    %add3A_175 = vector.broadcast %broadcast_in_dim3A_174 : vector<1x64xf32> to vector<160x64xf32>
    %add3A_176 = arith.addf %dot_general3A_169, %add3A_175 : vector<160x64xf32>
    %reduce_max3A_177 = arith.constant dense<0xFF800000> : vector<160xf32>
    %reduce_max3A_178 = vector.multi_reduction <maximumf>, %add3A_176, %reduce_max3A_177 [1] : vector<160x64xf32> to vector<160xf32>
    %broadcast_in_dim3A_179 = vector.shape_cast %reduce_max3A_178 : vector<160xf32> to vector<160x1xf32>
    %sub3A_180 = vector.broadcast %broadcast_in_dim3A_179 : vector<160x1xf32> to vector<160x64xf32>
    %sub3A_181 = arith.subf %add3A_176, %sub3A_180 : vector<160x64xf32>
    %exp3A_182 = math.exp %sub3A_181 : vector<160x64xf32>
    %reduce_sum3A_183 = arith.constant dense<0.000000e+00> : vector<160xf32>
    %reduce_sum3A_184 = vector.multi_reduction <add>, %exp3A_182, %reduce_sum3A_183 [1] : vector<160x64xf32> to vector<160xf32>
    %broadcast_in_dim3A_185 = vector.shape_cast %reduce_sum3A_184 : vector<160xf32> to vector<160x1xf32>
    %log3A_186 = math.log %broadcast_in_dim3A_185 : vector<160x1xf32>
    %add3A_187 = arith.addf %log3A_186, %broadcast_in_dim3A_179 : vector<160x1xf32>
    %sub3A_188 = vector.broadcast %add3A_187 : vector<160x1xf32> to vector<160x64xf32>
    %sub3A_189 = arith.subf %add3A_176, %sub3A_188 : vector<160x64xf32>
    %slice3A_190 = vector.extract_strided_slice %mul3A {offsets = [0, 112], sizes = [160, 16], strides = [1, 1]} : vector<160x128xf32> to vector<160x16xf32>
    %get3A_191 = arith.constant 0 : index
    %get3A_192 = arith.constant 0 : index
    %get3A_193 = vector.load %arg4[%get3A_191, %get3A_192] : memref<16x64xf32, #tpu.memory_space<vmem>>, vector<16x64xf32>
    %dot_general3A_194 = arith.constant dense<0.000000e+00> : vector<160x64xf32>
    %dot_general3A_195 = tpu.matmul %slice3A_190, %get3A_193, %dot_general3A_194 {dimension_numbers = #tpu.dot_dimension_numbers<[1], [0], [0], [1], [0, 0, 1, 1], [], []>, precision = #tpu.contract_precision<fp32>, transpose_lhs_hint = false} : vector<160x16xf32>, vector<16x64xf32>, vector<160x64xf32> -> vector<160x64xf32>
    %get3A_196 = arith.constant 0 : index
    %get3A_197 = arith.constant 0 : index
    %get3A_198 = vector.load %arg5[%get3A_196, %get3A_197] : memref<1x64xf32, #tpu.memory_space<vmem>>, vector<1x64xf32>
    %get3A_199 = vector.shape_cast %get3A_198 : vector<1x64xf32> to vector<64xf32>
    %broadcast_in_dim3A_200 = vector.shape_cast %get3A_199 : vector<64xf32> to vector<1x64xf32>
    %add3A_201 = vector.broadcast %broadcast_in_dim3A_200 : vector<1x64xf32> to vector<160x64xf32>
    %add3A_202 = arith.addf %dot_general3A_195, %add3A_201 : vector<160x64xf32>
    %reduce_max3A_203 = arith.constant dense<0xFF800000> : vector<160xf32>
    %reduce_max3A_204 = vector.multi_reduction <maximumf>, %add3A_202, %reduce_max3A_203 [1] : vector<160x64xf32> to vector<160xf32>
    %broadcast_in_dim3A_205 = vector.shape_cast %reduce_max3A_204 : vector<160xf32> to vector<160x1xf32>
    %sub3A_206 = vector.broadcast %broadcast_in_dim3A_205 : vector<160x1xf32> to vector<160x64xf32>
    %sub3A_207 = arith.subf %add3A_202, %sub3A_206 : vector<160x64xf32>
    %exp3A_208 = math.exp %sub3A_207 : vector<160x64xf32>
    %reduce_sum3A_209 = arith.constant dense<0.000000e+00> : vector<160xf32>
    %reduce_sum3A_210 = vector.multi_reduction <add>, %exp3A_208, %reduce_sum3A_209 [1] : vector<160x64xf32> to vector<160xf32>
    %broadcast_in_dim3A_211 = vector.shape_cast %reduce_sum3A_210 : vector<160xf32> to vector<160x1xf32>
    %log3A_212 = math.log %broadcast_in_dim3A_211 : vector<160x1xf32>
    %add3A_213 = arith.addf %log3A_212, %broadcast_in_dim3A_205 : vector<160x1xf32>
    %sub3A_214 = vector.broadcast %add3A_213 : vector<160x1xf32> to vector<160x64xf32>
    %sub3A_215 = arith.subf %add3A_202, %sub3A_214 : vector<160x64xf32>
    %concatenate3A = tpu.concatenate %sub3A_33, %sub3A_59, %sub3A_85, %sub3A_111, %sub3A_137, %sub3A_163, %sub3A_189, %sub3A_215 in 1 : vector<160x64xf32>, vector<160x64xf32>, vector<160x64xf32>, vector<160x64xf32>, vector<160x64xf32>, vector<160x64xf32>, vector<160x64xf32>, vector<160x64xf32> -> vector<160x512xf32>
    %swap3A = arith.constant 0 : index
    %swap3A_216 = arith.constant 0 : index
    %swap3A_217 = vector.load %arg6[%swap3A, %swap3A_216] : memref<160x512xf32, #tpu.memory_space<vmem>>, vector<160x512xf32>
    tpu.vector_store %arg6[%swap3A, %swap3A_216], %concatenate3A {strides = array<i32>} : memref<160x512xf32, #tpu.memory_space<vmem>>, vector<160x512xf32>,
    return
  }
  func.func @transform_0(%arg0: i32) -> (i32, i32, i32) {
    %c0_i32 = arith.constant 0 : i32
    %c0_i32_0 = arith.constant 0 : i32
    %c0_i32_1 = arith.constant 0 : i32
    return %c0_i32, %arg0, %c0_i32_0 : i32, i32, i32
  }
  func.func @transform_1(%arg0: i32) -> (i32, i32) {
    %c0_i32 = arith.constant 0 : i32
    %c0_i32_0 = arith.constant 0 : i32
    return %arg0, %c0_i32 : i32, i32
  }
  func.func @transform_2(%arg0: i32) -> (i32, i32) {
    %c0_i32 = arith.constant 0 : i32
    %c0_i32_0 = arith.constant 0 : i32
    return %arg0, %c0_i32 : i32, i32
  }
  func.func @transform_3(%arg0: i32) -> (i32, i32) {
    %c0_i32 = arith.constant 0 : i32
    %c0_i32_0 = arith.constant 0 : i32
    %c0_i32_1 = arith.constant 0 : i32
    return %c0_i32, %c0_i32_0 : i32, i32
  }
  func.func @transform_4(%arg0: i32) -> (i32, i32) {
    %c0_i32 = arith.constant 0 : i32
    %c0_i32_0 = arith.constant 0 : i32
    %c0_i32_1 = arith.constant 0 : i32
    return %c0_i32, %c0_i32_0 : i32, i32
  }
  func.func @transform_5(%arg0: i32) -> (i32, i32) {
    %c0_i32 = arith.constant 0 : i32
    %c0_i32_0 = arith.constant 0 : i32
    return %arg0, %c0_i32 : i32, i32
  }
}

</mosaic_0001>

<sc_bundles>
// kernel: kernel.12.cloned.1.call-start
scs
__scs_entry_jumppad:
0x0: {  	(pc) =	sbr.rel $0x88, $3  }
0x1: {  	(tag) =	ssettag $0x0;
	lr =	simm.s32 $0x1  }
0x2: {  	[smem:$0x3F9B] =	sst lr;
	_ =	strace $0xD0000000  }
0x3: {  	_ = 	snop  }
0x4: {  	_ = 	snop  }
0x5: {  	_ = 	snop  }
0x6: {  	_ = 	snop  }
0x7: {  	_ = 	snop  }
__scs_overlays_trampoline_lowered:
0x8: {  	[smem:$0x3FAA] =	sst s0  }
0x9: {  	[smem:$0x3FAB] =	sst s1  }
0xa: {  	[smem:$0x3FAC] =	sst s2  }
0xb: {  	[smem:$0x3FAD] =	sst s3  }
0xc: {  	[smem:$0x3FAE] =	sst s4  }
0xd: {  	[smem:$0x3FAF] =	sst s5  }
0xe: {  	[smem:$0x3FB0] =	sst s6  }
0xf: {  	[smem:$0x3FB1] =	sst s7  }
0x10: {  	[smem:$0x3FB2] =	sst s8  }
0x11: {  	[smem:$0x3FB3] =	sst s9;
	s0 =	simm.s32 @!p0 $0x0  }
0x12: {  	s1 =	sld [smem:$0x3F99];
	s0 =	simm.s32 @p0 $0x1  }
0x13: {  	[smem:$0x3FB4] =	sst s0;
	s0 =	simm.s32 @!p1 $0x0  }
0x14: {  	s2 =	sld [smem:$0x3F98];
	s0 =	simm.s32 @p1 $0x1  }
0x15: {  	[smem:$0x3FB5] =	sst s0;
	s0 =	simm.s32 @!p2 $0x0  }
0x16: {  	s3 =	sld [smem:$0x3FDB];
	s0 =	simm.s32 @p2 $0x1  }
0x17: {  	s4 =	simm.s32 $0x1BF5;
	[smem:$0x3FB7] =	sst s0  }
0x18: {  	s0 =	sld [smem:$0x3F9A];
	_ =	swait.ge [sflag:s4], $0x0  }
0x19: {  	s7 =	sld [smem:$0x3F9B]  }
0x1a: {  	s8 =	sadd.s32 $0xFFFFE003, lr  }
0x1b: {  	s9 =	sadd.s32 $0xFFFFFEF7, lr;
	s5 =	simm.s32 $0xFFFFFFFF;
	p2 =	slt.u32 s8, $0xFFFFF086  }
0x1c: {  	p1 =	slt.u32 s9, $0xF7A;
	s5 =	simm.s32 @!p2 $0x0  }
0x1d: {  	s5 =	simm.s32 @p1 $0x1;
	p0 =	seq.s32 s7, s2  }
0x1e: {  	s7 =	smul.u32 @!p0 $0xF7A, s2;
	p2 =	seq.s32 @!p0 s5, $0x0  }
0x1f: {  	s9 =	smul.u32 $0xF7A, s1;
	s8 =	simm.s32 @!p0 $0x1BF5;
	p2 =	por !p2, p0  }
0x20: {  	[sflag:s8] =	ssyncset.s32 @!p0 $0xFFFFF086;
	s6 =	sadd.s32 @!p0 s3, s7;
	s7 =	simm.s32 @!p0 $0x108  }
0x21: {  	s3 =	sadd.s32 s3, s9;
	s6 =	sadd.s32 @!p0 $0x88, s6;
	s7 =	simm.s32 @p2 $0x1082  }
0x22: {  	[simem:s7], [sflag:s8] =	dma.local @!p0 [hbm:s6], $0xF7A  }
0x23: {  	s9 =	sor.u32 $0xD0000000, s2;
	s6 =	simm.s32 $0x108;
	_ =	swait.ge @!p0 [sflag:s8], $0x0  }
0x24: {  	s3 =	sadd.s32 $0x88, s3;
	s6 =	simm.s32 @!p1 $0x1082;
	[sflag:s4] =	ssyncset.s32 $0xFFFFF086  }
0x25: {  	[simem:s6], [sflag:s4] =	dma.local [hbm:s3], $0xF7A  }
0x26: {  	[smem:$0x3F9B] =	sst s1;
	(tag) =	ssettag s2;
	_ =	strace s9  }
0x27: {  	s1 =	sld [smem:$0x3FAB]  }
0x28: {  	s2 =	sld [smem:$0x3FAC]  }
0x29: {  	s4 =	sld [smem:$0x3FAE]  }
0x2a: {  	p0 =	seq.s32 s5, $0x0;
	s5 =	sld [smem:$0x3FAF]  }
0x2b: {  	s6 =	sld [smem:$0x3FB0]  }
0x2c: {  	s7 =	sld [smem:$0x3FB1]  }
0x2d: {  	s3 =	simm.s32 $0x108;
	s8 =	sld [smem:$0x3FB2]  }
0x2e: {  	s3 =	simm.s32 @!p0 $0x1082;
	s9 =	sld [smem:$0x3FB3]  }
0x2f: {  	lr =	sadd.s32 s0, s3;
	s0 =	sld [smem:$0x3FAA]  }
0x30: {  	s3 =	sld [smem:$0x3FAD]  }
0x31: {  	[smem:$0x3FB6] =	sst s10  }
0x32: {  	s10 =	sld [smem:$0x3FB4];
	_ =	sdelay $0x3  }
0x33: {  	p0 =	seq.s32 s10, $0x1;
	s10 =	sld [smem:$0x3FB6];
	_ =	sdelay $0x3  }
0x34: {  	[smem:$0x3FB6] =	sst s10  }
0x35: {  	s10 =	sld [smem:$0x3FB5];
	_ =	sdelay $0x3  }
0x36: {  	p1 =	seq.s32 s10, $0x1;
	s10 =	sld [smem:$0x3FB6];
	_ =	sdelay $0x3  }
0x37: {  	[smem:$0x3FB6] =	sst s10  }
0x38: {  	s10 =	sld [smem:$0x3FB7]  }
0x39: {  	_ = 	snop;
	(pc) =	sbr.ind lr, $3  }
0x3a: {  	_ = 	snop  }
0x3b: {  	_ = 	snop  }
0x3c: {  	p2 =	seq.s32 s10, $0x1;
	s10 =	sld [smem:$0x3FB6]  }
0x3d: {  	_ =	shalt  }
0x3e: {  	_ =	shalt  }
0x3f: {  	_ =	shalt  }
0x40: {  	_ =	shalt  }
0x41: {  	_ =	shalt  }
0x42: {  	_ =	shalt  }
0x43: {  	_ =	shalt  }
0x44: {  	_ =	shalt  }
0x45: {  	_ =	shalt  }
0x46: {  	_ =	shalt  }
0x47: {  	_ =	shalt  }
0x48: {  	_ =	shalt  }
0x49: {  	_ =	shalt  }
0x4a: {  	_ =	shalt  }
0x4b: {  	_ =	shalt  }
0x4c: {  	_ =	shalt  }
0x4d: {  	_ =	shalt  }
0x4e: {  	_ =	shalt  }
0x4f: {  	_ =	shalt  }
0x50: {  	_ =	shalt  }
0x51: {  	_ =	shalt  }
0x52: {  	_ =	shalt  }
0x53: {  	_ =	shalt  }
0x54: {  	_ =	shalt  }
0x55: {  	_ =	shalt  }
0x56: {  	_ =	shalt  }
0x57: {  	_ =	shalt  }
0x58: {  	_ =	shalt  }
0x59: {  	_ =	shalt  }
0x5a: {  	_ =	shalt  }
0x5b: {  	_ =	shalt  }
0x5c: {  	_ =	shalt  }
0x5d: {  	_ =	shalt  }
0x5e: {  	_ =	shalt  }
0x5f: {  	_ =	shalt  }
0x60: {  	_ =	shalt  }
0x61: {  	_ =	shalt  }
0x62: {  	_ =	shalt  }
0x63: {  	_ =	shalt  }
0x64: {  	_ =	shalt  }
0x65: {  	_ =	shalt  }
0x66: {  	_ =	shalt  }
0x67: {  	_ =	shalt  }
0x68: {  	_ =	shalt  }
0x69: {  	_ =	shalt  }
0x6a: {  	_ =	shalt  }
0x6b: {  	_ =	shalt  }
0x6c: {  	_ =	shalt  }
0x6d: {  	_ =	shalt  }
0x6e: {  	_ =	shalt  }
0x6f: {  	_ =	shalt  }
0x70: {  	_ =	shalt  }
0x71: {  	_ =	shalt  }
0x72: {  	_ =	shalt  }
0x73: {  	_ =	shalt  }
0x74: {  	_ =	shalt  }
0x75: {  	_ =	shalt  }
0x76: {  	_ =	shalt  }
0x77: {  	_ =	shalt  }
0x78: {  	_ =	shalt  }
0x79: {  	_ =	shalt  }
0x7a: {  	_ =	shalt  }
0x7b: {  	_ =	shalt  }
0x7c: {  	_ =	shalt  }
0x7d: {  	_ =	shalt  }
0x7e: {  	_ =	shalt  }
0x7f: {  	_ =	shalt  }
0x80: {  	_ =	shalt  }
0x81: {  	_ =	shalt  }
0x82: {  	_ =	shalt  }
0x83: {  	_ =	shalt  }
0x84: {  	_ =	shalt  }
0x85: {  	_ =	shalt  }
0x86: {  	_ =	shalt  }
0x87: {  	_ =	shalt  }
.Lfunc_end0:
.L_simem_size_0:
called_computation.1_lowered:
.L_overlay_start_0:
0x88: {  	s2 =	sld [smem:$0x3FD9]  }
0x89: {  	s3 =	sld [smem:$0x3FFE];
	_ =	sdelay $0x1  }
0x8a: {  	s1 =	srdreg.scid  }
0x8b: {  	s0 =	sand.u32 $0x1, s1  }
0x8c: {  	s17 =	sshll.u32 s0, $0xA;
	s2 =	sadd.s32 s3, s2  }
0x8d: {  	s2 =	sadd.s32 s2, s17  }
0x8e: {  	[smem:$0x3FC2] =	sst s2  }
0x8f: {  	_ = 	snop  }
0x90: {  	s2 =	sld [smem:$0x3FD0];
	(tm) =	ssettm $0x1  }
0x91: {  	s18 =	sld [smem:$0x3FFB];
	_ =	sdelay $0x3  }
0x92: {  	_ =	strace s18  }
0x93: {  	s3 =	sld [smem:$0x3FFC];
	_ =	sdelay $0x3  }
0x94: {  	_ =	strace s3  }
0x95: {  	s3 =	sld [smem:$0x3FFD];
	_ =	sdelay $0x3  }
0x96: {  	_ =	strace s3  }
0x97: {  	_ =	strace $0x8FFFFFFF  }
0x98: {  	s19 =	sld [smem:$0x3FDB];
	_ =	sdelay $0x1  }
0x99: {  	s4 =	simm.s32 $_scs_section_size  }
0x9a: {  	s5 =	simm.s32 $_size__tile_overlayer_lowered;
	s6 =	simm.s32 $_tile_overlayer_lowered  }
0x9b: {  	s22 =	simm.s32 $0x1BFF;
	s21 =	sshll.u32 s6, $0x1;
	s3 =	sadd.s32 s4, s19  }
0x9c: {  	s7 =	simm.s32 $0x0;
	s20 =	sshll.u32 s5, $0x1;
	s5 =	sadd.s32 s21, s3  }
0x9d: {  	[timem:s7], [sflag:s22] =	dma.local [hbm:s5], s20  }
0x9e: {  	_ =	swait.ge [sflag:s22], s20  }
0x9f: {  	s4 =	ssub.s32 $0x0, s20;
	[sflag:s22] =	ssyncset.done $0x0  }
0xa0: {  	[sflag:s22] =	ssyncadd.s32 s4;
	_ =	sdelay $0x1  }
0xa1: {  	s23 =	simm.s32 $0x1B8B  }
0xa2: {  	_ =	swait.ge [sflag:s23], $0x1  }
0xa3: {  	[sflag:s23] =	ssyncset.done $0x0  }
0xa4: {  	s25 =	simm.s32 $0x1B8E;
	s24 =	sld [smem:$0x3FFE];
	[sflag:s23] =	ssyncadd.s32 $0xFFFFFFFF  }
0xa5: {  	s26 =	simm.s32 $execute0_lowered;
	[smem:$0x3FD2] =	sst s25  }
0xa6: {  	s5 =	sshll.u32 s26, $0x1;
	_ =	strace $0x80000049;
	[dreg:$0x1] =	wrdreg $0xFFFFFFFF  }
0xa7: {  	s28 =	simm.s32 $_size_execute0_lowered;
	s3 =	sadd.s32 s3, s5;
	[dreg:$0x0] =	wrdreg $0x0  }
0xa8: {  	s5 =	sshll.u32 s28, $0x1;
	[dreg:$0x2] =	wrdreg s3  }
0xa9: {  	[dreg:$0x3] =	wrdreg s5  }
0xaa: {  	[dreg:$0x4] =	wrdreg $0xC0  }
0xab: {  	_ =	task [dreg:s7], $0x5FFFF  }
0xac: {  	[dreg:$0x1] =	wrdreg $0xFFFFFFFF  }
0xad: {  	[dreg:$0x0] =	wrdreg $0x60  }
0xae: {  	[dreg:$0x2] =	wrdreg s24  }
0xaf: {  	[dreg:$0x3] =	wrdreg s2  }
0xb0: {  	[dreg:$0x4] =	wrdreg $0x70000  }
0xb1: {  	[dreg:$0x5] =	wrdreg $0x9  }
0xb2: {  	_ =	task.clear_ibuf [dreg:s7], $0x6FFFF;
	_ =	strace $0x90000049  }
0xb3: {  	s29 =	simm.s32 $0x9;
	_ =	strace $0x8000004B  }
0xb4: {  	_ =	swait.ge [sflag:s29], $0x1  }
0xb5: {  	[sflag:s29] =	ssyncadd.s32 $0xFFFFFFFF  }
0xb6: {  	_ =	strace $0x9000004B  }
0xb7: {  	_ =	sfence  }
0xb8: {  	s30 =	sld [smem:$0x0];
	_ =	sdelay $0x2  }
0xb9: {  	s31 =	sshll.u32 s1, $0xD;
	s1 =	sshrl.u32 s1, $0x2  }
0xba: {  	s3 =	sand.u32 $0x4000, s31;
	s1 =	sadd.s32 s1, s30  }
0xbb: {  	s0 =	sor.u32 s3, s0;
	s1 =	sshll.u32 s1, $0x11  }
0xbc: {  	s0 =	sor.u32 s1, s0  }
0xbd: {  	s0 =	sadd.s32 $0x8F2B, s0  }
0xbe: {  	[sflag:s0] =	ssyncadd.remote.s32 $0x1  }
0xbf: {  	_ =	sfence.sel $0xFFFF  }
0xc0: {  	[dreg:$0x0] =	wrdreg $0xFFFFFFFF;
	(pc) =	sbr.abs _section_cstart, $3  }
0xc1: {  	[dreg:$0x1] =	wrdreg $0xFFFFFFFF  }
0xc2: {  	_ =	task.clear_ibuf [dreg:s7], $0x2FFFF;
	_ =	strace $0x9FFFFFFF  }
0xc3: {  	(tm) =	ssettm $0x7FFFFFFF  }
tec
execute0_lowered:
.L_overlay_start_1:
0x0: {  	(tag) =	ssettag $0x1  }
0x1: {  	s0 =	rddreg [dreg:$0x0]  }
0x2: {  	s1 =	rddreg [dreg:$0x1];
	s3 =	srdreg.scid  }
0x3: {  	s15 =	stileid.u32;
	s2 =	rddreg [dreg:$0x2]  }
0x4: {  	s16 =	simm.s32 $0x2;
	s17 =	simm.s32 $0x80;
	s20 =	simm.s32 $0x5  }
0x5: {  	s21 =	simm.s32 $0x6;
	s22 =	simm.s32 $0x7;
	s23 =	simm.s32 $0x8  }
0x6: {  	s24 =	simm.s32 $0x0;
	s5 =	sand.u32 $0x1, s3;
	s4 =	sshll.u32 s15, $0x1  }
0x7: {  	s3 =	simm.s32 $0x0;
	s8 =	smul.u32 $0x2800, s15;
	s28 =	sshll.u32 s15, $0x6  }
0x8: {  	s15 =	simm.s32 $0x1;
	s6 =	sor.u32 s5, s4;
	[smem:$0x7FF] =	sst s3  }
0x9: {  	s4 =	sadd.s32 $0x1BE00, s0;
	s9 =	ssub.s32 $0x2, s5;
	s5 =	smul.u32 $0x28000, s5  }
0xa: {  	s7 =	smul.u32 $0x2800, s6;
	_ =	strace $0x8000004A;
	s10 =	sshrl.u32 s8, $0x3  }
0xb: {  	s11 =	sshrl.u32 s9, $0x1;
	s12 =	smul.u32 $0xFFFFFFB0, s6;
	s14 =	sadd.s32 s8, s2  }
0xc: {  	s6 =	sor.u32 $0x1C09, s28;
	s9 =	ssub.s32 s9, s11;
	s7 =	sshrl.u32 s7, $0x3  }
0xd: {  	s29 =	sadd.s32 s8, s5;
	s13 =	sadd.s32 s7, s0;
	s0 =	sadd.s32 s10, s0  }
0xe: {  	p0 =	slt.s32 s12, $0xFFFFF68C;
	s11 =	smax.u32 s9, $0x1;
	s0 =	sadd.s32 $0x16E00, s0  }
0xf: {  	s12 =	simm.s32 @!p0 $0xFFFFF68C;
	s30 =	sadd.s32 $0x2C00, s13;
	[dreg:$0x4] =	wrdreg s0  }
0x10: {  	s31 =	sadd.s32 $0xCC00, s13;
	[dreg:$0x5] =	wrdreg s30;
	s0 =	sshrl.u32 s29, $0x3  }
0x11: {  	s7 =	sadd.s32 $0x9C4, s12;
	[dreg:$0x6] =	wrdreg s31;
	s0 =	sadd.s32 s1, s0  }
0x12: {  	s12 =	sshrl.u32 s14, $0x3;
	s13 =	simm.s32 $0x9;
	[dreg:$0x7] =	wrdreg s0  }
.LBB2_1:
0x13: {  	s0 =	rddreg [dreg:$0x4]  }
0x14: {  	[spmem:s12], [sflag:s6] =	dma.local [hbm:s0], $0x500  }
0x15: {  	_ =	swait.ge [sflag:s13], $0x500  }
0x16: {  	[sflag:s13] =	ssyncset.done $0x0  }
0x17: {  	s19 =	rddreg [dreg:$0x5];
	[sflag:s13] =	ssyncadd.s32 $0xFFFFFB00  }
0x18: {  	[tilespmem:s3], [sflag:$0x1] =	stream.linear.gather [hbm4b:s19+s3], $0x2800, $0x38;
	[tilespmem:$0x9800] =	vst v63  }
0x19: {  	s1 =	simm.s32 $0x2800;
	s25 =	rddreg [dreg:$0x6]  }
0x1a: {  	[tilespmem:s1], [sflag:$0x2] =	stream.linear.gather [hbm4b:s25+s3], $0x2800, $0x38;
	[tilespmem:$0x9800] =	vst v63  }
0x1b: {  	_ =	swait.ge [sflag:s15], $0x2800  }
0x1c: {  	[sflag:s15] =	ssyncset.done $0x0  }
0x1d: {  	[sflag:s15] =	ssyncadd.s32 $0xFFFFD800  }
0x1e: {  	_ =	swait.ge [sflag:s16], $0x2800  }
0x1f: {  	[sflag:s16] =	ssyncset.done $0x0  }
0x20: {  	s26 =	simm.s32 $0x5000;
	p2 =	sle.u32 s7, $0x0;
	[sflag:s16] =	ssyncadd.s32 $0xFFFFD800  }
0x21: {  	s28 =	simm.s32 $0x5800;
	p1 =	sle.u32 @!p2 s7, $0x2;
	[bflag:$0x0] =	sbarrier.arrive $0xFFFF  }
0x22: {  	[tilespmem:s26], [sflag:$0x1] =	stream.indirect.gather [hbm4b:s4+s17], $0x10, s3, s17, $0xb8;
	[tilespmem:$0x9800] =	vst v63  }
0x23: {  	s0 =	simm.s32 @!p2 $0x2800;
	p0 =	por p1, p2;
	s1 =	simm.s32 @!p2 $0x1  }
0x24: {  	[tilespmem:s28], [sflag:$0x2] =	stream.indirect.gather [hbm4b:s4+s17], $0x10, s17, s17, $0xb8;
	[tilespmem:$0x9800] =	vst v63  }
0x25: {  	s5 =	simm.s32 @!p2 $0x80;
	p3 =	por @!p0 $0x1, $0x1;
	_ =	swait.ge @!p2 [sflag:s1], $0x800  }
0x26: {  	s8 =	simm.s32 @!p2 $0x5000;
	p3 =	por @!p2 p3, p1;
	[sflag:s1] =	ssyncset.done @!p2 $0x0  }
0x27: {  	p1 =	sle.u32 s7, $0x1;
	p3 =	por p3, p2;
	[sflag:s1] =	ssyncadd.s32 @!p2 $0xFFFFF800  }
0x28: {  	[spmem:s2] =	stream.indirect.scatter.add.f32 @!p2 [tilespmem:s8], [sflag:$0x5], $0x10, s0, s5, $0xb8;
	[tilespmem:$0x9800] =	vst v63  }
0x29: {  	s30 =	simm.s32 $0x0;
	p4 =	sle.u32 @!p1 s7, $0x3;
	s0 =	simm.s32 @!p3 $0x7  }
0x2a: {  	s25 =	simm.s32 $0x800;
	s26 =	simm.s32 $0x4;
	_ =	swait.ge @!p3 [sflag:s0], $0x800  }
0x2b: {  	s1 =	simm.s32 @!p0 $0x80;
	p2 =	por p4, p1;
	[sflag:s0] =	ssyncset.done @!p3 $0x0  }
0x2c: {  	s5 =	simm.s32 @!p0 $0x6000;
	s8 =	simm.s32 @!p0 $0x100;
	[sflag:s0] =	ssyncadd.s32 @!p3 $0xFFFFF800  }
0x2d: {  	[tilespmem:s5], [sflag:$0x3] =	stream.indirect.gather @!p0 [hbm4b:s4+s1], $0x10, s8, s1, $0xb8;
	[tilespmem:$0x9800] =	vst v63  }
0x2e: {  	s9 =	simm.s32 @!p2 $0x6800;
	s0 =	simm.s32 @!p1 $0x2;
	p0 =	por @!p2 $0x1, $0x1  }
0x2f: {  	s1 =	simm.s32 @!p1 $0x80;
	s5 =	simm.s32 @!p1 $0x2880;
	_ =	swait.ge @!p1 [sflag:s0], $0x800  }
0x30: {  	p3 =	por @!p1 p0, p4;
	p0 =	sle.u32 s7, $0x2;
	[sflag:s0] =	ssyncset.done @!p1 $0x0  }
0x31: {  	p3 =	por p3, p1;
	[sflag:s0] =	ssyncadd.s32 @!p1 $0xFFFFF800;
	s0 =	simm.s32 @!p1 $0x5800  }
0x32: {  	[spmem:s2] =	stream.indirect.scatter.add.f32 @!p1 [tilespmem:s0], [sflag:$0x6], $0x10, s5, s1, $0xb8;
	[tilespmem:$0x9800] =	vst v63  }
0x33: {  	s8 =	simm.s32 @!p2 $0x180;
	s31 =	simm.s32 @!p0 $0x6000;
	s5 =	simm.s32 @!p3 $0x8  }
0x34: {  	s1 =	simm.s32 @!p0 $0x3;
	p1 =	sle.u32 @!p0 s7, $0x4;
	_ =	swait.ge @!p3 [sflag:s5], $0x800  }
0x35: {  	s0 =	simm.s32 @!p0 $0x2900;
	p1 =	por p1, p0;
	[sflag:s5] =	ssyncset.done @!p3 $0x0  }
0x36: {  	s18 =	simm.s32 @!p1 $0x200;
	[sflag:s5] =	ssyncadd.s32 @!p3 $0xFFFFF800;
	s5 =	simm.s32 @!p2 $0x80  }
0x37: {  	[tilespmem:s9], [sflag:$0x4] =	stream.indirect.gather @!p2 [hbm4b:s4+s5], $0x10, s8, s5, $0xb8;
	[tilespmem:$0x9800] =	vst v63  }
0x38: {  	s8 =	simm.s32 @!p0 $0x80;
	p2 =	sle.u32 s7, $0x3;
	s5 =	simm.s32 @!p1 $0x5  }
0x39: {  	_ =	swait.ge @!p0 [sflag:s1], $0x800;
	s14 =	simm.s32 @!p2 $0x80;
	s29 =	simm.s32 @!p2 $0x0  }
0x3a: {  	s19 =	simm.s32 @!p2 $0x6800;
	s9 =	simm.s32 @!p2 $0x5;
	[sflag:s1] =	ssyncset.done @!p0 $0x0  }
.LBB2_2:
0x3b: {  	[sflag:s1] =	ssyncadd.s32 @!p0 $0xFFFFF800;
	s1 =	simm.s32 @!p1 $0x5000  }
0x3c: {  	s10 =	sadd.s32 @!p2 $0x2980, s29;
	s29 =	smov.u32 s25;
	s28 =	smov.u32 s26  }
0x3d: {  	[spmem:s2] =	stream.indirect.scatter.add.f32 @!p0 [tilespmem:s31], [sflag:$0x7], $0x10, s0, s8, $0xb8;
	[tilespmem:$0x9800] =	vst v63  }
0x3e: {  	s0 =	sadd.s32 $0x1, s26;
	s8 =	simm.s32 @!p1 $0x80;
	_ =	swait.ge @!p1 [sflag:s5], $0x800  }
0x3f: {  	s31 =	simm.s32 @!p2 $0x4;
	p0 =	sge.u32 @!p2 s9, s7;
	[sflag:s5] =	ssyncset.done @!p1 $0x0  }
0x40: {  	p4 =	sge.u32 s26, s7;
	p3 =	por p0, p2;
	[sflag:s5] =	ssyncadd.s32 @!p1 $0xFFFFF800  }
0x41: {  	[tilespmem:s1], [sflag:$0x1] =	stream.indirect.gather @!p1 [hbm4b:s4+s8], $0x10, s18, s8, $0xb8;
	[tilespmem:$0x9800] =	vst v63  }
0x42: {  	s5 =	sadd.s32 @!p4 $0x2, s26;
	s1 =	sshra.s32 @!p4 s25, $0x2;
	_ =	swait.ge @!p2 [sflag:s31], $0x800  }
0x43: {  	p1 =	sge.u32 @!p4 s5, s7;
	s5 =	simm.s32 @!p3 $0x80;
	s1 =	sadd.s32 @!p4 $0x2800, s1  }
0x44: {  	s8 =	simm.s32 @!p3 $0x6;
	p0 =	por p1, p4;
	[sflag:s31] =	ssyncset.done @!p2 $0x0  }
0x45: {  	s9 =	sshra.s32 @!p3 s30, $0x2;
	p5 =	seq.s32 @!p0 s25, $0x0;
	[sflag:s31] =	ssyncadd.s32 @!p2 $0xFFFFF800  }
0x46: {  	[spmem:s2] =	stream.indirect.scatter.add.f32 @!p2 [tilespmem:s19], [sflag:$0x8], $0x10, s10, s14, $0xb8;
	[tilespmem:$0x9800] =	vst v63  }
0x47: {  	s10 =	simm.s32 @!p4 $0x1;
	s14 =	simm.s32 @!p4 $0x80;
	_ =	swait.ge @!p3 [sflag:s8], $0x800  }
0x48: {  	s9 =	sadd.s32 @!p3 $0x280, s9;
	p1 =	por @!p4 p5, p1;
	[sflag:s8] =	ssyncset.done @!p3 $0x0  }
0x49: {  	p2 =	sge.u32 s0, s7;
	s0 =	simm.s32 @!p3 $0x5800;
	[sflag:s8] =	ssyncadd.s32 @!p3 $0xFFFFF800  }
0x4a: {  	[tilespmem:s0], [sflag:$0x2] =	stream.indirect.gather @!p3 [hbm4b:s4+s5], $0x10, s9, s5, $0xb8;
	[tilespmem:$0x9800] =	vst v63  }
0x4b: {  	s0 =	simm.s32 @!p4 $0x5000;
	s5 =	sadd.s32 @!p2 $0x3, s26;
	_ =	swait.ge @!p4 [sflag:s10], $0x800  }
0x4c: {  	s8 =	sshra.s32 @!p0 s25, $0x2;
	p5 =	sge.u32 @!p2 s5, s7;
	[sflag:s10] =	ssyncset.done @!p4 $0x0  }
0x4d: {  	p6 =	por p1, p4;
	p3 =	por p5, p2;
	[sflag:s10] =	ssyncadd.s32 @!p4 $0xFFFFF800  }
0x4e: {  	[spmem:s2] =	stream.indirect.scatter.add.f32 @!p4 [tilespmem:s0], [sflag:$0x5], $0x10, s1, s14, $0xb8;
	[tilespmem:$0x9800] =	vst v63  }
0x4f: {  	s5 =	simm.s32 @!p0 $0x6000;
	s0 =	simm.s32 @!p6 $0x7;
	s1 =	simm.s32 @!p0 $0x80  }
0x50: {  	s8 =	sadd.s32 @!p0 $0x100, s8;
	p1 =	seq.s32 @!p3 s25, $0x0;
	_ =	swait.ge @!p6 [sflag:s0], $0x800  }
0x51: {  	s9 =	sshra.s32 @!p2 s25, $0x2;
	p1 =	por @!p2 p1, p5;
	[sflag:s0] =	ssyncset.done @!p6 $0x0  }
0x52: {  	s10 =	simm.s32 @!p2 $0x80;
	[sflag:s0] =	ssyncadd.s32 @!p6 $0xFFFFF800;
	s0 =	simm.s32 @!p2 $0x2  }
0x53: {  	[tilespmem:s5], [sflag:$0x3] =	stream.indirect.gather @!p0 [hbm4b:s4+s1], $0x10, s8, s1, $0xb8;
	[tilespmem:$0x9800] =	vst v63  }
0x54: {  	s5 =	sadd.s32 @!p2 $0x2880, s9;
	s1 =	sshra.s32 @!p3 s25, $0x2;
	_ =	swait.ge @!p2 [sflag:s0], $0x800  }
0x55: {  	s8 =	sadd.s32 @!p3 $0x180, s1;
	s1 =	sadd.s32 $0x2, s26;
	[sflag:s0] =	ssyncset.done @!p2 $0x0  }
0x56: {  	s25 =	sadd.s32 $0x800, s25;
	p0 =	sge.u32 s1, s7;
	[sflag:s0] =	ssyncadd.s32 @!p2 $0xFFFFF800  }
0x57: {  	s1 =	simm.s32 @!p0 $0x3;
	s0 =	sshra.s32 @!p0 s29, $0x2;
	s31 =	simm.s32 @!p0 $0x6000  }
0x58: {  	p4 =	sne.s32 s25, $0xA000;
	s9 =	sadd.s32 @!p0 $0x4, s26;
	s0 =	sadd.s32 @!p0 $0x2900, s0  }
0x59: {  	s30 =	smov.u32 s29;
	p6 =	sge.u32 @!p0 s9, s7  }
0x5a: {  	p5 =	por p1, p2;
	s9 =	simm.s32 @!p2 $0x5800;
	p1 =	por p6, p0  }
0x5b: {  	[spmem:s2] =	stream.indirect.scatter.add.f32 @!p2 [tilespmem:s9], [sflag:$0x6], $0x10, s5, s10, $0xb8;
	[tilespmem:$0x9800] =	vst v63  }
0x5c: {  	s5 =	simm.s32 @!p5 $0x8;
	s9 =	sshra.s32 @!p1 s30, $0x2  }
0x5d: {  	s26 =	sadd.s32 $0x4, s26;
	s18 =	sadd.s32 @!p1 $0x200, s9;
	_ =	swait.ge @!p5 [sflag:s5], $0x800  }
0x5e: {  	s10 =	simm.s32 @!p3 $0x6800;
	s9 =	sadd.s32 $0x3, s28;
	[sflag:s5] =	ssyncset.done @!p5 $0x0  }
.Ltmp0:
0x5f: {  	[sflag:s5] =	ssyncadd.s32 @!p5 $0xFFFFF800;
	s5 =	simm.s32 @!p3 $0x80;
	(pc) =	sbr.rel @p4 .LBB2_2-.Ltmp0, $4  }
0x60: {  	[tilespmem:s10], [sflag:$0x4] =	stream.indirect.gather @!p3 [hbm4b:s4+s5], $0x10, s8, s5, $0xb8;
	[tilespmem:$0x9800] =	vst v63  }
0x61: {  	p2 =	sge.u32 s9, s7;
	s8 =	simm.s32 @!p0 $0x80;
	_ =	swait.ge @!p0 [sflag:s1], $0x800  }
0x62: {  	s14 =	simm.s32 @!p2 $0x80;
	s5 =	simm.s32 @!p1 $0x5;
	[sflag:s1] =	ssyncset.done @!p0 $0x0  }
0x63: {  	s29 =	sshra.s32 @!p2 s30, $0x2;
	s19 =	simm.s32 @!p2 $0x6800;
	s9 =	sadd.s32 @!p2 $0x5, s28  }
0x64: {  	[sflag:s1] =	ssyncadd.s32 @!p0 $0xFFFFF800  }
0x65: {  	[spmem:s2] =	stream.indirect.scatter.add.f32 @!p0 [tilespmem:s31], [sflag:$0x7], $0x10, s0, s8, $0xb8;
	[tilespmem:$0x9800] =	vst v63  }
0x66: {  	_ =	swait.ge @!p1 [sflag:s5], $0x800  }
0x67: {  	s1 =	simm.s32 @!p1 $0x80;
	[sflag:s5] =	ssyncset.done @!p1 $0x0  }
0x68: {  	s0 =	simm.s32 @!p1 $0x5000;
	s8 =	simm.s32 @!p2 $0x4;
	[sflag:s5] =	ssyncadd.s32 @!p1 $0xFFFFF800  }
0x69: {  	[tilespmem:s0], [sflag:$0x1] =	stream.indirect.gather @!p1 [hbm4b:s4+s1], $0x10, s18, s1, $0xb8;
	[tilespmem:$0x9800] =	vst v63  }
0x6a: {  	p0 =	sge.u32 @!p2 s9, s7;
	_ =	swait.ge @!p2 [sflag:s8], $0x800  }
0x6b: {  	p0 =	por p0, p2;
	[sflag:s8] =	ssyncset.done @!p2 $0x0  }
0x6c: {  	s0 =	sadd.s32 @!p2 $0x2980, s29;
	s1 =	simm.s32 @!p0 $0x6;
	[sflag:s8] =	ssyncadd.s32 @!p2 $0xFFFFF800  }
0x6d: {  	[spmem:s2] =	stream.indirect.scatter.add.f32 @!p2 [tilespmem:s19], [sflag:$0x8], $0x10, s0, s14, $0xb8;
	[tilespmem:$0x9800] =	vst v63  }
0x6e: {  	s5 =	sshra.s32 @!p0 s30, $0x2;
	_ =	swait.ge @!p0 [sflag:s1], $0x800  }
0x6f: {  	s5 =	sadd.s32 @!p0 $0x280, s5;
	[sflag:s1] =	ssyncset.done @!p0 $0x0  }
0x70: {  	s0 =	simm.s32 @!p0 $0x80;
	[sflag:s1] =	ssyncadd.s32 @!p0 $0xFFFFF800;
	s1 =	simm.s32 @!p0 $0x5800  }
0x71: {  	[tilespmem:s1], [sflag:$0x2] =	stream.indirect.gather @!p0 [hbm4b:s4+s0], $0x10, s5, s0, $0xb8;
	[tilespmem:$0x9800] =	vst v63  }
0x72: {  	_ =	swait.ge [sflag:s20], $0x800  }
0x73: {  	[sflag:s20] =	ssyncset.done $0x0  }
0x74: {  	[sflag:s20] =	ssyncadd.s32 $0xFFFFF800  }
0x75: {  	_ =	swait.ge [sflag:s21], $0x800  }
0x76: {  	[sflag:s21] =	ssyncset.done $0x0  }
0x77: {  	[sflag:s21] =	ssyncadd.s32 $0xFFFFF800  }
0x78: {  	_ =	swait.ge [sflag:s22], $0x800  }
0x79: {  	[sflag:s22] =	ssyncset.done $0x0  }
0x7a: {  	[sflag:s22] =	ssyncadd.s32 $0xFFFFF800  }
0x7b: {  	_ =	swait.ge [sflag:s23], $0x800  }
0x7c: {  	[sflag:s23] =	ssyncset.done $0x0  }
0x7d: {  	s24 =	sadd.s32 $0x1, s24;
	[sflag:s23] =	ssyncadd.s32 $0xFFFFF800  }
0x7e: {  	p0 =	sne.s32 s24, s11;
	[bflag:$0x0] =	sbarrier.arrive $0xFFFF  }
.Ltmp1:
0x7f: {  	s31 =	rddreg [dreg:$0x7];
	(pc) =	sbr.rel @p0 .LBB2_1-.Ltmp1, $4  }
0x80: {  	[hbm:s31], [sflag:s6] =	dma.local [spmem:s12], $0x500  }
0x81: {  	_ =	swait.ge [sflag:s13], $0x500  }
0x82: {  	[sflag:s13] =	ssyncset.done $0x0  }
0x83: {  	[sflag:s13] =	ssyncadd.s32 $0xFFFFFB00  }
0x84: {  	_ =	sfence.sel $0x180000  }
0x85: {  	[bflag:$0x0] =	sbarrier.arrive $0xFFFF  }
0x86: {  	_ =	strace $0x9000004A  }
0x87: {  	s0 =	stileid.u32;
	[bflag:$0x2] =	sbarrier.arrive $0xFFFF  }
0x88: {  	p0 =	sne.s32 s0, $0x0;
	s0 =	rddreg [dreg:$0x3]  }
0x89: {  	s0 =	sadd.s32 @!p0 $0x100000, s0  }
0x8a: {  	[sflag:s0] =	ssyncadd.tile.s32 @!p0 $0x1;
	_ =	shalt  }
.Lfunc_end2:
_tile_overlayer_lowered:
.L_overlay_start_2:
0x8b: {  	(tag) =	ssettag $0x2  }
0x8c: {  	s0 =	rddreg [dreg:$0x0];
	s2 =	stileid.u32  }
0x8d: {  	s1 =	rddreg [dreg:$0x1];
	p0 =	sne.s32 s2, $0x0  }
0x8e: {  	s3 =	rddreg [dreg:$0x2];
	[bflag:$0x3] =	sbarrier.arrive $0xFFFF;
	s2 =	simm.s32 @!p0 $0x1C09  }
0x8f: {  	[timem:s3], [sflag:s2] =	dma.local @!p0 [hbm:s0], s1  }
0x90: {  	s0 =	simm.s32 @!p0 $0x9  }
0x91: {  	_ =	swait.ge @!p0 [sflag:s0], s1  }
0x92: {  	s1 =	ssub.s32 @!p0 $0x0, s1;
	[sflag:s0] =	ssyncset.done @!p0 $0x0  }
0x93: {  	[sflag:s0] =	ssyncadd.s32 @!p0 s1  }
0x94: {  	[bflag:$0x3] =	sbarrier.arrive $0xFFFF  }
0x95: {  	_ =	shalt  }

// kernel: kernel.15.cloned.1.call-start
scs
__scs_entry_jumppad:
0x0: {  	(pc) =	sbr.rel $0x88, $3  }
0x1: {  	(tag) =	ssettag $0x0;
	lr =	simm.s32 $0x1  }
0x2: {  	[smem:$0x3F9B] =	sst lr;
	_ =	strace $0xD0000000  }
0x3: {  	_ = 	snop  }
0x4: {  	_ = 	snop  }
0x5: {  	_ = 	snop  }
0x6: {  	_ = 	snop  }
0x7: {  	_ = 	snop  }
__scs_overlays_trampoline_lowered:
0x8: {  	[smem:$0x3FAA] =	sst s0  }
0x9: {  	[smem:$0x3FAB] =	sst s1  }
0xa: {  	[smem:$0x3FAC] =	sst s2  }
0xb: {  	[smem:$0x3FAD] =	sst s3  }
0xc: {  	[smem:$0x3FAE] =	sst s4  }
0xd: {  	[smem:$0x3FAF] =	sst s5  }
0xe: {  	[smem:$0x3FB0] =	sst s6  }
0xf: {  	[smem:$0x3FB1] =	sst s7  }
0x10: {  	[smem:$0x3FB2] =	sst s8  }
0x11: {  	[smem:$0x3FB3] =	sst s9;
	s0 =	simm.s32 @!p0 $0x0  }
0x12: {  	s1 =	sld [smem:$0x3F99];
	s0 =	simm.s32 @p0 $0x1  }
0x13: {  	[smem:$0x3FB4] =	sst s0;
	s0 =	simm.s32 @!p1 $0x0  }
0x14: {  	s2 =	sld [smem:$0x3F98];
	s0 =	simm.s32 @p1 $0x1  }
0x15: {  	[smem:$0x3FB5] =	sst s0;
	s0 =	simm.s32 @!p2 $0x0  }
0x16: {  	s3 =	sld [smem:$0x3FDB];
	s0 =	simm.s32 @p2 $0x1  }
0x17: {  	s4 =	simm.s32 $0x1BF5;
	[smem:$0x3FB7] =	sst s0  }
0x18: {  	s0 =	sld [smem:$0x3F9A];
	_ =	swait.ge [sflag:s4], $0x0  }
0x19: {  	s7 =	sld [smem:$0x3F9B]  }
0x1a: {  	s8 =	sadd.s32 $0xFFFFE003, lr  }
0x1b: {  	s9 =	sadd.s32 $0xFFFFFEF7, lr;
	s5 =	simm.s32 $0xFFFFFFFF;
	p2 =	slt.u32 s8, $0xFFFFF086  }
0x1c: {  	p1 =	slt.u32 s9, $0xF7A;
	s5 =	simm.s32 @!p2 $0x0  }
0x1d: {  	s5 =	simm.s32 @p1 $0x1;
	p0 =	seq.s32 s7, s2  }
0x1e: {  	s7 =	smul.u32 @!p0 $0xF7A, s2;
	p2 =	seq.s32 @!p0 s5, $0x0  }
0x1f: {  	s9 =	smul.u32 $0xF7A, s1;
	s8 =	simm.s32 @!p0 $0x1BF5;
	p2 =	por !p2, p0  }
0x20: {  	[sflag:s8] =	ssyncset.s32 @!p0 $0xFFFFF086;
	s6 =	sadd.s32 @!p0 s3, s7;
	s7 =	simm.s32 @!p0 $0x108  }
0x21: {  	s3 =	sadd.s32 s3, s9;
	s6 =	sadd.s32 @!p0 $0x88, s6;
	s7 =	simm.s32 @p2 $0x1082  }
0x22: {  	[simem:s7], [sflag:s8] =	dma.local @!p0 [hbm:s6], $0xF7A  }
0x23: {  	s9 =	sor.u32 $0xD0000000, s2;
	s6 =	simm.s32 $0x108;
	_ =	swait.ge @!p0 [sflag:s8], $0x0  }
0x24: {  	s3 =	sadd.s32 $0x88, s3;
	s6 =	simm.s32 @!p1 $0x1082;
	[sflag:s4] =	ssyncset.s32 $0xFFFFF086  }
0x25: {  	[simem:s6], [sflag:s4] =	dma.local [hbm:s3], $0xF7A  }
0x26: {  	[smem:$0x3F9B] =	sst s1;
	(tag) =	ssettag s2;
	_ =	strace s9  }
0x27: {  	s1 =	sld [smem:$0x3FAB]  }
0x28: {  	s2 =	sld [smem:$0x3FAC]  }
0x29: {  	s4 =	sld [smem:$0x3FAE]  }
0x2a: {  	p0 =	seq.s32 s5, $0x0;
	s5 =	sld [smem:$0x3FAF]  }
0x2b: {  	s6 =	sld [smem:$0x3FB0]  }
0x2c: {  	s7 =	sld [smem:$0x3FB1]  }
0x2d: {  	s3 =	simm.s32 $0x108;
	s8 =	sld [smem:$0x3FB2]  }
0x2e: {  	s3 =	simm.s32 @!p0 $0x1082;
	s9 =	sld [smem:$0x3FB3]  }
0x2f: {  	lr =	sadd.s32 s0, s3;
	s0 =	sld [smem:$0x3FAA]  }
0x30: {  	s3 =	sld [smem:$0x3FAD]  }
0x31: {  	[smem:$0x3FB6] =	sst s10  }
0x32: {  	s10 =	sld [smem:$0x3FB4];
	_ =	sdelay $0x3  }
0x33: {  	p0 =	seq.s32 s10, $0x1;
	s10 =	sld [smem:$0x3FB6];
	_ =	sdelay $0x3  }
0x34: {  	[smem:$0x3FB6] =	sst s10  }
0x35: {  	s10 =	sld [smem:$0x3FB5];
	_ =	sdelay $0x3  }
0x36: {  	p1 =	seq.s32 s10, $0x1;
	s10 =	sld [smem:$0x3FB6];
	_ =	sdelay $0x3  }
0x37: {  	[smem:$0x3FB6] =	sst s10  }
0x38: {  	s10 =	sld [smem:$0x3FB7]  }
0x39: {  	_ = 	snop;
	(pc) =	sbr.ind lr, $3  }
0x3a: {  	_ = 	snop  }
0x3b: {  	_ = 	snop  }
0x3c: {  	p2 =	seq.s32 s10, $0x1;
	s10 =	sld [smem:$0x3FB6]  }
0x3d: {  	_ =	shalt  }
0x3e: {  	_ =	shalt  }
0x3f: {  	_ =	shalt  }
0x40: {  	_ =	shalt  }
0x41: {  	_ =	shalt  }
0x42: {  	_ =	shalt  }
0x43: {  	_ =	shalt  }
0x44: {  	_ =	shalt  }
0x45: {  	_ =	shalt  }
0x46: {  	_ =	shalt  }
0x47: {  	_ =	shalt  }
0x48: {  	_ =	shalt  }
0x49: {  	_ =	shalt  }
0x4a: {  	_ =	shalt  }
0x4b: {  	_ =	shalt  }
0x4c: {  	_ =	shalt  }
0x4d: {  	_ =	shalt  }
0x4e: {  	_ =	shalt  }
0x4f: {  	_ =	shalt  }
0x50: {  	_ =	shalt  }
0x51: {  	_ =	shalt  }
0x52: {  	_ =	shalt  }
0x53: {  	_ =	shalt  }
0x54: {  	_ =	shalt  }
0x55: {  	_ =	shalt  }
0x56: {  	_ =	shalt  }
0x57: {  	_ =	shalt  }
0x58: {  	_ =	shalt  }
0x59: {  	_ =	shalt  }
0x5a: {  	_ =	shalt  }
0x5b: {  	_ =	shalt  }
0x5c: {  	_ =	shalt  }
0x5d: {  	_ =	shalt  }
0x5e: {  	_ =	shalt  }
0x5f: {  	_ =	shalt  }
0x60: {  	_ =	shalt  }
0x61: {  	_ =	shalt  }
0x62: {  	_ =	shalt  }
0x63: {  	_ =	shalt  }
0x64: {  	_ =	shalt  }
0x65: {  	_ =	shalt  }
0x66: {  	_ =	shalt  }
0x67: {  	_ =	shalt  }
0x68: {  	_ =	shalt  }
0x69: {  	_ =	shalt  }
0x6a: {  	_ =	shalt  }
0x6b: {  	_ =	shalt  }
0x6c: {  	_ =	shalt  }
0x6d: {  	_ =	shalt  }
0x6e: {  	_ =	shalt  }
0x6f: {  	_ =	shalt  }
0x70: {  	_ =	shalt  }
0x71: {  	_ =	shalt  }
0x72: {  	_ =	shalt  }
0x73: {  	_ =	shalt  }
0x74: {  	_ =	shalt  }
0x75: {  	_ =	shalt  }
0x76: {  	_ =	shalt  }
0x77: {  	_ =	shalt  }
0x78: {  	_ =	shalt  }
0x79: {  	_ =	shalt  }
0x7a: {  	_ =	shalt  }
0x7b: {  	_ =	shalt  }
0x7c: {  	_ =	shalt  }
0x7d: {  	_ =	shalt  }
0x7e: {  	_ =	shalt  }
0x7f: {  	_ =	shalt  }
0x80: {  	_ =	shalt  }
0x81: {  	_ =	shalt  }
0x82: {  	_ =	shalt  }
0x83: {  	_ =	shalt  }
0x84: {  	_ =	shalt  }
0x85: {  	_ =	shalt  }
0x86: {  	_ =	shalt  }
0x87: {  	_ =	shalt  }
.Lfunc_end0:
.L_simem_size_0:
called_computation.2_lowered:
.L_overlay_start_0:
0x88: {  	s2 =	sld [smem:$0x3FD9]  }
0x89: {  	s3 =	sld [smem:$0x3FFE];
	_ =	sdelay $0x1  }
0x8a: {  	s1 =	srdreg.scid  }
0x8b: {  	s0 =	sand.u32 $0x1, s1  }
0x8c: {  	s17 =	sshll.u32 s0, $0xA;
	s2 =	sadd.s32 s3, s2  }
0x8d: {  	s2 =	sadd.s32 s2, s17  }
0x8e: {  	[smem:$0x3FC2] =	sst s2  }
0x8f: {  	_ = 	snop  }
0x90: {  	s2 =	sld [smem:$0x3FD0];
	(tm) =	ssettm $0x1  }
0x91: {  	s18 =	sld [smem:$0x3FFB];
	_ =	sdelay $0x3  }
0x92: {  	_ =	strace s18  }
0x93: {  	s3 =	sld [smem:$0x3FFC];
	_ =	sdelay $0x3  }
0x94: {  	_ =	strace s3  }
0x95: {  	s3 =	sld [smem:$0x3FFD];
	_ =	sdelay $0x3  }
0x96: {  	_ =	strace s3  }
0x97: {  	_ =	strace $0x8FFFFFFF  }
0x98: {  	s19 =	sld [smem:$0x3FDB];
	_ =	sdelay $0x1  }
0x99: {  	s4 =	simm.s32 $_scs_section_size  }
0x9a: {  	s5 =	simm.s32 $_size__tile_overlayer_lowered;
	s6 =	simm.s32 $_tile_overlayer_lowered  }
0x9b: {  	s22 =	simm.s32 $0x1BFF;
	s21 =	sshll.u32 s6, $0x1;
	s3 =	sadd.s32 s4, s19  }
0x9c: {  	s7 =	simm.s32 $0x0;
	s20 =	sshll.u32 s5, $0x1;
	s5 =	sadd.s32 s21, s3  }
0x9d: {  	[timem:s7], [sflag:s22] =	dma.local [hbm:s5], s20  }
0x9e: {  	_ =	swait.ge [sflag:s22], s20  }
0x9f: {  	s4 =	ssub.s32 $0x0, s20;
	[sflag:s22] =	ssyncset.done $0x0  }
0xa0: {  	[sflag:s22] =	ssyncadd.s32 s4;
	_ =	sdelay $0x1  }
0xa1: {  	s23 =	simm.s32 $0x1B8B  }
0xa2: {  	_ =	swait.ge [sflag:s23], $0x1  }
0xa3: {  	[sflag:s23] =	ssyncset.done $0x0  }
0xa4: {  	s25 =	simm.s32 $0x1B8E;
	s24 =	sld [smem:$0x3FFE];
	[sflag:s23] =	ssyncadd.s32 $0xFFFFFFFF  }
0xa5: {  	s26 =	simm.s32 $execute0_lowered;
	[smem:$0x3FD2] =	sst s25  }
0xa6: {  	s5 =	sshll.u32 s26, $0x1;
	_ =	strace $0x8000004C;
	[dreg:$0x1] =	wrdreg $0xFFFFFFFF  }
0xa7: {  	s28 =	simm.s32 $_size_execute0_lowered;
	s3 =	sadd.s32 s3, s5;
	[dreg:$0x0] =	wrdreg $0x0  }
0xa8: {  	s5 =	sshll.u32 s28, $0x1;
	[dreg:$0x2] =	wrdreg s3  }
0xa9: {  	[dreg:$0x3] =	wrdreg s5  }
0xaa: {  	[dreg:$0x4] =	wrdreg $0xC0  }
0xab: {  	_ =	task [dreg:s7], $0x5FFFF  }
0xac: {  	[dreg:$0x1] =	wrdreg $0xFFFFFFFF  }
0xad: {  	[dreg:$0x0] =	wrdreg $0x60  }
0xae: {  	[dreg:$0x2] =	wrdreg s24  }
0xaf: {  	[dreg:$0x3] =	wrdreg s2  }
0xb0: {  	[dreg:$0x4] =	wrdreg $0x70000  }
0xb1: {  	[dreg:$0x5] =	wrdreg $0x9  }
0xb2: {  	_ =	task.clear_ibuf [dreg:s7], $0x6FFFF;
	_ =	strace $0x9000004C  }
0xb3: {  	s29 =	simm.s32 $0x9;
	_ =	strace $0x8000004E  }
0xb4: {  	_ =	swait.ge [sflag:s29], $0x1  }
0xb5: {  	[sflag:s29] =	ssyncadd.s32 $0xFFFFFFFF  }
0xb6: {  	_ =	strace $0x9000004E  }
0xb7: {  	_ =	sfence  }
0xb8: {  	s30 =	sld [smem:$0x0];
	_ =	sdelay $0x2  }
0xb9: {  	s31 =	sshll.u32 s1, $0xD;
	s1 =	sshrl.u32 s1, $0x2  }
0xba: {  	s3 =	sand.u32 $0x4000, s31;
	s1 =	sadd.s32 s1, s30  }
0xbb: {  	s0 =	sor.u32 s3, s0;
	s1 =	sshll.u32 s1, $0x11  }
0xbc: {  	s0 =	sor.u32 s1, s0  }
0xbd: {  	s0 =	sadd.s32 $0x8F2B, s0  }
0xbe: {  	[sflag:s0] =	ssyncadd.remote.s32 $0x1  }
0xbf: {  	_ =	sfence.sel $0xFFFF  }
0xc0: {  	[dreg:$0x0] =	wrdreg $0xFFFFFFFF;
	(pc) =	sbr.abs _section_cstart, $3  }
0xc1: {  	[dreg:$0x1] =	wrdreg $0xFFFFFFFF  }
0xc2: {  	_ =	task.clear_ibuf [dreg:s7], $0x2FFFF;
	_ =	strace $0x9FFFFFFF  }
0xc3: {  	(tm) =	ssettm $0x7FFFFFFF  }
tec
execute0_lowered:
.L_overlay_start_1:
0x0: {  	(tag) =	ssettag $0x1  }
0x1: {  	s0 =	rddreg [dreg:$0x0]  }
0x2: {  	s1 =	rddreg [dreg:$0x1];
	s3 =	srdreg.scid  }
0x3: {  	s15 =	stileid.u32;
	s2 =	rddreg [dreg:$0x2]  }
0x4: {  	s16 =	simm.s32 $0x2;
	s17 =	simm.s32 $0x80;
	s20 =	simm.s32 $0x5  }
0x5: {  	s21 =	simm.s32 $0x6;
	s22 =	simm.s32 $0x7;
	s23 =	simm.s32 $0x8  }
0x6: {  	s24 =	simm.s32 $0x0;
	s5 =	sand.u32 $0x1, s3;
	s4 =	sshll.u32 s15, $0x1  }
0x7: {  	s3 =	simm.s32 $0x0;
	s8 =	smul.u32 $0x2800, s15;
	s28 =	sshll.u32 s15, $0x6  }
0x8: {  	s15 =	simm.s32 $0x1;
	s6 =	sor.u32 s5, s4;
	[smem:$0x7FF] =	sst s3  }
0x9: {  	s4 =	sadd.s32 $0x1BE00, s0;
	s9 =	ssub.s32 $0x2, s5;
	s5 =	smul.u32 $0x28000, s5  }
0xa: {  	s7 =	smul.u32 $0x2800, s6;
	_ =	strace $0x8000004D;
	s10 =	sshrl.u32 s8, $0x3  }
0xb: {  	s11 =	sshrl.u32 s9, $0x1;
	s12 =	smul.u32 $0xFFFFFFB0, s6;
	s14 =	sadd.s32 s8, s2  }
0xc: {  	s6 =	sor.u32 $0x1C09, s28;
	s9 =	ssub.s32 s9, s11;
	s7 =	sshrl.u32 s7, $0x3  }
0xd: {  	s29 =	sadd.s32 s8, s5;
	s13 =	sadd.s32 s7, s0;
	s0 =	sadd.s32 s10, s0  }
0xe: {  	p0 =	slt.s32 s12, $0xFFFFF68C;
	s11 =	smax.u32 s9, $0x1;
	s0 =	sadd.s32 $0x16E00, s0  }
0xf: {  	s12 =	simm.s32 @!p0 $0xFFFFF68C;
	s30 =	sadd.s32 $0x2C00, s13;
	[dreg:$0x4] =	wrdreg s0  }
0x10: {  	s31 =	sadd.s32 $0xCC00, s13;
	[dreg:$0x5] =	wrdreg s30;
	s0 =	sshrl.u32 s29, $0x3  }
0x11: {  	s7 =	sadd.s32 $0x9C4, s12;
	[dreg:$0x6] =	wrdreg s31;
	s0 =	sadd.s32 s1, s0  }
0x12: {  	s12 =	sshrl.u32 s14, $0x3;
	s13 =	simm.s32 $0x9;
	[dreg:$0x7] =	wrdreg s0  }
.LBB2_1:
0x13: {  	s0 =	rddreg [dreg:$0x4]  }
0x14: {  	[spmem:s12], [sflag:s6] =	dma.local [hbm:s0], $0x500  }
0x15: {  	_ =	swait.ge [sflag:s13], $0x500  }
0x16: {  	[sflag:s13] =	ssyncset.done $0x0  }
0x17: {  	s19 =	rddreg [dreg:$0x5];
	[sflag:s13] =	ssyncadd.s32 $0xFFFFFB00  }
0x18: {  	[tilespmem:s3], [sflag:$0x1] =	stream.linear.gather [hbm4b:s19+s3], $0x2800, $0x38;
	[tilespmem:$0x9800] =	vst v63  }
0x19: {  	s1 =	simm.s32 $0x2800;
	s25 =	rddreg [dreg:$0x6]  }
0x1a: {  	[tilespmem:s1], [sflag:$0x2] =	stream.linear.gather [hbm4b:s25+s3], $0x2800, $0x38;
	[tilespmem:$0x9800] =	vst v63  }
0x1b: {  	_ =	swait.ge [sflag:s15], $0x2800  }
0x1c: {  	[sflag:s15] =	ssyncset.done $0x0  }
0x1d: {  	[sflag:s15] =	ssyncadd.s32 $0xFFFFD800  }
0x1e: {  	_ =	swait.ge [sflag:s16], $0x2800  }
0x1f: {  	[sflag:s16] =	ssyncset.done $0x0  }
0x20: {  	s26 =	simm.s32 $0x5000;
	p2 =	sle.u32 s7, $0x0;
	[sflag:s16] =	ssyncadd.s32 $0xFFFFD800  }
0x21: {  	s28 =	simm.s32 $0x5800;
	p1 =	sle.u32 @!p2 s7, $0x2;
	[bflag:$0x0] =	sbarrier.arrive $0xFFFF  }
0x22: {  	[tilespmem:s26], [sflag:$0x1] =	stream.indirect.gather [hbm4b:s4+s17], $0x10, s3, s17, $0xb8;
	[tilespmem:$0x9800] =	vst v63  }
0x23: {  	s0 =	simm.s32 @!p2 $0x2800;
	p0 =	por p1, p2;
	s1 =	simm.s32 @!p2 $0x1  }
0x24: {  	[tilespmem:s28], [sflag:$0x2] =	stream.indirect.gather [hbm4b:s4+s17], $0x10, s17, s17, $0xb8;
	[tilespmem:$0x9800] =	vst v63  }
0x25: {  	s5 =	simm.s32 @!p2 $0x80;
	p3 =	por @!p0 $0x1, $0x1;
	_ =	swait.ge @!p2 [sflag:s1], $0x800  }
0x26: {  	s8 =	simm.s32 @!p2 $0x5000;
	p3 =	por @!p2 p3, p1;
	[sflag:s1] =	ssyncset.done @!p2 $0x0  }
0x27: {  	p1 =	sle.u32 s7, $0x1;
	p3 =	por p3, p2;
	[sflag:s1] =	ssyncadd.s32 @!p2 $0xFFFFF800  }
0x28: {  	[spmem:s2] =	stream.indirect.scatter.add.f32 @!p2 [tilespmem:s8], [sflag:$0x5], $0x10, s0, s5, $0xb8;
	[tilespmem:$0x9800] =	vst v63  }
0x29: {  	s30 =	simm.s32 $0x0;
	p4 =	sle.u32 @!p1 s7, $0x3;
	s0 =	simm.s32 @!p3 $0x7  }
0x2a: {  	s25 =	simm.s32 $0x800;
	s26 =	simm.s32 $0x4;
	_ =	swait.ge @!p3 [sflag:s0], $0x800  }
0x2b: {  	s1 =	simm.s32 @!p0 $0x80;
	p2 =	por p4, p1;
	[sflag:s0] =	ssyncset.done @!p3 $0x0  }
0x2c: {  	s5 =	simm.s32 @!p0 $0x6000;
	s8 =	simm.s32 @!p0 $0x100;
	[sflag:s0] =	ssyncadd.s32 @!p3 $0xFFFFF800  }
0x2d: {  	[tilespmem:s5], [sflag:$0x3] =	stream.indirect.gather @!p0 [hbm4b:s4+s1], $0x10, s8, s1, $0xb8;
	[tilespmem:$0x9800] =	vst v63  }
0x2e: {  	s9 =	simm.s32 @!p2 $0x6800;
	s0 =	simm.s32 @!p1 $0x2;
	p0 =	por @!p2 $0x1, $0x1  }
0x2f: {  	s1 =	simm.s32 @!p1 $0x80;
	s5 =	simm.s32 @!p1 $0x2880;
	_ =	swait.ge @!p1 [sflag:s0], $0x800  }
0x30: {  	p3 =	por @!p1 p0, p4;
	p0 =	sle.u32 s7, $0x2;
	[sflag:s0] =	ssyncset.done @!p1 $0x0  }
0x31: {  	p3 =	por p3, p1;
	[sflag:s0] =	ssyncadd.s32 @!p1 $0xFFFFF800;
	s0 =	simm.s32 @!p1 $0x5800  }
0x32: {  	[spmem:s2] =	stream.indirect.scatter.add.f32 @!p1 [tilespmem:s0], [sflag:$0x6], $0x10, s5, s1, $0xb8;
	[tilespmem:$0x9800] =	vst v63  }
0x33: {  	s8 =	simm.s32 @!p2 $0x180;
	s31 =	simm.s32 @!p0 $0x6000;
	s5 =	simm.s32 @!p3 $0x8  }
0x34: {  	s1 =	simm.s32 @!p0 $0x3;
	p1 =	sle.u32 @!p0 s7, $0x4;
	_ =	swait.ge @!p3 [sflag:s5], $0x800  }
0x35: {  	s0 =	simm.s32 @!p0 $0x2900;
	p1 =	por p1, p0;
	[sflag:s5] =	ssyncset.done @!p3 $0x0  }
0x36: {  	s18 =	simm.s32 @!p1 $0x200;
	[sflag:s5] =	ssyncadd.s32 @!p3 $0xFFFFF800;
	s5 =	simm.s32 @!p2 $0x80  }
0x37: {  	[tilespmem:s9], [sflag:$0x4] =	stream.indirect.gather @!p2 [hbm4b:s4+s5], $0x10, s8, s5, $0xb8;
	[tilespmem:$0x9800] =	vst v63  }
0x38: {  	s8 =	simm.s32 @!p0 $0x80;
	p2 =	sle.u32 s7, $0x3;
	s5 =	simm.s32 @!p1 $0x5  }
0x39: {  	_ =	swait.ge @!p0 [sflag:s1], $0x800;
	s14 =	simm.s32 @!p2 $0x80;
	s29 =	simm.s32 @!p2 $0x0  }
0x3a: {  	s19 =	simm.s32 @!p2 $0x6800;
	s9 =	simm.s32 @!p2 $0x5;
	[sflag:s1] =	ssyncset.done @!p0 $0x0  }
.LBB2_2:
0x3b: {  	[sflag:s1] =	ssyncadd.s32 @!p0 $0xFFFFF800;
	s1 =	simm.s32 @!p1 $0x5000  }
0x3c: {  	s10 =	sadd.s32 @!p2 $0x2980, s29;
	s29 =	smov.u32 s25;
	s28 =	smov.u32 s26  }
0x3d: {  	[spmem:s2] =	stream.indirect.scatter.add.f32 @!p0 [tilespmem:s31], [sflag:$0x7], $0x10, s0, s8, $0xb8;
	[tilespmem:$0x9800] =	vst v63  }
0x3e: {  	s0 =	sadd.s32 $0x1, s26;
	s8 =	simm.s32 @!p1 $0x80;
	_ =	swait.ge @!p1 [sflag:s5], $0x800  }
0x3f: {  	s31 =	simm.s32 @!p2 $0x4;
	p0 =	sge.u32 @!p2 s9, s7;
	[sflag:s5] =	ssyncset.done @!p1 $0x0  }
0x40: {  	p4 =	sge.u32 s26, s7;
	p3 =	por p0, p2;
	[sflag:s5] =	ssyncadd.s32 @!p1 $0xFFFFF800  }
0x41: {  	[tilespmem:s1], [sflag:$0x1] =	stream.indirect.gather @!p1 [hbm4b:s4+s8], $0x10, s18, s8, $0xb8;
	[tilespmem:$0x9800] =	vst v63  }
0x42: {  	s5 =	sadd.s32 @!p4 $0x2, s26;
	s1 =	sshra.s32 @!p4 s25, $0x2;
	_ =	swait.ge @!p2 [sflag:s31], $0x800  }
0x43: {  	p1 =	sge.u32 @!p4 s5, s7;
	s5 =	simm.s32 @!p3 $0x80;
	s1 =	sadd.s32 @!p4 $0x2800, s1  }
0x44: {  	s8 =	simm.s32 @!p3 $0x6;
	p0 =	por p1, p4;
	[sflag:s31] =	ssyncset.done @!p2 $0x0  }
0x45: {  	s9 =	sshra.s32 @!p3 s30, $0x2;
	p5 =	seq.s32 @!p0 s25, $0x0;
	[sflag:s31] =	ssyncadd.s32 @!p2 $0xFFFFF800  }
0x46: {  	[spmem:s2] =	stream.indirect.scatter.add.f32 @!p2 [tilespmem:s19], [sflag:$0x8], $0x10, s10, s14, $0xb8;
	[tilespmem:$0x9800] =	vst v63  }
0x47: {  	s10 =	simm.s32 @!p4 $0x1;
	s14 =	simm.s32 @!p4 $0x80;
	_ =	swait.ge @!p3 [sflag:s8], $0x800  }
0x48: {  	s9 =	sadd.s32 @!p3 $0x280, s9;
	p1 =	por @!p4 p5, p1;
	[sflag:s8] =	ssyncset.done @!p3 $0x0  }
0x49: {  	p2 =	sge.u32 s0, s7;
	s0 =	simm.s32 @!p3 $0x5800;
	[sflag:s8] =	ssyncadd.s32 @!p3 $0xFFFFF800  }
0x4a: {  	[tilespmem:s0], [sflag:$0x2] =	stream.indirect.gather @!p3 [hbm4b:s4+s5], $0x10, s9, s5, $0xb8;
	[tilespmem:$0x9800] =	vst v63  }
0x4b: {  	s0 =	simm.s32 @!p4 $0x5000;
	s5 =	sadd.s32 @!p2 $0x3, s26;
	_ =	swait.ge @!p4 [sflag:s10], $0x800  }
0x4c: {  	s8 =	sshra.s32 @!p0 s25, $0x2;
	p5 =	sge.u32 @!p2 s5, s7;
	[sflag:s10] =	ssyncset.done @!p4 $0x0  }
0x4d: {  	p6 =	por p1, p4;
	p3 =	por p5, p2;
	[sflag:s10] =	ssyncadd.s32 @!p4 $0xFFFFF800  }
0x4e: {  	[spmem:s2] =	stream.indirect.scatter.add.f32 @!p4 [tilespmem:s0], [sflag:$0x5], $0x10, s1, s14, $0xb8;
	[tilespmem:$0x9800] =	vst v63  }
0x4f: {  	s5 =	simm.s32 @!p0 $0x6000;
	s0 =	simm.s32 @!p6 $0x7;
	s1 =	simm.s32 @!p0 $0x80  }
0x50: {  	s8 =	sadd.s32 @!p0 $0x100, s8;
	p1 =	seq.s32 @!p3 s25, $0x0;
	_ =	swait.ge @!p6 [sflag:s0], $0x800  }
0x51: {  	s9 =	sshra.s32 @!p2 s25, $0x2;
	p1 =	por @!p2 p1, p5;
	[sflag:s0] =	ssyncset.done @!p6 $0x0  }
0x52: {  	s10 =	simm.s32 @!p2 $0x80;
	[sflag:s0] =	ssyncadd.s32 @!p6 $0xFFFFF800;
	s0 =	simm.s32 @!p2 $0x2  }
0x53: {  	[tilespmem:s5], [sflag:$0x3] =	stream.indirect.gather @!p0 [hbm4b:s4+s1], $0x10, s8, s1, $0xb8;
	[tilespmem:$0x9800] =	vst v63  }
0x54: {  	s5 =	sadd.s32 @!p2 $0x2880, s9;
	s1 =	sshra.s32 @!p3 s25, $0x2;
	_ =	swait.ge @!p2 [sflag:s0], $0x800  }
0x55: {  	s8 =	sadd.s32 @!p3 $0x180, s1;
	s1 =	sadd.s32 $0x2, s26;
	[sflag:s0] =	ssyncset.done @!p2 $0x0  }
0x56: {  	s25 =	sadd.s32 $0x800, s25;
	p0 =	sge.u32 s1, s7;
	[sflag:s0] =	ssyncadd.s32 @!p2 $0xFFFFF800  }
0x57: {  	s1 =	simm.s32 @!p0 $0x3;
	s0 =	sshra.s32 @!p0 s29, $0x2;
	s31 =	simm.s32 @!p0 $0x6000  }
0x58: {  	p4 =	sne.s32 s25, $0xA000;
	s9 =	sadd.s32 @!p0 $0x4, s26;
	s0 =	sadd.s32 @!p0 $0x2900, s0  }
0x59: {  	s30 =	smov.u32 s29;
	p6 =	sge.u32 @!p0 s9, s7  }
0x5a: {  	p5 =	por p1, p2;
	s9 =	simm.s32 @!p2 $0x5800;
	p1 =	por p6, p0  }
0x5b: {  	[spmem:s2] =	stream.indirect.scatter.add.f32 @!p2 [tilespmem:s9], [sflag:$0x6], $0x10, s5, s10, $0xb8;
	[tilespmem:$0x9800] =	vst v63  }
0x5c: {  	s5 =	simm.s32 @!p5 $0x8;
	s9 =	sshra.s32 @!p1 s30, $0x2  }
0x5d: {  	s26 =	sadd.s32 $0x4, s26;
	s18 =	sadd.s32 @!p1 $0x200, s9;
	_ =	swait.ge @!p5 [sflag:s5], $0x800  }
0x5e: {  	s10 =	simm.s32 @!p3 $0x6800;
	s9 =	sadd.s32 $0x3, s28;
	[sflag:s5] =	ssyncset.done @!p5 $0x0  }
.Ltmp0:
0x5f: {  	[sflag:s5] =	ssyncadd.s32 @!p5 $0xFFFFF800;
	s5 =	simm.s32 @!p3 $0x80;
	(pc) =	sbr.rel @p4 .LBB2_2-.Ltmp0, $4  }
0x60: {  	[tilespmem:s10], [sflag:$0x4] =	stream.indirect.gather @!p3 [hbm4b:s4+s5], $0x10, s8, s5, $0xb8;
	[tilespmem:$0x9800] =	vst v63  }
0x61: {  	p2 =	sge.u32 s9, s7;
	s8 =	simm.s32 @!p0 $0x80;
	_ =	swait.ge @!p0 [sflag:s1], $0x800  }
0x62: {  	s14 =	simm.s32 @!p2 $0x80;
	s5 =	simm.s32 @!p1 $0x5;
	[sflag:s1] =	ssyncset.done @!p0 $0x0  }
0x63: {  	s29 =	sshra.s32 @!p2 s30, $0x2;
	s19 =	simm.s32 @!p2 $0x6800;
	s9 =	sadd.s32 @!p2 $0x5, s28  }
0x64: {  	[sflag:s1] =	ssyncadd.s32 @!p0 $0xFFFFF800  }
0x65: {  	[spmem:s2] =	stream.indirect.scatter.add.f32 @!p0 [tilespmem:s31], [sflag:$0x7], $0x10, s0, s8, $0xb8;
	[tilespmem:$0x9800] =	vst v63  }
0x66: {  	_ =	swait.ge @!p1 [sflag:s5], $0x800  }
0x67: {  	s1 =	simm.s32 @!p1 $0x80;
	[sflag:s5] =	ssyncset.done @!p1 $0x0  }
0x68: {  	s0 =	simm.s32 @!p1 $0x5000;
	s8 =	simm.s32 @!p2 $0x4;
	[sflag:s5] =	ssyncadd.s32 @!p1 $0xFFFFF800  }
0x69: {  	[tilespmem:s0], [sflag:$0x1] =	stream.indirect.gather @!p1 [hbm4b:s4+s1], $0x10, s18, s1, $0xb8;
	[tilespmem:$0x9800] =	vst v63  }
0x6a: {  	p0 =	sge.u32 @!p2 s9, s7;
	_ =	swait.ge @!p2 [sflag:s8], $0x800  }
0x6b: {  	p0 =	por p0, p2;
	[sflag:s8] =	ssyncset.done @!p2 $0x0  }
0x6c: {  	s0 =	sadd.s32 @!p2 $0x2980, s29;
	s1 =	simm.s32 @!p0 $0x6;
	[sflag:s8] =	ssyncadd.s32 @!p2 $0xFFFFF800  }
0x6d: {  	[spmem:s2] =	stream.indirect.scatter.add.f32 @!p2 [tilespmem:s19], [sflag:$0x8], $0x10, s0, s14, $0xb8;
	[tilespmem:$0x9800] =	vst v63  }
0x6e: {  	s5 =	sshra.s32 @!p0 s30, $0x2;
	_ =	swait.ge @!p0 [sflag:s1], $0x800  }
0x6f: {  	s5 =	sadd.s32 @!p0 $0x280, s5;
	[sflag:s1] =	ssyncset.done @!p0 $0x0  }
0x70: {  	s0 =	simm.s32 @!p0 $0x80;
	[sflag:s1] =	ssyncadd.s32 @!p0 $0xFFFFF800;
	s1 =	simm.s32 @!p0 $0x5800  }
0x71: {  	[tilespmem:s1], [sflag:$0x2] =	stream.indirect.gather @!p0 [hbm4b:s4+s0], $0x10, s5, s0, $0xb8;
	[tilespmem:$0x9800] =	vst v63  }
0x72: {  	_ =	swait.ge [sflag:s20], $0x800  }
0x73: {  	[sflag:s20] =	ssyncset.done $0x0  }
0x74: {  	[sflag:s20] =	ssyncadd.s32 $0xFFFFF800  }
0x75: {  	_ =	swait.ge [sflag:s21], $0x800  }
0x76: {  	[sflag:s21] =	ssyncset.done $0x0  }
0x77: {  	[sflag:s21] =	ssyncadd.s32 $0xFFFFF800  }
0x78: {  	_ =	swait.ge [sflag:s22], $0x800  }
0x79: {  	[sflag:s22] =	ssyncset.done $0x0  }
0x7a: {  	[sflag:s22] =	ssyncadd.s32 $0xFFFFF800  }
0x7b: {  	_ =	swait.ge [sflag:s23], $0x800  }
0x7c: {  	[sflag:s23] =	ssyncset.done $0x0  }
0x7d: {  	s24 =	sadd.s32 $0x1, s24;
	[sflag:s23] =	ssyncadd.s32 $0xFFFFF800  }
0x7e: {  	p0 =	sne.s32 s24, s11;
	[bflag:$0x0] =	sbarrier.arrive $0xFFFF  }
.Ltmp1:
0x7f: {  	s31 =	rddreg [dreg:$0x7];
	(pc) =	sbr.rel @p0 .LBB2_1-.Ltmp1, $4  }
0x80: {  	[hbm:s31], [sflag:s6] =	dma.local [spmem:s12], $0x500  }
0x81: {  	_ =	swait.ge [sflag:s13], $0x500  }
0x82: {  	[sflag:s13] =	ssyncset.done $0x0  }
0x83: {  	[sflag:s13] =	ssyncadd.s32 $0xFFFFFB00  }
0x84: {  	_ =	sfence.sel $0x180000  }
0x85: {  	[bflag:$0x0] =	sbarrier.arrive $0xFFFF  }
0x86: {  	_ =	strace $0x9000004D  }
0x87: {  	s0 =	stileid.u32;
	[bflag:$0x2] =	sbarrier.arrive $0xFFFF  }
0x88: {  	p0 =	sne.s32 s0, $0x0;
	s0 =	rddreg [dreg:$0x3]  }
0x89: {  	s0 =	sadd.s32 @!p0 $0x100000, s0  }
0x8a: {  	[sflag:s0] =	ssyncadd.tile.s32 @!p0 $0x1;
	_ =	shalt  }
.Lfunc_end2:
_tile_overlayer_lowered:
.L_overlay_start_2:
0x8b: {  	(tag) =	ssettag $0x2  }
0x8c: {  	s0 =	rddreg [dreg:$0x0];
	s2 =	stileid.u32  }
0x8d: {  	s1 =	rddreg [dreg:$0x1];
	p0 =	sne.s32 s2, $0x0  }
0x8e: {  	s3 =	rddreg [dreg:$0x2];
	[bflag:$0x3] =	sbarrier.arrive $0xFFFF;
	s2 =	simm.s32 @!p0 $0x1C09  }
0x8f: {  	[timem:s3], [sflag:s2] =	dma.local @!p0 [hbm:s0], s1  }
0x90: {  	s0 =	simm.s32 @!p0 $0x9  }
0x91: {  	_ =	swait.ge @!p0 [sflag:s0], s1  }
0x92: {  	s1 =	ssub.s32 @!p0 $0x0, s1;
	[sflag:s0] =	ssyncset.done @!p0 $0x0  }
0x93: {  	[sflag:s0] =	ssyncadd.s32 @!p0 s1  }
0x94: {  	[bflag:$0x3] =	sbarrier.arrive $0xFFFF  }
0x95: {  	_ =	shalt  }

// kernel: kernel.9.cloned.1.call-start
scs
__scs_entry_jumppad:
0x0: {  	(pc) =	sbr.rel $0x88, $3  }
0x1: {  	(tag) =	ssettag $0x0;
	lr =	simm.s32 $0x1  }
0x2: {  	[smem:$0x3F9B] =	sst lr;
	_ =	strace $0xD0000000  }
0x3: {  	_ = 	snop  }
0x4: {  	_ = 	snop  }
0x5: {  	_ = 	snop  }
0x6: {  	_ = 	snop  }
0x7: {  	_ = 	snop  }
__scs_overlays_trampoline_lowered:
0x8: {  	[smem:$0x3FAA] =	sst s0  }
0x9: {  	[smem:$0x3FAB] =	sst s1  }
0xa: {  	[smem:$0x3FAC] =	sst s2  }
0xb: {  	[smem:$0x3FAD] =	sst s3  }
0xc: {  	[smem:$0x3FAE] =	sst s4  }
0xd: {  	[smem:$0x3FAF] =	sst s5  }
0xe: {  	[smem:$0x3FB0] =	sst s6  }
0xf: {  	[smem:$0x3FB1] =	sst s7  }
0x10: {  	[smem:$0x3FB2] =	sst s8  }
0x11: {  	[smem:$0x3FB3] =	sst s9;
	s0 =	simm.s32 @!p0 $0x0  }
0x12: {  	s1 =	sld [smem:$0x3F99];
	s0 =	simm.s32 @p0 $0x1  }
0x13: {  	[smem:$0x3FB4] =	sst s0;
	s0 =	simm.s32 @!p1 $0x0  }
0x14: {  	s2 =	sld [smem:$0x3F98];
	s0 =	simm.s32 @p1 $0x1  }
0x15: {  	[smem:$0x3FB5] =	sst s0;
	s0 =	simm.s32 @!p2 $0x0  }
0x16: {  	s3 =	sld [smem:$0x3FDB];
	s0 =	simm.s32 @p2 $0x1  }
0x17: {  	s4 =	simm.s32 $0x1BF5;
	[smem:$0x3FB7] =	sst s0  }
0x18: {  	s0 =	sld [smem:$0x3F9A];
	_ =	swait.ge [sflag:s4], $0x0  }
0x19: {  	s7 =	sld [smem:$0x3F9B]  }
0x1a: {  	s8 =	sadd.s32 $0xFFFFE003, lr  }
0x1b: {  	s9 =	sadd.s32 $0xFFFFFEF7, lr;
	s5 =	simm.s32 $0xFFFFFFFF;
	p2 =	slt.u32 s8, $0xFFFFF086  }
0x1c: {  	p1 =	slt.u32 s9, $0xF7A;
	s5 =	simm.s32 @!p2 $0x0  }
0x1d: {  	s5 =	simm.s32 @p1 $0x1;
	p0 =	seq.s32 s7, s2  }
0x1e: {  	s7 =	smul.u32 @!p0 $0xF7A, s2;
	p2 =	seq.s32 @!p0 s5, $0x0  }
0x1f: {  	s9 =	smul.u32 $0xF7A, s1;
	s8 =	simm.s32 @!p0 $0x1BF5;
	p2 =	por !p2, p0  }
0x20: {  	[sflag:s8] =	ssyncset.s32 @!p0 $0xFFFFF086;
	s6 =	sadd.s32 @!p0 s3, s7;
	s7 =	simm.s32 @!p0 $0x108  }
0x21: {  	s3 =	sadd.s32 s3, s9;
	s6 =	sadd.s32 @!p0 $0x88, s6;
	s7 =	simm.s32 @p2 $0x1082  }
0x22: {  	[simem:s7], [sflag:s8] =	dma.local @!p0 [hbm:s6], $0xF7A  }
0x23: {  	s9 =	sor.u32 $0xD0000000, s2;
	s6 =	simm.s32 $0x108;
	_ =	swait.ge @!p0 [sflag:s8], $0x0  }
0x24: {  	s3 =	sadd.s32 $0x88, s3;
	s6 =	simm.s32 @!p1 $0x1082;
	[sflag:s4] =	ssyncset.s32 $0xFFFFF086  }
0x25: {  	[simem:s6], [sflag:s4] =	dma.local [hbm:s3], $0xF7A  }
0x26: {  	[smem:$0x3F9B] =	sst s1;
	(tag) =	ssettag s2;
	_ =	strace s9  }
0x27: {  	s1 =	sld [smem:$0x3FAB]  }
0x28: {  	s2 =	sld [smem:$0x3FAC]  }
0x29: {  	s4 =	sld [smem:$0x3FAE]  }
0x2a: {  	p0 =	seq.s32 s5, $0x0;
	s5 =	sld [smem:$0x3FAF]  }
0x2b: {  	s6 =	sld [smem:$0x3FB0]  }
0x2c: {  	s7 =	sld [smem:$0x3FB1]  }
0x2d: {  	s3 =	simm.s32 $0x108;
	s8 =	sld [smem:$0x3FB2]  }
0x2e: {  	s3 =	simm.s32 @!p0 $0x1082;
	s9 =	sld [smem:$0x3FB3]  }
0x2f: {  	lr =	sadd.s32 s0, s3;
	s0 =	sld [smem:$0x3FAA]  }
0x30: {  	s3 =	sld [smem:$0x3FAD]  }
0x31: {  	[smem:$0x3FB6] =	sst s10  }
0x32: {  	s10 =	sld [smem:$0x3FB4];
	_ =	sdelay $0x3  }
0x33: {  	p0 =	seq.s32 s10, $0x1;
	s10 =	sld [smem:$0x3FB6];
	_ =	sdelay $0x3  }
0x34: {  	[smem:$0x3FB6] =	sst s10  }
0x35: {  	s10 =	sld [smem:$0x3FB5];
	_ =	sdelay $0x3  }
0x36: {  	p1 =	seq.s32 s10, $0x1;
	s10 =	sld [smem:$0x3FB6];
	_ =	sdelay $0x3  }
0x37: {  	[smem:$0x3FB6] =	sst s10  }
0x38: {  	s10 =	sld [smem:$0x3FB7]  }
0x39: {  	_ = 	snop;
	(pc) =	sbr.ind lr, $3  }
0x3a: {  	_ = 	snop  }
0x3b: {  	_ = 	snop  }
0x3c: {  	p2 =	seq.s32 s10, $0x1;
	s10 =	sld [smem:$0x3FB6]  }
0x3d: {  	_ =	shalt  }
0x3e: {  	_ =	shalt  }
0x3f: {  	_ =	shalt  }
0x40: {  	_ =	shalt  }
0x41: {  	_ =	shalt  }
0x42: {  	_ =	shalt  }
0x43: {  	_ =	shalt  }
0x44: {  	_ =	shalt  }
0x45: {  	_ =	shalt  }
0x46: {  	_ =	shalt  }
0x47: {  	_ =	shalt  }
0x48: {  	_ =	shalt  }
0x49: {  	_ =	shalt  }
0x4a: {  	_ =	shalt  }
0x4b: {  	_ =	shalt  }
0x4c: {  	_ =	shalt  }
0x4d: {  	_ =	shalt  }
0x4e: {  	_ =	shalt  }
0x4f: {  	_ =	shalt  }
0x50: {  	_ =	shalt  }
0x51: {  	_ =	shalt  }
0x52: {  	_ =	shalt  }
0x53: {  	_ =	shalt  }
0x54: {  	_ =	shalt  }
0x55: {  	_ =	shalt  }
0x56: {  	_ =	shalt  }
0x57: {  	_ =	shalt  }
0x58: {  	_ =	shalt  }
0x59: {  	_ =	shalt  }
0x5a: {  	_ =	shalt  }
0x5b: {  	_ =	shalt  }
0x5c: {  	_ =	shalt  }
0x5d: {  	_ =	shalt  }
0x5e: {  	_ =	shalt  }
0x5f: {  	_ =	shalt  }
0x60: {  	_ =	shalt  }
0x61: {  	_ =	shalt  }
0x62: {  	_ =	shalt  }
0x63: {  	_ =	shalt  }
0x64: {  	_ =	shalt  }
0x65: {  	_ =	shalt  }
0x66: {  	_ =	shalt  }
0x67: {  	_ =	shalt  }
0x68: {  	_ =	shalt  }
0x69: {  	_ =	shalt  }
0x6a: {  	_ =	shalt  }
0x6b: {  	_ =	shalt  }
0x6c: {  	_ =	shalt  }
0x6d: {  	_ =	shalt  }
0x6e: {  	_ =	shalt  }
0x6f: {  	_ =	shalt  }
0x70: {  	_ =	shalt  }
0x71: {  	_ =	shalt  }
0x72: {  	_ =	shalt  }
0x73: {  	_ =	shalt  }
0x74: {  	_ =	shalt  }
0x75: {  	_ =	shalt  }
0x76: {  	_ =	shalt  }
0x77: {  	_ =	shalt  }
0x78: {  	_ =	shalt  }
0x79: {  	_ =	shalt  }
0x7a: {  	_ =	shalt  }
0x7b: {  	_ =	shalt  }
0x7c: {  	_ =	shalt  }
0x7d: {  	_ =	shalt  }
0x7e: {  	_ =	shalt  }
0x7f: {  	_ =	shalt  }
0x80: {  	_ =	shalt  }
0x81: {  	_ =	shalt  }
0x82: {  	_ =	shalt  }
0x83: {  	_ =	shalt  }
0x84: {  	_ =	shalt  }
0x85: {  	_ =	shalt  }
0x86: {  	_ =	shalt  }
0x87: {  	_ =	shalt  }
.Lfunc_end0:
.L_simem_size_0:
called_computation_lowered:
.L_overlay_start_0:
0x88: {  	s2 =	sld [smem:$0x3FD9]  }
0x89: {  	s3 =	sld [smem:$0x3FFE];
	_ =	sdelay $0x1  }
0x8a: {  	s1 =	srdreg.scid  }
0x8b: {  	s0 =	sand.u32 $0x1, s1  }
0x8c: {  	s17 =	sshll.u32 s0, $0xA;
	s2 =	sadd.s32 s3, s2  }
0x8d: {  	s2 =	sadd.s32 s2, s17  }
0x8e: {  	[smem:$0x3FC2] =	sst s2  }
0x8f: {  	_ = 	snop  }
0x90: {  	s2 =	sld [smem:$0x3FD0];
	(tm) =	ssettm $0x1  }
0x91: {  	s18 =	sld [smem:$0x3FFB];
	_ =	sdelay $0x3  }
0x92: {  	_ =	strace s18  }
0x93: {  	s3 =	sld [smem:$0x3FFC];
	_ =	sdelay $0x3  }
0x94: {  	_ =	strace s3  }
0x95: {  	s3 =	sld [smem:$0x3FFD];
	_ =	sdelay $0x3  }
0x96: {  	_ =	strace s3  }
0x97: {  	_ =	strace $0x8FFFFFFF  }
0x98: {  	s19 =	sld [smem:$0x3FDB];
	_ =	sdelay $0x1  }
0x99: {  	s4 =	simm.s32 $_scs_section_size  }
0x9a: {  	s5 =	simm.s32 $_size__tile_overlayer_lowered;
	s6 =	simm.s32 $_tile_overlayer_lowered  }
0x9b: {  	s22 =	simm.s32 $0x1BFF;
	s21 =	sshll.u32 s6, $0x1;
	s3 =	sadd.s32 s4, s19  }
0x9c: {  	s7 =	simm.s32 $0x0;
	s20 =	sshll.u32 s5, $0x1;
	s5 =	sadd.s32 s21, s3  }
0x9d: {  	[timem:s7], [sflag:s22] =	dma.local [hbm:s5], s20  }
0x9e: {  	_ =	swait.ge [sflag:s22], s20  }
0x9f: {  	s4 =	ssub.s32 $0x0, s20;
	[sflag:s22] =	ssyncset.done $0x0  }
0xa0: {  	[sflag:s22] =	ssyncadd.s32 s4;
	_ =	sdelay $0x1  }
0xa1: {  	s23 =	simm.s32 $0x1B8B  }
0xa2: {  	_ =	swait.ge [sflag:s23], $0x1  }
0xa3: {  	[sflag:s23] =	ssyncset.done $0x0  }
0xa4: {  	s25 =	simm.s32 $0x1B8E;
	s24 =	sld [smem:$0x3FFE];
	[sflag:s23] =	ssyncadd.s32 $0xFFFFFFFF  }
0xa5: {  	s26 =	simm.s32 $execute0_lowered;
	[smem:$0x3FD2] =	sst s25  }
0xa6: {  	s5 =	sshll.u32 s26, $0x1;
	_ =	strace $0x80000046;
	[dreg:$0x1] =	wrdreg $0xFFFFFFFF  }
0xa7: {  	s28 =	simm.s32 $_size_execute0_lowered;
	s3 =	sadd.s32 s3, s5;
	[dreg:$0x0] =	wrdreg $0x0  }
0xa8: {  	s5 =	sshll.u32 s28, $0x1;
	[dreg:$0x2] =	wrdreg s3  }
0xa9: {  	[dreg:$0x3] =	wrdreg s5  }
0xaa: {  	[dreg:$0x4] =	wrdreg $0xC0  }
0xab: {  	_ =	task [dreg:s7], $0x5FFFF  }
0xac: {  	[dreg:$0x1] =	wrdreg $0xFFFFFFFF  }
0xad: {  	[dreg:$0x0] =	wrdreg $0x60  }
0xae: {  	[dreg:$0x2] =	wrdreg s24  }
0xaf: {  	[dreg:$0x3] =	wrdreg s2  }
0xb0: {  	[dreg:$0x4] =	wrdreg $0x30000  }
0xb1: {  	[dreg:$0x5] =	wrdreg $0x9  }
0xb2: {  	_ =	task.clear_ibuf [dreg:s7], $0x6FFFF;
	_ =	strace $0x90000046  }
0xb3: {  	s29 =	simm.s32 $0x9;
	_ =	strace $0x80000048  }
0xb4: {  	_ =	swait.ge [sflag:s29], $0x1  }
0xb5: {  	[sflag:s29] =	ssyncadd.s32 $0xFFFFFFFF  }
0xb6: {  	_ =	strace $0x90000048  }
0xb7: {  	_ =	sfence  }
0xb8: {  	s30 =	sld [smem:$0x0];
	_ =	sdelay $0x2  }
0xb9: {  	s31 =	sshll.u32 s1, $0xD;
	s1 =	sshrl.u32 s1, $0x2  }
0xba: {  	s3 =	sand.u32 $0x4000, s31;
	s1 =	sadd.s32 s1, s30  }
0xbb: {  	s0 =	sor.u32 s3, s0;
	s1 =	sshll.u32 s1, $0x11  }
0xbc: {  	s0 =	sor.u32 s1, s0  }
0xbd: {  	s0 =	sadd.s32 $0x8F2B, s0  }
0xbe: {  	[sflag:s0] =	ssyncadd.remote.s32 $0x1  }
0xbf: {  	_ =	sfence.sel $0xFFFF  }
0xc0: {  	[dreg:$0x0] =	wrdreg $0xFFFFFFFF;
	(pc) =	sbr.abs _section_cstart, $3  }
0xc1: {  	[dreg:$0x1] =	wrdreg $0xFFFFFFFF  }
0xc2: {  	_ =	task.clear_ibuf [dreg:s7], $0x2FFFF;
	_ =	strace $0x9FFFFFFF  }
0xc3: {  	(tm) =	ssettm $0x7FFFFFFF  }
tec
execute0_lowered:
.L_overlay_start_1:
0x0: {  	(tag) =	ssettag $0x1  }
0x1: {  	s8 =	rddreg [dreg:$0x0]  }
0x2: {  	s9 =	rddreg [dreg:$0x1]  }
0x3: {  	s1 =	rddreg [dreg:$0x2];
	s3 =	simm.s32 $0x0  }
0x4: {  	s0 =	stileid.u32;
	s4 =	srdreg.scid;
	s17 =	simm.s32 $0x180  }
0x5: {  	s18 =	simm.s32 $0x1;
	s19 =	simm.s32 $0x2;
	s20 =	simm.s32 $0x3  }
0x6: {  	s21 =	simm.s32 $0x4;
	s22 =	simm.s32 $0x0;
	[smem:$0x7FF] =	sst s3  }
0x7: {  	s7 =	smul.u32 $0x2800, s0;
	s5 =	sand.u32 $0x1, s4;
	s6 =	sshll.u32 s0, $0x1  }
0x8: {  	s4 =	sadd.s32 $0x16C00, s8;
	s28 =	sshll.u32 s0, $0x6;
	_ =	strace $0x80000047  }
0x9: {  	s10 =	ssub.s32 $0x2, s5;
	s6 =	sor.u32 s5, s6;
	s15 =	smul.u32 $0x28000, s5  }
0xa: {  	s11 =	sshrl.u32 s7, $0x3;
	s12 =	sshrl.u32 s10, $0x1;
	s13 =	smul.u32 $0xFFFFFFB0, s6  }
0xb: {  	s26 =	smul.u32 $0x2800, s6;
	s14 =	sadd.s32 s7, s1;
	s6 =	sor.u32 $0x1C06, s28  }
0xc: {  	s11 =	sadd.s32 s11, s8;
	s10 =	ssub.s32 s10, s12;
	s30 =	sadd.s32 s7, s15  }
0xd: {  	s12 =	simm.s32 $0x6;
	s15 =	simm.s32 $0x80;
	s5 =	sadd.s32 $0x16E00, s11  }
0xe: {  	p0 =	slt.s32 s13, $0xFFFFF68C;
	s29 =	sshrl.u32 s26, $0x3;
	s31 =	sshrl.u32 s30, $0x3  }
0xf: {  	s10 =	smax.u32 s10, $0x1;
	s11 =	sshrl.u32 s14, $0x3;
	s14 =	simm.s32 $0x5  }
0x10: {  	s13 =	simm.s32 @!p0 $0xFFFFF68C;
	s8 =	sadd.s32 s8, s29;
	s9 =	sadd.s32 s9, s31  }
0x11: {  	s7 =	sadd.s32 $0x9C4, s13;
	s8 =	sadd.s32 $0xCC00, s8;
	s13 =	simm.s32 $0x2800  }
.LBB2_1:
0x12: {  	[spmem:s11], [sflag:s6] =	dma.local [hbm:s5], $0x500  }
0x13: {  	_ =	swait.ge [sflag:s12], $0x500  }
0x14: {  	[sflag:s12] =	ssyncset.done $0x0  }
0x15: {  	[sflag:s12] =	ssyncadd.s32 $0xFFFFFB00  }
0x16: {  	[tilespmem:s13], [sflag:$0x6] =	stream.linear.gather [hbm4b:s4+s3], $0x800, $0x38;
	[tilespmem:$0x5800] =	vst v63  }
0x17: {  	_ =	swait.ge [sflag:s12], $0x800  }
0x18: {  	[sflag:s12] =	ssyncset.done $0x0  }
0x19: {  	[sflag:s12] =	ssyncadd.s32 $0xFFFFF800  }
0x1a: {  	[tilespmem:s3], [sflag:$0x5] =	stream.linear.gather [hbm4b:s8+s3], $0x2800, $0x38;
	[tilespmem:$0x5800] =	vst v63  }
0x1b: {  	_ =	swait.ge [sflag:s14], $0x2800  }
0x1c: {  	[sflag:s14] =	ssyncset.done $0x0  }
0x1d: {  	[sflag:s14] =	ssyncadd.s32 $0xFFFFD800  }
0x1e: {  	[bflag:$0x0] =	sbarrier.arrive $0xFFFF  }
0x1f: {  	[spmem:s1] =	stream.indirect.scatter.add.f32 [tilespmem:s13], [sflag:$0x1], $0x10, s3, s15, $0xb8;
	[tilespmem:$0x5800] =	vst v63  }
0x20: {  	_ = 	snop  }
0x21: {  	[spmem:s1] =	stream.indirect.scatter.add.f32 [tilespmem:s13], [sflag:$0x2], $0x10, s15, s15, $0xb8;
	[tilespmem:$0x5800] =	vst v63  }
0x22: {  	s0 =	simm.s32 $0x100;
	p0 =	sle.u32 s7, $0x4  }
0x23: {  	[spmem:s1] =	stream.indirect.scatter.add.f32 [tilespmem:s13], [sflag:$0x3], $0x10, s0, s15, $0xb8;
	[tilespmem:$0x5800] =	vst v63  }
0x24: {  	s23 =	simm.s32 @!p0 $0x1  }
0x25: {  	[spmem:s1] =	stream.indirect.scatter.add.f32 [tilespmem:s13], [sflag:$0x4], $0x10, s17, s15, $0xb8;
	[tilespmem:$0x5800] =	vst v63  }
0x26: {  	s25 =	simm.s32 $0x200;
	_ =	swait.ge @!p0 [sflag:s23], $0x800  }
0x27: {  	p1 =	sle.u32 s7, $0x5;
	s24 =	simm.s32 @!p0 $0x2800;
	[sflag:s23] =	ssyncset.done @!p0 $0x0  }
0x28: {  	s26 =	simm.s32 @!p0 $0x80;
	[sflag:s23] =	ssyncadd.s32 @!p0 $0xFFFFF800;
	s23 =	simm.s32 @!p1 $0x2  }
0x29: {  	[spmem:s1] =	stream.indirect.scatter.add.f32 @!p0 [tilespmem:s24], [sflag:$0x1], $0x10, s25, s26, $0xb8;
	[tilespmem:$0x5800] =	vst v63  }
0x2a: {  	_ =	swait.ge @!p1 [sflag:s23], $0x800  }
0x2b: {  	s24 =	simm.s32 @!p1 $0x80;
	s26 =	simm.s32 @!p1 $0x2800;
	[sflag:s23] =	ssyncset.done @!p1 $0x0  }
0x2c: {  	p0 =	sle.u32 s7, $0x6;
	[sflag:s23] =	ssyncadd.s32 @!p1 $0xFFFFF800;
	s23 =	simm.s32 @!p1 $0x280  }
0x2d: {  	[spmem:s1] =	stream.indirect.scatter.add.f32 @!p1 [tilespmem:s26], [sflag:$0x2], $0x10, s23, s24, $0xb8;
	[tilespmem:$0x5800] =	vst v63  }
0x2e: {  	s23 =	simm.s32 @!p0 $0x3  }
0x2f: {  	_ =	swait.ge @!p0 [sflag:s23], $0x800  }
0x30: {  	s30 =	simm.s32 $0x8;
	s28 =	simm.s32 @!p0 $0x2800;
	[sflag:s23] =	ssyncset.done @!p0 $0x0  }
0x31: {  	s29 =	simm.s32 @!p0 $0x300;
	s26 =	simm.s32 @!p0 $0x80;
	[sflag:s23] =	ssyncadd.s32 @!p0 $0xFFFFF800  }
0x32: {  	[spmem:s1] =	stream.indirect.scatter.add.f32 @!p0 [tilespmem:s28], [sflag:$0x3], $0x10, s29, s26, $0xb8;
	[tilespmem:$0x5800] =	vst v63  }
0x33: {  	s24 =	simm.s32 $0xB;
	s23 =	simm.s32 $0x400;
	p0 =	sle.u32 s7, $0x7  }
0x34: {  	s26 =	simm.s32 $0xF;
	s28 =	simm.s32 @!p0 $0x2800;
	s29 =	simm.s32 @!p0 $0x4  }
.LBB2_2:
0x35: {  	p2 =	sge.u32 s30, s7;
	_ =	swait.ge @!p0 [sflag:s29], $0x800  }
0x36: {  	s30 =	simm.s32 @!p0 $0x80;
	s31 =	smov.u32 s24;
	s24 =	smov.u32 s26  }
0x37: {  	s2 =	sadd.s32 @!p0 $0x180, s25;
	s0 =	simm.s32 @!p2 $0x1;
	[sflag:s29] =	ssyncset.done @!p0 $0x0  }
0x38: {  	s26 =	sadd.s32 $0x4, s26;
	s25 =	smov.u32 s23;
	[sflag:s29] =	ssyncadd.s32 @!p0 $0xFFFFF800  }
0x39: {  	[spmem:s1] =	stream.indirect.scatter.add.f32 @!p0 [tilespmem:s28], [sflag:$0x4], $0x10, s2, s30, $0xb8;
	[tilespmem:$0x5800] =	vst v63  }
0x3a: {  	s2 =	simm.s32 @!p2 $0x2800;
	s28 =	sadd.s32 $0xFFFFFFFE, s31;
	_ =	swait.ge @!p2 [sflag:s0], $0x800  }
0x3b: {  	s29 =	simm.s32 @!p2 $0x80;
	p0 =	sge.u32 s28, s7;
	[sflag:s0] =	ssyncset.done @!p2 $0x0  }
0x3c: {  	p1 =	sne.s32 s26, $0x53;
	[sflag:s0] =	ssyncadd.s32 @!p2 $0xFFFFF800;
	s0 =	simm.s32 @!p0 $0x2  }
0x3d: {  	[spmem:s1] =	stream.indirect.scatter.add.f32 @!p2 [tilespmem:s2], [sflag:$0x1], $0x10, s23, s29, $0xb8;
	[tilespmem:$0x5800] =	vst v63  }
0x3e: {  	s2 =	simm.s32 @!p0 $0x80;
	s23 =	sadd.s32 $0x200, s23;
	_ =	swait.ge @!p0 [sflag:s0], $0x800  }
0x3f: {  	s28 =	simm.s32 @!p0 $0x2800;
	s29 =	sadd.s32 $0xFFFFFFFF, s31;
	[sflag:s0] =	ssyncset.done @!p0 $0x0  }
0x40: {  	p2 =	sge.u32 s29, s7;
	[sflag:s0] =	ssyncadd.s32 @!p0 $0xFFFFF800;
	s0 =	sadd.s32 @!p0 $0x80, s25  }
0x41: {  	[spmem:s1] =	stream.indirect.scatter.add.f32 @!p0 [tilespmem:s28], [sflag:$0x2], $0x10, s0, s2, $0xb8;
	[tilespmem:$0x5800] =	vst v63  }
.Ltmp0:
0x42: {  	s0 =	simm.s32 @!p2 $0x3;
	s2 =	simm.s32 @!p2 $0x80;
	(pc) =	sbr.rel @p1 .LBB2_2-.Ltmp0, $4  }
0x43: {  	s16 =	simm.s32 @!p2 $0x2800;
	p0 =	sge.u32 s31, s7;
	_ =	swait.ge @!p2 [sflag:s0], $0x800  }
0x44: {  	s31 =	sadd.s32 @!p2 $0x100, s25;
	s28 =	simm.s32 @!p0 $0x2800;
	[sflag:s0] =	ssyncset.done @!p2 $0x0  }
0x45: {  	s30 =	sadd.s32 $0xFFFFFFFD, s24;
	s29 =	simm.s32 @!p0 $0x4;
	[sflag:s0] =	ssyncadd.s32 @!p2 $0xFFFFF800  }
0x46: {  	[spmem:s1] =	stream.indirect.scatter.add.f32 @!p2 [tilespmem:s16], [sflag:$0x3], $0x10, s31, s2, $0xb8;
	[tilespmem:$0x5800] =	vst v63  }
0x47: {  	_ =	swait.ge @!p0 [sflag:s29], $0x800  }
0x48: {  	p1 =	sge.u32 s30, s7;
	s0 =	simm.s32 @!p0 $0x80;
	[sflag:s29] =	ssyncset.done @!p0 $0x0  }
0x49: {  	s16 =	sadd.s32 @!p0 $0x180, s25;
	s2 =	simm.s32 @!p1 $0x1;
	[sflag:s29] =	ssyncadd.s32 @!p0 $0xFFFFF800  }
0x4a: {  	[spmem:s1] =	stream.indirect.scatter.add.f32 @!p0 [tilespmem:s28], [sflag:$0x4], $0x10, s16, s0, $0xb8;
	[tilespmem:$0x5800] =	vst v63  }
0x4b: {  	s30 =	sadd.s32 $0xFFFFFFFE, s24;
	_ =	swait.ge @!p1 [sflag:s2], $0x800  }
0x4c: {  	s16 =	simm.s32 @!p1 $0x2800;
	p0 =	sge.u32 s30, s7;
	[sflag:s2] =	ssyncset.done @!p1 $0x0  }
0x4d: {  	s0 =	simm.s32 @!p1 $0x80;
	[sflag:s2] =	ssyncadd.s32 @!p1 $0xFFFFF800;
	s2 =	simm.s32 @!p0 $0x2  }
0x4e: {  	[spmem:s1] =	stream.indirect.scatter.add.f32 @!p1 [tilespmem:s16], [sflag:$0x1], $0x10, s23, s0, $0xb8;
	[tilespmem:$0x5800] =	vst v63  }
0x4f: {  	s31 =	sadd.s32 $0xFFFFFFFF, s24;
	_ =	swait.ge @!p0 [sflag:s2], $0x800  }
0x50: {  	s0 =	simm.s32 @!p0 $0x80;
	s16 =	simm.s32 @!p0 $0x2800;
	[sflag:s2] =	ssyncset.done @!p0 $0x0  }
0x51: {  	p1 =	sge.u32 s31, s7;
	[sflag:s2] =	ssyncadd.s32 @!p0 $0xFFFFF800;
	s2 =	sadd.s32 @!p0 $0x80, s23  }
0x52: {  	[spmem:s1] =	stream.indirect.scatter.add.f32 @!p0 [tilespmem:s16], [sflag:$0x2], $0x10, s2, s0, $0xb8;
	[tilespmem:$0x5800] =	vst v63  }
0x53: {  	s0 =	simm.s32 @!p1 $0x3  }
0x54: {  	s2 =	simm.s32 @!p1 $0x80;
	_ =	swait.ge @!p1 [sflag:s0], $0x800  }
0x55: {  	s16 =	simm.s32 @!p1 $0x2800;
	p0 =	sge.u32 s24, s7;
	[sflag:s0] =	ssyncset.done @!p1 $0x0  }
0x56: {  	s24 =	sadd.s32 @!p1 $0x100, s23;
	[sflag:s0] =	ssyncadd.s32 @!p1 $0xFFFFF800;
	s0 =	simm.s32 @!p0 $0x4  }
0x57: {  	[spmem:s1] =	stream.indirect.scatter.add.f32 @!p1 [tilespmem:s16], [sflag:$0x3], $0x10, s24, s2, $0xb8;
	[tilespmem:$0x5800] =	vst v63  }
0x58: {  	_ =	swait.ge @!p0 [sflag:s0], $0x800  }
0x59: {  	s23 =	sadd.s32 @!p0 $0x180, s23;
	[sflag:s0] =	ssyncset.done @!p0 $0x0  }
0x5a: {  	s2 =	simm.s32 @!p0 $0x2800;
	s16 =	simm.s32 @!p0 $0x80;
	[sflag:s0] =	ssyncadd.s32 @!p0 $0xFFFFF800  }
0x5b: {  	[spmem:s1] =	stream.indirect.scatter.add.f32 @!p0 [tilespmem:s2], [sflag:$0x4], $0x10, s23, s16, $0xb8;
	[tilespmem:$0x5800] =	vst v63  }
0x5c: {  	_ =	swait.ge [sflag:s18], $0x800  }
0x5d: {  	[sflag:s18] =	ssyncset.done $0x0  }
0x5e: {  	[sflag:s18] =	ssyncadd.s32 $0xFFFFF800  }
0x5f: {  	_ =	swait.ge [sflag:s19], $0x800  }
0x60: {  	[sflag:s19] =	ssyncset.done $0x0  }
0x61: {  	[sflag:s19] =	ssyncadd.s32 $0xFFFFF800  }
0x62: {  	_ =	swait.ge [sflag:s20], $0x800  }
0x63: {  	[sflag:s20] =	ssyncset.done $0x0  }
0x64: {  	[sflag:s20] =	ssyncadd.s32 $0xFFFFF800  }
0x65: {  	_ =	swait.ge [sflag:s21], $0x800  }
0x66: {  	s22 =	sadd.s32 $0x1, s22;
	[sflag:s21] =	ssyncset.done $0x0  }
0x67: {  	p0 =	sne.s32 s22, s10;
	[sflag:s21] =	ssyncadd.s32 $0xFFFFF800  }
.Ltmp1:
0x68: {  	[bflag:$0x0] =	sbarrier.arrive $0xFFFF;
	(pc) =	sbr.rel @p0 .LBB2_1-.Ltmp1, $4  }
0x69: {  	[hbm:s9], [sflag:s6] =	dma.local [spmem:s11], $0x500  }
0x6a: {  	_ =	swait.ge [sflag:s12], $0x500  }
0x6b: {  	[sflag:s12] =	ssyncset.done $0x0  }
0x6c: {  	[sflag:s12] =	ssyncadd.s32 $0xFFFFFB00  }
0x6d: {  	_ =	sfence.sel $0x180000  }
0x6e: {  	[bflag:$0x0] =	sbarrier.arrive $0xFFFF  }
0x6f: {  	_ =	strace $0x90000047  }
0x70: {  	s0 =	stileid.u32;
	[bflag:$0x2] =	sbarrier.arrive $0xFFFF  }
0x71: {  	p0 =	sne.s32 s0, $0x0;
	s0 =	rddreg [dreg:$0x3]  }
0x72: {  	s0 =	sadd.s32 @!p0 $0x100000, s0  }
0x73: {  	[sflag:s0] =	ssyncadd.tile.s32 @!p0 $0x1;
	_ =	shalt  }
.Lfunc_end2:
_tile_overlayer_lowered:
.L_overlay_start_2:
0x74: {  	(tag) =	ssettag $0x2  }
0x75: {  	s0 =	rddreg [dreg:$0x0];
	s2 =	stileid.u32  }
0x76: {  	s1 =	rddreg [dreg:$0x1];
	p0 =	sne.s32 s2, $0x0  }
0x77: {  	s3 =	rddreg [dreg:$0x2];
	[bflag:$0x3] =	sbarrier.arrive $0xFFFF;
	s2 =	simm.s32 @!p0 $0x1C06  }
0x78: {  	[timem:s3], [sflag:s2] =	dma.local @!p0 [hbm:s0], s1  }
0x79: {  	s0 =	simm.s32 @!p0 $0x6  }
0x7a: {  	_ =	swait.ge @!p0 [sflag:s0], s1  }
0x7b: {  	s1 =	ssub.s32 @!p0 $0x0, s1;
	[sflag:s0] =	ssyncset.done @!p0 $0x0  }
0x7c: {  	[sflag:s0] =	ssyncadd.s32 @!p0 s1  }
0x7d: {  	[bflag:$0x3] =	sbarrier.arrive $0xFFFF  }
0x7e: {  	_ =	shalt  }

</sc_bundles>
